<compile_context>
chip_gen: v7x
topology: tpu7x:2x2x1
jax: 0.10.2.dev20260603
libtpu: 0.0.44.dev20260713+nightly
codegen_flags: <defaults>
</compile_context>

<pallas_src>
import functools
import math

import jax
import jax.numpy as jnp
from jax import lax
from jax.experimental import pallas as pl
from jax.experimental.pallas import tpu as pltpu
from jax.experimental.pallas import tpu_sc as plsc

VOCAB = 100000
D = 512
BATCH = 4096
SEQ = 200
N = BATCH * SEQ
NC, NS = 2, 16
NW = NC * NS
ROWS_W = N // NW
CHUNK = 32
NCHUNK = ROWS_W // CHUNK
NBUF = 5
SCALE = math.sqrt(float(D))

_mesh = plsc.VectorSubcoreMesh(
    core_axis_name="c", subcore_axis_name="s", num_cores=NC, num_subcores=NS
)


@functools.partial(
    pl.kernel,
    out_type=jax.ShapeDtypeStruct((N, D), jnp.float32),
    mesh=_mesh,
    scratch_types=[
        pltpu.VMEM((ROWS_W,), jnp.int32),
    ]
    + [pltpu.VMEM((CHUNK, D), jnp.float32) for _ in range(NBUF)]
    + [pltpu.SemaphoreType.DMA for _ in range(2 * NBUF)],
)
def _sc_gather(table_hbm, idx_hbm, out_hbm, idx_v, *bufs_and_sems):
    rows = bufs_and_sems[:NBUF]
    gsem = bufs_and_sems[NBUF : 2 * NBUF]
    ssem = bufs_and_sems[2 * NBUF :]

    wid = lax.axis_index("s") * NC + lax.axis_index("c")
    base = wid * ROWS_W

    pltpu.sync_copy(idx_hbm.at[pl.ds(base, ROWS_W)], idx_v)

    def idx_slice(c):
        return idx_v.at[pl.ds(c * CHUNK, CHUNK)]

    def out_slice(c):
        return out_hbm.at[pl.ds(base + c * CHUNK, CHUNK)]

    for b in range(NBUF):
        pltpu.async_copy(table_hbm.at[idx_slice(b)], rows[b], gsem[b])

    @pl.loop(0, NCHUNK, step=NBUF)
    def _super(c):
        for b in range(NBUF):
            k = c + b
            pltpu.make_async_copy(table_hbm.at[idx_slice(k)], rows[b], gsem[b]).wait()

            @pl.loop(0, CHUNK)
            def _scale_row(r, _b=b):
                row = rows[_b]
                for j in range(D // 16):
                    sl = pl.ds(j * 16, 16)
                    row[r, sl] = row[r, sl] * jnp.float32(SCALE)

            pltpu.async_copy(rows[b], out_slice(k), ssem[b])
        for b in range(NBUF):
            k = c + b + NBUF

            @pl.when(k < NCHUNK)
            def _():
                pltpu.make_async_copy(rows[b], out_slice(k - NBUF), ssem[b]).wait()
                pltpu.async_copy(table_hbm.at[idx_slice(k)], rows[b], gsem[b])

    for b in range(NBUF):
        pltpu.make_async_copy(rows[b], out_slice(NCHUNK - NBUF + b), ssem[b]).wait()


def kernel(x, table):
    out = _sc_gather(table, x.reshape(N))
    return out.reshape(BATCH, SEQ, D)

# --- scband reference (transcript-rebuilt; emitter-appended) ---
"""Pipeline reference for scband-token-embedding-17231408792468 (READ-ONLY COPY).

The authoritative reference and input builder live on the scoring server;
editing this copy changes nothing except your own understanding.
"""

import jax, jax.numpy as jnp
import numpy as np

VOCAB_SIZE = 100000
D_MODEL = 512
BATCH = 4096
SEQ = 200

def setup_inputs(seed: int = 0) -> dict:
    key = jax.random.key(seed)
    k_idx, k_tab = jax.random.split(key)
    x = jax.random.randint(k_idx, (BATCH, SEQ), 0, VOCAB_SIZE, dtype=jnp.int64 if jax.config.read('jax_enable_x64') else jnp.int32)
    table = jax.random.normal(k_tab, (VOCAB_SIZE, D_MODEL), dtype=jnp.float32)
    return {"x": x, "table": table}

def reference(x, table):
    # nn.Embedding lookup followed by scaling with sqrt(d_model)
    emb = jnp.take(table, x, axis=0)
    scale = jnp.sqrt(jnp.asarray(D_MODEL, dtype=jnp.float32))
    return emb * scale

if __name__ == "__main__":
    import jax
    _d = setup_inputs()
    print(jax.jit(kernel)(*tuple(_d.values())))

</pallas_src>

<mosaic_0001>
#map = affine_map<(d0, d1) -> (0, 0)>
#map1 = affine_map<(d0, d1) -> (0)>
module attributes {stable_mosaic.version = 14 : i64} {
  func.func @_sc_gather(%arg0: i32, %arg1: i32, %arg2: memref<100000x512xf32, #tpu.memory_space<hbm>>, %arg3: memref<819200xi32, #tpu.memory_space<hbm>>, %arg4: memref<819200x512xf32, #tpu.memory_space<hbm>>, %arg5: memref<25600xi32, #tpu.memory_space<vmem>>, %arg6: memref<32x512xf32, #tpu.memory_space<vmem>>, %arg7: memref<32x512xf32, #tpu.memory_space<vmem>>, %arg8: memref<32x512xf32, #tpu.memory_space<vmem>>, %arg9: memref<32x512xf32, #tpu.memory_space<vmem>>, %arg10: memref<32x512xf32, #tpu.memory_space<vmem>>, %arg11: memref<!tpu.dma_semaphore, #tpu.memory_space<semaphore_mem>>, %arg12: memref<!tpu.dma_semaphore, #tpu.memory_space<semaphore_mem>>, %arg13: memref<!tpu.dma_semaphore, #tpu.memory_space<semaphore_mem>>, %arg14: memref<!tpu.dma_semaphore, #tpu.memory_space<semaphore_mem>>, %arg15: memref<!tpu.dma_semaphore, #tpu.memory_space<semaphore_mem>>, %arg16: memref<!tpu.dma_semaphore, #tpu.memory_space<semaphore_mem>>, %arg17: memref<!tpu.dma_semaphore, #tpu.memory_space<semaphore_mem>>, %arg18: memref<!tpu.dma_semaphore, #tpu.memory_space<semaphore_mem>>, %arg19: memref<!tpu.dma_semaphore, #tpu.memory_space<semaphore_mem>>, %arg20: memref<!tpu.dma_semaphore, #tpu.memory_space<semaphore_mem>>) attributes {dimension_semantics = [#tpu.dimension_semantics<core_parallel>, #tpu.dimension_semantics<subcore_parallel>], iteration_bounds = array<i64: 2, 16>, scalar_prefetch = 0 : i64, scratch_operands = 16 : i64, tpu.core_type = #tpu.core_type<sc_vector_subcore>, window_params = [{transform_indices = #map}, {transform_indices = #map1}, {transform_indices = #map}]} {
    %mul3A = arith.constant 2 : i32
    %mul3A_0 = arith.muli %arg1, %mul3A : i32
    %add3A = arith.addi %mul3A_0, %arg0 : i32
    %mul3A_1 = arith.constant 25600 : i32
    %mul3A_2 = arith.muli %add3A, %mul3A_1 : i32
    "tpu.region"() ({
      %run_scoped3A = tpu.sem_alloc : memref<!tpu.dma_semaphore, #tpu.memory_space<semaphore_mem>>
      %dma_start3A_60 = tpu.memref_slice %arg3[%mul3A_2] : memref<819200xi32, #tpu.memory_space<hbm>> -> memref<25600xi32, #tpu.memory_space<hbm>>
      %dma_start3A_61 = tpu.memref_slice %arg3[%mul3A_2] : memref<819200xi32, #tpu.memory_space<hbm>> -> memref<25600xi32, #tpu.memory_space<hbm>>
      tpu.enqueue_dma source(%dma_start3A_61 : memref<25600xi32, #tpu.memory_space<hbm>>) target(%arg5 : memref<25600xi32, #tpu.memory_space<vmem>>) target_semaphore(%run_scoped3A : memref<!tpu.dma_semaphore, #tpu.memory_space<semaphore_mem>>)
      %dma_wait3A_62 = tpu.memref_slice %arg3[%mul3A_2] : memref<819200xi32, #tpu.memory_space<hbm>> -> memref<25600xi32, #tpu.memory_space<hbm>>
      %dma_wait3A_63 = tpu.memref_slice %arg3[%mul3A_2] : memref<819200xi32, #tpu.memory_space<hbm>> -> memref<25600xi32, #tpu.memory_space<hbm>>
      tpu.wait_dma2 semaphore(%run_scoped3A : memref<!tpu.dma_semaphore, #tpu.memory_space<semaphore_mem>>) src(%dma_wait3A_63 : memref<25600xi32, #tpu.memory_space<hbm>>) dst(%arg5 : memref<25600xi32, #tpu.memory_space<vmem>>)
      tpu.yield
    }) : () -> ()
    %dma_start3A = arith.constant 0 : i32
    %dma_start3A_3 = tpu.memref_slice %arg5[%dma_start3A] : memref<25600xi32, #tpu.memory_space<vmem>> -> memref<32xi32, #tpu.memory_space<vmem>>
    %dma_start3A_4 = arith.constant 0 : i32
    %dma_start3A_5 = arith.constant 0 : i32
    %dma_start3A_6 = tpu.memref_slice %arg2[%dma_start3A_4, %dma_start3A_5] : memref<100000x512xf32, #tpu.memory_space<hbm>> -> memref<100000x512xf32, #tpu.memory_space<hbm>>
    tpu.enqueue_indirect_dma source(%dma_start3A_6 : memref<100000x512xf32, #tpu.memory_space<hbm>>) target(%arg6 : memref<32x512xf32, #tpu.memory_space<vmem>>) offsets(%dma_start3A_3 : memref<32xi32, #tpu.memory_space<vmem>>) semaphore(%arg11 : memref<!tpu.dma_semaphore, #tpu.memory_space<semaphore_mem>>)
    %dma_start3A_7 = arith.constant 32 : i32
    %dma_start3A_8 = tpu.memref_slice %arg5[%dma_start3A_7] : memref<25600xi32, #tpu.memory_space<vmem>> -> memref<32xi32, #tpu.memory_space<vmem>>
    %dma_start3A_9 = arith.constant 0 : i32
    %dma_start3A_10 = arith.constant 0 : i32
    %dma_start3A_11 = tpu.memref_slice %arg2[%dma_start3A_9, %dma_start3A_10] : memref<100000x512xf32, #tpu.memory_space<hbm>> -> memref<100000x512xf32, #tpu.memory_space<hbm>>
    tpu.enqueue_indirect_dma source(%dma_start3A_11 : memref<100000x512xf32, #tpu.memory_space<hbm>>) target(%arg7 : memref<32x512xf32, #tpu.memory_space<vmem>>) offsets(%dma_start3A_8 : memref<32xi32, #tpu.memory_space<vmem>>) semaphore(%arg12 : memref<!tpu.dma_semaphore, #tpu.memory_space<semaphore_mem>>)
    %dma_start3A_12 = arith.constant 64 : i32
    %dma_start3A_13 = tpu.memref_slice %arg5[%dma_start3A_12] : memref<25600xi32, #tpu.memory_space<vmem>> -> memref<32xi32, #tpu.memory_space<vmem>>
    %dma_start3A_14 = arith.constant 0 : i32
    %dma_start3A_15 = arith.constant 0 : i32
    %dma_start3A_16 = tpu.memref_slice %arg2[%dma_start3A_14, %dma_start3A_15] : memref<100000x512xf32, #tpu.memory_space<hbm>> -> memref<100000x512xf32, #tpu.memory_space<hbm>>
    tpu.enqueue_indirect_dma source(%dma_start3A_16 : memref<100000x512xf32, #tpu.memory_space<hbm>>) target(%arg8 : memref<32x512xf32, #tpu.memory_space<vmem>>) offsets(%dma_start3A_13 : memref<32xi32, #tpu.memory_space<vmem>>) semaphore(%arg13 : memref<!tpu.dma_semaphore, #tpu.memory_space<semaphore_mem>>)
    %dma_start3A_17 = arith.constant 96 : i32
    %dma_start3A_18 = tpu.memref_slice %arg5[%dma_start3A_17] : memref<25600xi32, #tpu.memory_space<vmem>> -> memref<32xi32, #tpu.memory_space<vmem>>
    %dma_start3A_19 = arith.constant 0 : i32
    %dma_start3A_20 = arith.constant 0 : i32
    %dma_start3A_21 = tpu.memref_slice %arg2[%dma_start3A_19, %dma_start3A_20] : memref<100000x512xf32, #tpu.memory_space<hbm>> -> memref<100000x512xf32, #tpu.memory_space<hbm>>
    tpu.enqueue_indirect_dma source(%dma_start3A_21 : memref<100000x512xf32, #tpu.memory_space<hbm>>) target(%arg9 : memref<32x512xf32, #tpu.memory_space<vmem>>) offsets(%dma_start3A_18 : memref<32xi32, #tpu.memory_space<vmem>>) semaphore(%arg14 : memref<!tpu.dma_semaphore, #tpu.memory_space<semaphore_mem>>)
    %dma_start3A_22 = arith.constant 128 : i32
    %dma_start3A_23 = tpu.memref_slice %arg5[%dma_start3A_22] : memref<25600xi32, #tpu.memory_space<vmem>> -> memref<32xi32, #tpu.memory_space<vmem>>
    %dma_start3A_24 = arith.constant 0 : i32
    %dma_start3A_25 = arith.constant 0 : i32
    %dma_start3A_26 = tpu.memref_slice %arg2[%dma_start3A_24, %dma_start3A_25] : memref<100000x512xf32, #tpu.memory_space<hbm>> -> memref<100000x512xf32, #tpu.memory_space<hbm>>
    tpu.enqueue_indirect_dma source(%dma_start3A_26 : memref<100000x512xf32, #tpu.memory_space<hbm>>) target(%arg10 : memref<32x512xf32, #tpu.memory_space<vmem>>) offsets(%dma_start3A_23 : memref<32xi32, #tpu.memory_space<vmem>>) semaphore(%arg15 : memref<!tpu.dma_semaphore, #tpu.memory_space<semaphore_mem>>)
    %scan3A = arith.constant 0 : i32
    %scan3A_27 = arith.constant 160 : i32
    %scan3A_28 = arith.addi %scan3A, %scan3A_27 : i32
    %scan3A_29 = arith.constant 1 : i32
    scf.for %scan3A_60 = %scan3A to %scan3A_28 step %scan3A_29  : i32 {
      %mul3A_61 = arith.constant 5 : i32
      %mul3A_62 = arith.muli %scan3A_60, %mul3A_61 : i32
      %add3A_63 = arith.constant 0 : i32
      %add3A_64 = arith.addi %add3A_63, %mul3A_62 : i32
      %add3A_65 = arith.constant 0 : i32
      %add3A_66 = arith.addi %add3A_64, %add3A_65 : i32
      %mul3A_67 = arith.constant 32 : i32
      %mul3A_68 = arith.muli %add3A_66, %mul3A_67 : i32
      %dma_wait3A_69 = tpu.memref_slice %arg5[%mul3A_68] : memref<25600xi32, #tpu.memory_space<vmem>> -> memref<32xi32, #tpu.memory_space<vmem>>
      %dma_wait3A_70 = arith.constant 0 : i32
      %dma_wait3A_71 = arith.constant 0 : i32
      %dma_wait3A_72 = tpu.memref_slice %arg2[%dma_wait3A_70, %dma_wait3A_71] : memref<100000x512xf32, #tpu.memory_space<hbm>> -> memref<100000x512xf32, #tpu.memory_space<hbm>>
      tpu.wait_indirect_dma semaphore(%arg11 : memref<!tpu.dma_semaphore, #tpu.memory_space<semaphore_mem>>) src(%dma_wait3A_72 : memref<100000x512xf32, #tpu.memory_space<hbm>>) dst(%arg6 : memref<32x512xf32, #tpu.memory_space<vmem>>)
      %scan3A_73 = arith.constant 0 : i32
      %scan3A_74 = arith.constant 32 : i32
      %scan3A_75 = arith.addi %scan3A_73, %scan3A_74 : i32
      %scan3A_76 = arith.constant 1 : i32
      scf.for %scan3A_207 = %scan3A_73 to %scan3A_75 step %scan3A_76  : i32 {
        %mul3A_208 = arith.constant 1 : i32
        %mul3A_209 = arith.muli %scan3A_207, %mul3A_208 : i32
        %add3A_210 = arith.constant 0 : i32
        %add3A_211 = arith.addi %add3A_210, %mul3A_209 : i32
        %get3A = arith.index_cast %add3A_211 : i32 to index
        %get3A_212 = arith.constant 0 : index
        %get3A_213 = tpu.vector_load %arg6[%get3A, %get3A_212] {strides = array<i32>} : memref<32x512xf32, #tpu.memory_space<vmem>>, vector<1x16xf32>,
        %get3A_214 = vector.shape_cast %get3A_213 : vector<1x16xf32> to vector<16xf32>
        %mul3A_215 = arith.constant 22.6274166 : f32
        %mul3A_216 = vector.broadcast %mul3A_215 : f32 to vector<16xf32>
        %mul3A_217 = arith.mulf %get3A_214, %mul3A_216 : vector<16xf32>
        %swap3A = arith.index_cast %add3A_211 : i32 to index
        %swap3A_218 = arith.constant 0 : index
        %swap3A_219 = tpu.vector_load %arg6[%swap3A, %swap3A_218] {strides = array<i32>} : memref<32x512xf32, #tpu.memory_space<vmem>>, vector<1x16xf32>,
        %swap3A_220 = vector.shape_cast %swap3A_219 : vector<1x16xf32> to vector<16xf32>
        %swap3A_221 = vector.shape_cast %mul3A_217 : vector<16xf32> to vector<1x16xf32>
        tpu.vector_store %arg6[%swap3A, %swap3A_218], %swap3A_221 {strides = array<i32>} : memref<32x512xf32, #tpu.memory_space<vmem>>, vector<1x16xf32>,
        %get3A_222 = arith.index_cast %add3A_211 : i32 to index
        %get3A_223 = arith.constant 16 : index
        %get3A_224 = tpu.vector_load %arg6[%get3A_222, %get3A_223] {strides = array<i32>} : memref<32x512xf32, #tpu.memory_space<vmem>>, vector<1x16xf32>,
        %get3A_225 = vector.shape_cast %get3A_224 : vector<1x16xf32> to vector<16xf32>
        %mul3A_226 = arith.constant 22.6274166 : f32
        %mul3A_227 = vector.broadcast %mul3A_226 : f32 to vector<16xf32>
        %mul3A_228 = arith.mulf %get3A_225, %mul3A_227 : vector<16xf32>
        %swap3A_229 = arith.index_cast %add3A_211 : i32 to index
        %swap3A_230 = arith.constant 16 : index
        %swap3A_231 = tpu.vector_load %arg6[%swap3A_229, %swap3A_230] {strides = array<i32>} : memref<32x512xf32, #tpu.memory_space<vmem>>, vector<1x16xf32>,
        %swap3A_232 = vector.shape_cast %swap3A_231 : vector<1x16xf32> to vector<16xf32>
        %swap3A_233 = vector.shape_cast %mul3A_228 : vector<16xf32> to vector<1x16xf32>
        tpu.vector_store %arg6[%swap3A_229, %swap3A_230], %swap3A_233 {strides = array<i32>} : memref<32x512xf32, #tpu.memory_space<vmem>>, vector<1x16xf32>,
        %get3A_234 = arith.index_cast %add3A_211 : i32 to index
        %get3A_235 = arith.constant 32 : index
        %get3A_236 = tpu.vector_load %arg6[%get3A_234, %get3A_235] {strides = array<i32>} : memref<32x512xf32, #tpu.memory_space<vmem>>, vector<1x16xf32>,
        %get3A_237 = vector.shape_cast %get3A_236 : vector<1x16xf32> to vector<16xf32>
        %mul3A_238 = arith.constant 22.6274166 : f32
        %mul3A_239 = vector.broadcast %mul3A_238 : f32 to vector<16xf32>
        %mul3A_240 = arith.mulf %get3A_237, %mul3A_239 : vector<16xf32>
        %swap3A_241 = arith.index_cast %add3A_211 : i32 to index
        %swap3A_242 = arith.constant 32 : index
        %swap3A_243 = tpu.vector_load %arg6[%swap3A_241, %swap3A_242] {strides = array<i32>} : memref<32x512xf32, #tpu.memory_space<vmem>>, vector<1x16xf32>,
        %swap3A_244 = vector.shape_cast %swap3A_243 : vector<1x16xf32> to vector<16xf32>
        %swap3A_245 = vector.shape_cast %mul3A_240 : vector<16xf32> to vector<1x16xf32>
        tpu.vector_store %arg6[%swap3A_241, %swap3A_242], %swap3A_245 {strides = array<i32>} : memref<32x512xf32, #tpu.memory_space<vmem>>, vector<1x16xf32>,
        %get3A_246 = arith.index_cast %add3A_211 : i32 to index
        %get3A_247 = arith.constant 48 : index
        %get3A_248 = tpu.vector_load %arg6[%get3A_246, %get3A_247] {strides = array<i32>} : memref<32x512xf32, #tpu.memory_space<vmem>>, vector<1x16xf32>,
        %get3A_249 = vector.shape_cast %get3A_248 : vector<1x16xf32> to vector<16xf32>
        %mul3A_250 = arith.constant 22.6274166 : f32
        %mul3A_251 = vector.broadcast %mul3A_250 : f32 to vector<16xf32>
        %mul3A_252 = arith.mulf %get3A_249, %mul3A_251 : vector<16xf32>
        %swap3A_253 = arith.index_cast %add3A_211 : i32 to index
        %swap3A_254 = arith.constant 48 : index
        %swap3A_255 = tpu.vector_load %arg6[%swap3A_253, %swap3A_254] {strides = array<i32>} : memref<32x512xf32, #tpu.memory_space<vmem>>, vector<1x16xf32>,
        %swap3A_256 = vector.shape_cast %swap3A_255 : vector<1x16xf32> to vector<16xf32>
        %swap3A_257 = vector.shape_cast %mul3A_252 : vector<16xf32> to vector<1x16xf32>
        tpu.vector_store %arg6[%swap3A_253, %swap3A_254], %swap3A_257 {strides = array<i32>} : memref<32x512xf32, #tpu.memory_space<vmem>>, vector<1x16xf32>,
        %get3A_258 = arith.index_cast %add3A_211 : i32 to index
        %get3A_259 = arith.constant 64 : index
        %get3A_260 = tpu.vector_load %arg6[%get3A_258, %get3A_259] {strides = array<i32>} : memref<32x512xf32, #tpu.memory_space<vmem>>, vector<1x16xf32>,
        %get3A_261 = vector.shape_cast %get3A_260 : vector<1x16xf32> to vector<16xf32>
        %mul3A_262 = arith.constant 22.6274166 : f32
        %mul3A_263 = vector.broadcast %mul3A_262 : f32 to vector<16xf32>
        %mul3A_264 = arith.mulf %get3A_261, %mul3A_263 : vector<16xf32>
        %swap3A_265 = arith.index_cast %add3A_211 : i32 to index
        %swap3A_266 = arith.constant 64 : index
        %swap3A_267 = tpu.vector_load %arg6[%swap3A_265, %swap3A_266] {strides = array<i32>} : memref<32x512xf32, #tpu.memory_space<vmem>>, vector<1x16xf32>,
        %swap3A_268 = vector.shape_cast %swap3A_267 : vector<1x16xf32> to vector<16xf32>
        %swap3A_269 = vector.shape_cast %mul3A_264 : vector<16xf32> to vector<1x16xf32>
        tpu.vector_store %arg6[%swap3A_265, %swap3A_266], %swap3A_269 {strides = array<i32>} : memref<32x512xf32, #tpu.memory_space<vmem>>, vector<1x16xf32>,
        %get3A_270 = arith.index_cast %add3A_211 : i32 to index
        %get3A_271 = arith.constant 80 : index
        %get3A_272 = tpu.vector_load %arg6[%get3A_270, %get3A_271] {strides = array<i32>} : memref<32x512xf32, #tpu.memory_space<vmem>>, vector<1x16xf32>,
        %get3A_273 = vector.shape_cast %get3A_272 : vector<1x16xf32> to vector<16xf32>
        %mul3A_274 = arith.constant 22.6274166 : f32
        %mul3A_275 = vector.broadcast %mul3A_274 : f32 to vector<16xf32>
        %mul3A_276 = arith.mulf %get3A_273, %mul3A_275 : vector<16xf32>
        %swap3A_277 = arith.index_cast %add3A_211 : i32 to index
        %swap3A_278 = arith.constant 80 : index
        %swap3A_279 = tpu.vector_load %arg6[%swap3A_277, %swap3A_278] {strides = array<i32>} : memref<32x512xf32, #tpu.memory_space<vmem>>, vector<1x16xf32>,
        %swap3A_280 = vector.shape_cast %swap3A_279 : vector<1x16xf32> to vector<16xf32>
        %swap3A_281 = vector.shape_cast %mul3A_276 : vector<16xf32> to vector<1x16xf32>
        tpu.vector_store %arg6[%swap3A_277, %swap3A_278], %swap3A_281 {strides = array<i32>} : memref<32x512xf32, #tpu.memory_space<vmem>>, vector<1x16xf32>,
        %get3A_282 = arith.index_cast %add3A_211 : i32 to index
        %get3A_283 = arith.constant 96 : index
        %get3A_284 = tpu.vector_load %arg6[%get3A_282, %get3A_283] {strides = array<i32>} : memref<32x512xf32, #tpu.memory_space<vmem>>, vector<1x16xf32>,
        %get3A_285 = vector.shape_cast %get3A_284 : vector<1x16xf32> to vector<16xf32>
        %mul3A_286 = arith.constant 22.6274166 : f32
        %mul3A_287 = vector.broadcast %mul3A_286 : f32 to vector<16xf32>
        %mul3A_288 = arith.mulf %get3A_285, %mul3A_287 : vector<16xf32>
        %swap3A_289 = arith.index_cast %add3A_211 : i32 to index
        %swap3A_290 = arith.constant 96 : index
        %swap3A_291 = tpu.vector_load %arg6[%swap3A_289, %swap3A_290] {strides = array<i32>} : memref<32x512xf32, #tpu.memory_space<vmem>>, vector<1x16xf32>,
        %swap3A_292 = vector.shape_cast %swap3A_291 : vector<1x16xf32> to vector<16xf32>
        %swap3A_293 = vector.shape_cast %mul3A_288 : vector<16xf32> to vector<1x16xf32>
        tpu.vector_store %arg6[%swap3A_289, %swap3A_290], %swap3A_293 {strides = array<i32>} : memref<32x512xf32, #tpu.memory_space<vmem>>, vector<1x16xf32>,
        %get3A_294 = arith.index_cast %add3A_211 : i32 to index
        %get3A_295 = arith.constant 112 : index
        %get3A_296 = tpu.vector_load %arg6[%get3A_294, %get3A_295] {strides = array<i32>} : memref<32x512xf32, #tpu.memory_space<vmem>>, vector<1x16xf32>,
        %get3A_297 = vector.shape_cast %get3A_296 : vector<1x16xf32> to vector<16xf32>
        %mul3A_298 = arith.constant 22.6274166 : f32
        %mul3A_299 = vector.broadcast %mul3A_298 : f32 to vector<16xf32>
        %mul3A_300 = arith.mulf %get3A_297, %mul3A_299 : vector<16xf32>
        %swap3A_301 = arith.index_cast %add3A_211 : i32 to index
        %swap3A_302 = arith.constant 112 : index
        %swap3A_303 = tpu.vector_load %arg6[%swap3A_301, %swap3A_302] {strides = array<i32>} : memref<32x512xf32, #tpu.memory_space<vmem>>, vector<1x16xf32>,
        %swap3A_304 = vector.shape_cast %swap3A_303 : vector<1x16xf32> to vector<16xf32>
        %swap3A_305 = vector.shape_cast %mul3A_300 : vector<16xf32> to vector<1x16xf32>
        tpu.vector_store %arg6[%swap3A_301, %swap3A_302], %swap3A_305 {strides = array<i32>} : memref<32x512xf32, #tpu.memory_space<vmem>>, vector<1x16xf32>,
        %get3A_306 = arith.index_cast %add3A_211 : i32 to index
        %get3A_307 = arith.constant 128 : index
        %get3A_308 = tpu.vector_load %arg6[%get3A_306, %get3A_307] {strides = array<i32>} : memref<32x512xf32, #tpu.memory_space<vmem>>, vector<1x16xf32>,
        %get3A_309 = vector.shape_cast %get3A_308 : vector<1x16xf32> to vector<16xf32>
        %mul3A_310 = arith.constant 22.6274166 : f32
        %mul3A_311 = vector.broadcast %mul3A_310 : f32 to vector<16xf32>
        %mul3A_312 = arith.mulf %get3A_309, %mul3A_311 : vector<16xf32>
        %swap3A_313 = arith.index_cast %add3A_211 : i32 to index
        %swap3A_314 = arith.constant 128 : index
        %swap3A_315 = tpu.vector_load %arg6[%swap3A_313, %swap3A_314] {strides = array<i32>} : memref<32x512xf32, #tpu.memory_space<vmem>>, vector<1x16xf32>,
        %swap3A_316 = vector.shape_cast %swap3A_315 : vector<1x16xf32> to vector<16xf32>
        %swap3A_317 = vector.shape_cast %mul3A_312 : vector<16xf32> to vector<1x16xf32>
        tpu.vector_store %arg6[%swap3A_313, %swap3A_314], %swap3A_317 {strides = array<i32>} : memref<32x512xf32, #tpu.memory_space<vmem>>, vector<1x16xf32>,
        %get3A_318 = arith.index_cast %add3A_211 : i32 to index
        %get3A_319 = arith.constant 144 : index
        %get3A_320 = tpu.vector_load %arg6[%get3A_318, %get3A_319] {strides = array<i32>} : memref<32x512xf32, #tpu.memory_space<vmem>>, vector<1x16xf32>,
        %get3A_321 = vector.shape_cast %get3A_320 : vector<1x16xf32> to vector<16xf32>
        %mul3A_322 = arith.constant 22.6274166 : f32
        %mul3A_323 = vector.broadcast %mul3A_322 : f32 to vector<16xf32>
        %mul3A_324 = arith.mulf %get3A_321, %mul3A_323 : vector<16xf32>
        %swap3A_325 = arith.index_cast %add3A_211 : i32 to index
        %swap3A_326 = arith.constant 144 : index
        %swap3A_327 = tpu.vector_load %arg6[%swap3A_325, %swap3A_326] {strides = array<i32>} : memref<32x512xf32, #tpu.memory_space<vmem>>, vector<1x16xf32>,
        %swap3A_328 = vector.shape_cast %swap3A_327 : vector<1x16xf32> to vector<16xf32>
        %swap3A_329 = vector.shape_cast %mul3A_324 : vector<16xf32> to vector<1x16xf32>
        tpu.vector_store %arg6[%swap3A_325, %swap3A_326], %swap3A_329 {strides = array<i32>} : memref<32x512xf32, #tpu.memory_space<vmem>>, vector<1x16xf32>,
        %get3A_330 = arith.index_cast %add3A_211 : i32 to index
        %get3A_331 = arith.constant 160 : index
        %get3A_332 = tpu.vector_load %arg6[%get3A_330, %get3A_331] {strides = array<i32>} : memref<32x512xf32, #tpu.memory_space<vmem>>, vector<1x16xf32>,
        %get3A_333 = vector.shape_cast %get3A_332 : vector<1x16xf32> to vector<16xf32>
        %mul3A_334 = arith.constant 22.6274166 : f32
        %mul3A_335 = vector.broadcast %mul3A_334 : f32 to vector<16xf32>
        %mul3A_336 = arith.mulf %get3A_333, %mul3A_335 : vector<16xf32>
        %swap3A_337 = arith.index_cast %add3A_211 : i32 to index
        %swap3A_338 = arith.constant 160 : index
        %swap3A_339 = tpu.vector_load %arg6[%swap3A_337, %swap3A_338] {strides = array<i32>} : memref<32x512xf32, #tpu.memory_space<vmem>>, vector<1x16xf32>,
        %swap3A_340 = vector.shape_cast %swap3A_339 : vector<1x16xf32> to vector<16xf32>
        %swap3A_341 = vector.shape_cast %mul3A_336 : vector<16xf32> to vector<1x16xf32>
        tpu.vector_store %arg6[%swap3A_337, %swap3A_338], %swap3A_341 {strides = array<i32>} : memref<32x512xf32, #tpu.memory_space<vmem>>, vector<1x16xf32>,
        %get3A_342 = arith.index_cast %add3A_211 : i32 to index
        %get3A_343 = arith.constant 176 : index
        %get3A_344 = tpu.vector_load %arg6[%get3A_342, %get3A_343] {strides = array<i32>} : memref<32x512xf32, #tpu.memory_space<vmem>>, vector<1x16xf32>,
        %get3A_345 = vector.shape_cast %get3A_344 : vector<1x16xf32> to vector<16xf32>
        %mul3A_346 = arith.constant 22.6274166 : f32
        %mul3A_347 = vector.broadcast %mul3A_346 : f32 to vector<16xf32>
        %mul3A_348 = arith.mulf %get3A_345, %mul3A_347 : vector<16xf32>
        %swap3A_349 = arith.index_cast %add3A_211 : i32 to index
        %swap3A_350 = arith.constant 176 : index
        %swap3A_351 = tpu.vector_load %arg6[%swap3A_349, %swap3A_350] {strides = array<i32>} : memref<32x512xf32, #tpu.memory_space<vmem>>, vector<1x16xf32>,
        %swap3A_352 = vector.shape_cast %swap3A_351 : vector<1x16xf32> to vector<16xf32>
        %swap3A_353 = vector.shape_cast %mul3A_348 : vector<16xf32> to vector<1x16xf32>
        tpu.vector_store %arg6[%swap3A_349, %swap3A_350], %swap3A_353 {strides = array<i32>} : memref<32x512xf32, #tpu.memory_space<vmem>>, vector<1x16xf32>,
        %get3A_354 = arith.index_cast %add3A_211 : i32 to index
        %get3A_355 = arith.constant 192 : index
        %get3A_356 = tpu.vector_load %arg6[%get3A_354, %get3A_355] {strides = array<i32>} : memref<32x512xf32, #tpu.memory_space<vmem>>, vector<1x16xf32>,
        %get3A_357 = vector.shape_cast %get3A_356 : vector<1x16xf32> to vector<16xf32>
        %mul3A_358 = arith.constant 22.6274166 : f32
        %mul3A_359 = vector.broadcast %mul3A_358 : f32 to vector<16xf32>
        %mul3A_360 = arith.mulf %get3A_357, %mul3A_359 : vector<16xf32>
        %swap3A_361 = arith.index_cast %add3A_211 : i32 to index
        %swap3A_362 = arith.constant 192 : index
        %swap3A_363 = tpu.vector_load %arg6[%swap3A_361, %swap3A_362] {strides = array<i32>} : memref<32x512xf32, #tpu.memory_space<vmem>>, vector<1x16xf32>,
        %swap3A_364 = vector.shape_cast %swap3A_363 : vector<1x16xf32> to vector<16xf32>
        %swap3A_365 = vector.shape_cast %mul3A_360 : vector<16xf32> to vector<1x16xf32>
        tpu.vector_store %arg6[%swap3A_361, %swap3A_362], %swap3A_365 {strides = array<i32>} : memref<32x512xf32, #tpu.memory_space<vmem>>, vector<1x16xf32>,
        %get3A_366 = arith.index_cast %add3A_211 : i32 to index
        %get3A_367 = arith.constant 208 : index
        %get3A_368 = tpu.vector_load %arg6[%get3A_366, %get3A_367] {strides = array<i32>} : memref<32x512xf32, #tpu.memory_space<vmem>>, vector<1x16xf32>,
        %get3A_369 = vector.shape_cast %get3A_368 : vector<1x16xf32> to vector<16xf32>
        %mul3A_370 = arith.constant 22.6274166 : f32
        %mul3A_371 = vector.broadcast %mul3A_370 : f32 to vector<16xf32>
        %mul3A_372 = arith.mulf %get3A_369, %mul3A_371 : vector<16xf32>
        %swap3A_373 = arith.index_cast %add3A_211 : i32 to index
        %swap3A_374 = arith.constant 208 : index
        %swap3A_375 = tpu.vector_load %arg6[%swap3A_373, %swap3A_374] {strides = array<i32>} : memref<32x512xf32, #tpu.memory_space<vmem>>, vector<1x16xf32>,
        %swap3A_376 = vector.shape_cast %swap3A_375 : vector<1x16xf32> to vector<16xf32>
        %swap3A_377 = vector.shape_cast %mul3A_372 : vector<16xf32> to vector<1x16xf32>
        tpu.vector_store %arg6[%swap3A_373, %swap3A_374], %swap3A_377 {strides = array<i32>} : memref<32x512xf32, #tpu.memory_space<vmem>>, vector<1x16xf32>,
        %get3A_378 = arith.index_cast %add3A_211 : i32 to index
        %get3A_379 = arith.constant 224 : index
        %get3A_380 = tpu.vector_load %arg6[%get3A_378, %get3A_379] {strides = array<i32>} : memref<32x512xf32, #tpu.memory_space<vmem>>, vector<1x16xf32>,
        %get3A_381 = vector.shape_cast %get3A_380 : vector<1x16xf32> to vector<16xf32>
        %mul3A_382 = arith.constant 22.6274166 : f32
        %mul3A_383 = vector.broadcast %mul3A_382 : f32 to vector<16xf32>
        %mul3A_384 = arith.mulf %get3A_381, %mul3A_383 : vector<16xf32>
        %swap3A_385 = arith.index_cast %add3A_211 : i32 to index
        %swap3A_386 = arith.constant 224 : index
        %swap3A_387 = tpu.vector_load %arg6[%swap3A_385, %swap3A_386] {strides = array<i32>} : memref<32x512xf32, #tpu.memory_space<vmem>>, vector<1x16xf32>,
        %swap3A_388 = vector.shape_cast %swap3A_387 : vector<1x16xf32> to vector<16xf32>
        %swap3A_389 = vector.shape_cast %mul3A_384 : vector<16xf32> to vector<1x16xf32>
        tpu.vector_store %arg6[%swap3A_385, %swap3A_386], %swap3A_389 {strides = array<i32>} : memref<32x512xf32, #tpu.memory_space<vmem>>, vector<1x16xf32>,
        %get3A_390 = arith.index_cast %add3A_211 : i32 to index
        %get3A_391 = arith.constant 240 : index
        %get3A_392 = tpu.vector_load %arg6[%get3A_390, %get3A_391] {strides = array<i32>} : memref<32x512xf32, #tpu.memory_space<vmem>>, vector<1x16xf32>,
        %get3A_393 = vector.shape_cast %get3A_392 : vector<1x16xf32> to vector<16xf32>
        %mul3A_394 = arith.constant 22.6274166 : f32
        %mul3A_395 = vector.broadcast %mul3A_394 : f32 to vector<16xf32>
        %mul3A_396 = arith.mulf %get3A_393, %mul3A_395 : vector<16xf32>
        %swap3A_397 = arith.index_cast %add3A_211 : i32 to index
        %swap3A_398 = arith.constant 240 : index
        %swap3A_399 = tpu.vector_load %arg6[%swap3A_397, %swap3A_398] {strides = array<i32>} : memref<32x512xf32, #tpu.memory_space<vmem>>, vector<1x16xf32>,
        %swap3A_400 = vector.shape_cast %swap3A_399 : vector<1x16xf32> to vector<16xf32>
        %swap3A_401 = vector.shape_cast %mul3A_396 : vector<16xf32> to vector<1x16xf32>
        tpu.vector_store %arg6[%swap3A_397, %swap3A_398], %swap3A_401 {strides = array<i32>} : memref<32x512xf32, #tpu.memory_space<vmem>>, vector<1x16xf32>,
        %get3A_402 = arith.index_cast %add3A_211 : i32 to index
        %get3A_403 = arith.constant 256 : index
        %get3A_404 = tpu.vector_load %arg6[%get3A_402, %get3A_403] {strides = array<i32>} : memref<32x512xf32, #tpu.memory_space<vmem>>, vector<1x16xf32>,
        %get3A_405 = vector.shape_cast %get3A_404 : vector<1x16xf32> to vector<16xf32>
        %mul3A_406 = arith.constant 22.6274166 : f32
        %mul3A_407 = vector.broadcast %mul3A_406 : f32 to vector<16xf32>
        %mul3A_408 = arith.mulf %get3A_405, %mul3A_407 : vector<16xf32>
        %swap3A_409 = arith.index_cast %add3A_211 : i32 to index
        %swap3A_410 = arith.constant 256 : index
        %swap3A_411 = tpu.vector_load %arg6[%swap3A_409, %swap3A_410] {strides = array<i32>} : memref<32x512xf32, #tpu.memory_space<vmem>>, vector<1x16xf32>,
        %swap3A_412 = vector.shape_cast %swap3A_411 : vector<1x16xf32> to vector<16xf32>
        %swap3A_413 = vector.shape_cast %mul3A_408 : vector<16xf32> to vector<1x16xf32>
        tpu.vector_store %arg6[%swap3A_409, %swap3A_410], %swap3A_413 {strides = array<i32>} : memref<32x512xf32, #tpu.memory_space<vmem>>, vector<1x16xf32>,
        %get3A_414 = arith.index_cast %add3A_211 : i32 to index
        %get3A_415 = arith.constant 272 : index
        %get3A_416 = tpu.vector_load %arg6[%get3A_414, %get3A_415] {strides = array<i32>} : memref<32x512xf32, #tpu.memory_space<vmem>>, vector<1x16xf32>,
        %get3A_417 = vector.shape_cast %get3A_416 : vector<1x16xf32> to vector<16xf32>
        %mul3A_418 = arith.constant 22.6274166 : f32
        %mul3A_419 = vector.broadcast %mul3A_418 : f32 to vector<16xf32>
        %mul3A_420 = arith.mulf %get3A_417, %mul3A_419 : vector<16xf32>
        %swap3A_421 = arith.index_cast %add3A_211 : i32 to index
        %swap3A_422 = arith.constant 272 : index
        %swap3A_423 = tpu.vector_load %arg6[%swap3A_421, %swap3A_422] {strides = array<i32>} : memref<32x512xf32, #tpu.memory_space<vmem>>, vector<1x16xf32>,
        %swap3A_424 = vector.shape_cast %swap3A_423 : vector<1x16xf32> to vector<16xf32>
        %swap3A_425 = vector.shape_cast %mul3A_420 : vector<16xf32> to vector<1x16xf32>
        tpu.vector_store %arg6[%swap3A_421, %swap3A_422], %swap3A_425 {strides = array<i32>} : memref<32x512xf32, #tpu.memory_space<vmem>>, vector<1x16xf32>,
        %get3A_426 = arith.index_cast %add3A_211 : i32 to index
        %get3A_427 = arith.constant 288 : index
        %get3A_428 = tpu.vector_load %arg6[%get3A_426, %get3A_427] {strides = array<i32>} : memref<32x512xf32, #tpu.memory_space<vmem>>, vector<1x16xf32>,
        %get3A_429 = vector.shape_cast %get3A_428 : vector<1x16xf32> to vector<16xf32>
        %mul3A_430 = arith.constant 22.6274166 : f32
        %mul3A_431 = vector.broadcast %mul3A_430 : f32 to vector<16xf32>
        %mul3A_432 = arith.mulf %get3A_429, %mul3A_431 : vector<16xf32>
        %swap3A_433 = arith.index_cast %add3A_211 : i32 to index
        %swap3A_434 = arith.constant 288 : index
        %swap3A_435 = tpu.vector_load %arg6[%swap3A_433, %swap3A_434] {strides = array<i32>} : memref<32x512xf32, #tpu.memory_space<vmem>>, vector<1x16xf32>,
        %swap3A_436 = vector.shape_cast %swap3A_435 : vector<1x16xf32> to vector<16xf32>
        %swap3A_437 = vector.shape_cast %mul3A_432 : vector<16xf32> to vector<1x16xf32>
        tpu.vector_store %arg6[%swap3A_433, %swap3A_434], %swap3A_437 {strides = array<i32>} : memref<32x512xf32, #tpu.memory_space<vmem>>, vector<1x16xf32>,
        %get3A_438 = arith.index_cast %add3A_211 : i32 to index
        %get3A_439 = arith.constant 304 : index
        %get3A_440 = tpu.vector_load %arg6[%get3A_438, %get3A_439] {strides = array<i32>} : memref<32x512xf32, #tpu.memory_space<vmem>>, vector<1x16xf32>,
        %get3A_441 = vector.shape_cast %get3A_440 : vector<1x16xf32> to vector<16xf32>
        %mul3A_442 = arith.constant 22.6274166 : f32
        %mul3A_443 = vector.broadcast %mul3A_442 : f32 to vector<16xf32>
        %mul3A_444 = arith.mulf %get3A_441, %mul3A_443 : vector<16xf32>
        %swap3A_445 = arith.index_cast %add3A_211 : i32 to index
        %swap3A_446 = arith.constant 304 : index
        %swap3A_447 = tpu.vector_load %arg6[%swap3A_445, %swap3A_446] {strides = array<i32>} : memref<32x512xf32, #tpu.memory_space<vmem>>, vector<1x16xf32>,
        %swap3A_448 = vector.shape_cast %swap3A_447 : vector<1x16xf32> to vector<16xf32>
        %swap3A_449 = vector.shape_cast %mul3A_444 : vector<16xf32> to vector<1x16xf32>
        tpu.vector_store %arg6[%swap3A_445, %swap3A_446], %swap3A_449 {strides = array<i32>} : memref<32x512xf32, #tpu.memory_space<vmem>>, vector<1x16xf32>,
        %get3A_450 = arith.index_cast %add3A_211 : i32 to index
        %get3A_451 = arith.constant 320 : index
        %get3A_452 = tpu.vector_load %arg6[%get3A_450, %get3A_451] {strides = array<i32>} : memref<32x512xf32, #tpu.memory_space<vmem>>, vector<1x16xf32>,
        %get3A_453 = vector.shape_cast %get3A_452 : vector<1x16xf32> to vector<16xf32>
        %mul3A_454 = arith.constant 22.6274166 : f32
        %mul3A_455 = vector.broadcast %mul3A_454 : f32 to vector<16xf32>
        %mul3A_456 = arith.mulf %get3A_453, %mul3A_455 : vector<16xf32>
        %swap3A_457 = arith.index_cast %add3A_211 : i32 to index
        %swap3A_458 = arith.constant 320 : index
        %swap3A_459 = tpu.vector_load %arg6[%swap3A_457, %swap3A_458] {strides = array<i32>} : memref<32x512xf32, #tpu.memory_space<vmem>>, vector<1x16xf32>,
        %swap3A_460 = vector.shape_cast %swap3A_459 : vector<1x16xf32> to vector<16xf32>
        %swap3A_461 = vector.shape_cast %mul3A_456 : vector<16xf32> to vector<1x16xf32>
        tpu.vector_store %arg6[%swap3A_457, %swap3A_458], %swap3A_461 {strides = array<i32>} : memref<32x512xf32, #tpu.memory_space<vmem>>, vector<1x16xf32>,
        %get3A_462 = arith.index_cast %add3A_211 : i32 to index
        %get3A_463 = arith.constant 336 : index
        %get3A_464 = tpu.vector_load %arg6[%get3A_462, %get3A_463] {strides = array<i32>} : memref<32x512xf32, #tpu.memory_space<vmem>>, vector<1x16xf32>,
        %get3A_465 = vector.shape_cast %get3A_464 : vector<1x16xf32> to vector<16xf32>
        %mul3A_466 = arith.constant 22.6274166 : f32
        %mul3A_467 = vector.broadcast %mul3A_466 : f32 to vector<16xf32>
        %mul3A_468 = arith.mulf %get3A_465, %mul3A_467 : vector<16xf32>
        %swap3A_469 = arith.index_cast %add3A_211 : i32 to index
        %swap3A_470 = arith.constant 336 : index
        %swap3A_471 = tpu.vector_load %arg6[%swap3A_469, %swap3A_470] {strides = array<i32>} : memref<32x512xf32, #tpu.memory_space<vmem>>, vector<1x16xf32>,
        %swap3A_472 = vector.shape_cast %swap3A_471 : vector<1x16xf32> to vector<16xf32>
        %swap3A_473 = vector.shape_cast %mul3A_468 : vector<16xf32> to vector<1x16xf32>
        tpu.vector_store %arg6[%swap3A_469, %swap3A_470], %swap3A_473 {strides = array<i32>} : memref<32x512xf32, #tpu.memory_space<vmem>>, vector<1x16xf32>,
        %get3A_474 = arith.index_cast %add3A_211 : i32 to index
        %get3A_475 = arith.constant 352 : index
        %get3A_476 = tpu.vector_load %arg6[%get3A_474, %get3A_475] {strides = array<i32>} : memref<32x512xf32, #tpu.memory_space<vmem>>, vector<1x16xf32>,
        %get3A_477 = vector.shape_cast %get3A_476 : vector<1x16xf32> to vector<16xf32>
        %mul3A_478 = arith.constant 22.6274166 : f32
        %mul3A_479 = vector.broadcast %mul3A_478 : f32 to vector<16xf32>
        %mul3A_480 = arith.mulf %get3A_477, %mul3A_479 : vector<16xf32>
        %swap3A_481 = arith.index_cast %add3A_211 : i32 to index
        %swap3A_482 = arith.constant 352 : index
        %swap3A_483 = tpu.vector_load %arg6[%swap3A_481, %swap3A_482] {strides = array<i32>} : memref<32x512xf32, #tpu.memory_space<vmem>>, vector<1x16xf32>,
        %swap3A_484 = vector.shape_cast %swap3A_483 : vector<1x16xf32> to vector<16xf32>
        %swap3A_485 = vector.shape_cast %mul3A_480 : vector<16xf32> to vector<1x16xf32>
        tpu.vector_store %arg6[%swap3A_481, %swap3A_482], %swap3A_485 {strides = array<i32>} : memref<32x512xf32, #tpu.memory_space<vmem>>, vector<1x16xf32>,
        %get3A_486 = arith.index_cast %add3A_211 : i32 to index
        %get3A_487 = arith.constant 368 : index
        %get3A_488 = tpu.vector_load %arg6[%get3A_486, %get3A_487] {strides = array<i32>} : memref<32x512xf32, #tpu.memory_space<vmem>>, vector<1x16xf32>,
        %get3A_489 = vector.shape_cast %get3A_488 : vector<1x16xf32> to vector<16xf32>
        %mul3A_490 = arith.constant 22.6274166 : f32
        %mul3A_491 = vector.broadcast %mul3A_490 : f32 to vector<16xf32>
        %mul3A_492 = arith.mulf %get3A_489, %mul3A_491 : vector<16xf32>
        %swap3A_493 = arith.index_cast %add3A_211 : i32 to index
        %swap3A_494 = arith.constant 368 : index
        %swap3A_495 = tpu.vector_load %arg6[%swap3A_493, %swap3A_494] {strides = array<i32>} : memref<32x512xf32, #tpu.memory_space<vmem>>, vector<1x16xf32>,
        %swap3A_496 = vector.shape_cast %swap3A_495 : vector<1x16xf32> to vector<16xf32>
        %swap3A_497 = vector.shape_cast %mul3A_492 : vector<16xf32> to vector<1x16xf32>
        tpu.vector_store %arg6[%swap3A_493, %swap3A_494], %swap3A_497 {strides = array<i32>} : memref<32x512xf32, #tpu.memory_space<vmem>>, vector<1x16xf32>,
        %get3A_498 = arith.index_cast %add3A_211 : i32 to index
        %get3A_499 = arith.constant 384 : index
        %get3A_500 = tpu.vector_load %arg6[%get3A_498, %get3A_499] {strides = array<i32>} : memref<32x512xf32, #tpu.memory_space<vmem>>, vector<1x16xf32>,
        %get3A_501 = vector.shape_cast %get3A_500 : vector<1x16xf32> to vector<16xf32>
        %mul3A_502 = arith.constant 22.6274166 : f32
        %mul3A_503 = vector.broadcast %mul3A_502 : f32 to vector<16xf32>
        %mul3A_504 = arith.mulf %get3A_501, %mul3A_503 : vector<16xf32>
        %swap3A_505 = arith.index_cast %add3A_211 : i32 to index
        %swap3A_506 = arith.constant 384 : index
        %swap3A_507 = tpu.vector_load %arg6[%swap3A_505, %swap3A_506] {strides = array<i32>} : memref<32x512xf32, #tpu.memory_space<vmem>>, vector<1x16xf32>,
        %swap3A_508 = vector.shape_cast %swap3A_507 : vector<1x16xf32> to vector<16xf32>
        %swap3A_509 = vector.shape_cast %mul3A_504 : vector<16xf32> to vector<1x16xf32>
        tpu.vector_store %arg6[%swap3A_505, %swap3A_506], %swap3A_509 {strides = array<i32>} : memref<32x512xf32, #tpu.memory_space<vmem>>, vector<1x16xf32>,
        %get3A_510 = arith.index_cast %add3A_211 : i32 to index
        %get3A_511 = arith.constant 400 : index
        %get3A_512 = tpu.vector_load %arg6[%get3A_510, %get3A_511] {strides = array<i32>} : memref<32x512xf32, #tpu.memory_space<vmem>>, vector<1x16xf32>,
        %get3A_513 = vector.shape_cast %get3A_512 : vector<1x16xf32> to vector<16xf32>
        %mul3A_514 = arith.constant 22.6274166 : f32
        %mul3A_515 = vector.broadcast %mul3A_514 : f32 to vector<16xf32>
        %mul3A_516 = arith.mulf %get3A_513, %mul3A_515 : vector<16xf32>
        %swap3A_517 = arith.index_cast %add3A_211 : i32 to index
        %swap3A_518 = arith.constant 400 : index
        %swap3A_519 = tpu.vector_load %arg6[%swap3A_517, %swap3A_518] {strides = array<i32>} : memref<32x512xf32, #tpu.memory_space<vmem>>, vector<1x16xf32>,
        %swap3A_520 = vector.shape_cast %swap3A_519 : vector<1x16xf32> to vector<16xf32>
        %swap3A_521 = vector.shape_cast %mul3A_516 : vector<16xf32> to vector<1x16xf32>
        tpu.vector_store %arg6[%swap3A_517, %swap3A_518], %swap3A_521 {strides = array<i32>} : memref<32x512xf32, #tpu.memory_space<vmem>>, vector<1x16xf32>,
        %get3A_522 = arith.index_cast %add3A_211 : i32 to index
        %get3A_523 = arith.constant 416 : index
        %get3A_524 = tpu.vector_load %arg6[%get3A_522, %get3A_523] {strides = array<i32>} : memref<32x512xf32, #tpu.memory_space<vmem>>, vector<1x16xf32>,
        %get3A_525 = vector.shape_cast %get3A_524 : vector<1x16xf32> to vector<16xf32>
        %mul3A_526 = arith.constant 22.6274166 : f32
        %mul3A_527 = vector.broadcast %mul3A_526 : f32 to vector<16xf32>
        %mul3A_528 = arith.mulf %get3A_525, %mul3A_527 : vector<16xf32>
        %swap3A_529 = arith.index_cast %add3A_211 : i32 to index
        %swap3A_530 = arith.constant 416 : index
        %swap3A_531 = tpu.vector_load %arg6[%swap3A_529, %swap3A_530] {strides = array<i32>} : memref<32x512xf32, #tpu.memory_space<vmem>>, vector<1x16xf32>,
        %swap3A_532 = vector.shape_cast %swap3A_531 : vector<1x16xf32> to vector<16xf32>
        %swap3A_533 = vector.shape_cast %mul3A_528 : vector<16xf32> to vector<1x16xf32>
        tpu.vector_store %arg6[%swap3A_529, %swap3A_530], %swap3A_533 {strides = array<i32>} : memref<32x512xf32, #tpu.memory_space<vmem>>, vector<1x16xf32>,
        %get3A_534 = arith.index_cast %add3A_211 : i32 to index
        %get3A_535 = arith.constant 432 : index
        %get3A_536 = tpu.vector_load %arg6[%get3A_534, %get3A_535] {strides = array<i32>} : memref<32x512xf32, #tpu.memory_space<vmem>>, vector<1x16xf32>,
        %get3A_537 = vector.shape_cast %get3A_536 : vector<1x16xf32> to vector<16xf32>
        %mul3A_538 = arith.constant 22.6274166 : f32
        %mul3A_539 = vector.broadcast %mul3A_538 : f32 to vector<16xf32>
        %mul3A_540 = arith.mulf %get3A_537, %mul3A_539 : vector<16xf32>
        %swap3A_541 = arith.index_cast %add3A_211 : i32 to index
        %swap3A_542 = arith.constant 432 : index
        %swap3A_543 = tpu.vector_load %arg6[%swap3A_541, %swap3A_542] {strides = array<i32>} : memref<32x512xf32, #tpu.memory_space<vmem>>, vector<1x16xf32>,
        %swap3A_544 = vector.shape_cast %swap3A_543 : vector<1x16xf32> to vector<16xf32>
        %swap3A_545 = vector.shape_cast %mul3A_540 : vector<16xf32> to vector<1x16xf32>
        tpu.vector_store %arg6[%swap3A_541, %swap3A_542], %swap3A_545 {strides = array<i32>} : memref<32x512xf32, #tpu.memory_space<vmem>>, vector<1x16xf32>,
        %get3A_546 = arith.index_cast %add3A_211 : i32 to index
        %get3A_547 = arith.constant 448 : index
        %get3A_548 = tpu.vector_load %arg6[%get3A_546, %get3A_547] {strides = array<i32>} : memref<32x512xf32, #tpu.memory_space<vmem>>, vector<1x16xf32>,
        %get3A_549 = vector.shape_cast %get3A_548 : vector<1x16xf32> to vector<16xf32>
        %mul3A_550 = arith.constant 22.6274166 : f32
        %mul3A_551 = vector.broadcast %mul3A_550 : f32 to vector<16xf32>
        %mul3A_552 = arith.mulf %get3A_549, %mul3A_551 : vector<16xf32>
        %swap3A_553 = arith.index_cast %add3A_211 : i32 to index
        %swap3A_554 = arith.constant 448 : index
        %swap3A_555 = tpu.vector_load %arg6[%swap3A_553, %swap3A_554] {strides = array<i32>} : memref<32x512xf32, #tpu.memory_space<vmem>>, vector<1x16xf32>,
        %swap3A_556 = vector.shape_cast %swap3A_555 : vector<1x16xf32> to vector<16xf32>
        %swap3A_557 = vector.shape_cast %mul3A_552 : vector<16xf32> to vector<1x16xf32>
        tpu.vector_store %arg6[%swap3A_553, %swap3A_554], %swap3A_557 {strides = array<i32>} : memref<32x512xf32, #tpu.memory_space<vmem>>, vector<1x16xf32>,
        %get3A_558 = arith.index_cast %add3A_211 : i32 to index
        %get3A_559 = arith.constant 464 : index
        %get3A_560 = tpu.vector_load %arg6[%get3A_558, %get3A_559] {strides = array<i32>} : memref<32x512xf32, #tpu.memory_space<vmem>>, vector<1x16xf32>,
        %get3A_561 = vector.shape_cast %get3A_560 : vector<1x16xf32> to vector<16xf32>
        %mul3A_562 = arith.constant 22.6274166 : f32
        %mul3A_563 = vector.broadcast %mul3A_562 : f32 to vector<16xf32>
        %mul3A_564 = arith.mulf %get3A_561, %mul3A_563 : vector<16xf32>
        %swap3A_565 = arith.index_cast %add3A_211 : i32 to index
        %swap3A_566 = arith.constant 464 : index
        %swap3A_567 = tpu.vector_load %arg6[%swap3A_565, %swap3A_566] {strides = array<i32>} : memref<32x512xf32, #tpu.memory_space<vmem>>, vector<1x16xf32>,
        %swap3A_568 = vector.shape_cast %swap3A_567 : vector<1x16xf32> to vector<16xf32>
        %swap3A_569 = vector.shape_cast %mul3A_564 : vector<16xf32> to vector<1x16xf32>
        tpu.vector_store %arg6[%swap3A_565, %swap3A_566], %swap3A_569 {strides = array<i32>} : memref<32x512xf32, #tpu.memory_space<vmem>>, vector<1x16xf32>,
        %get3A_570 = arith.index_cast %add3A_211 : i32 to index
        %get3A_571 = arith.constant 480 : index
        %get3A_572 = tpu.vector_load %arg6[%get3A_570, %get3A_571] {strides = array<i32>} : memref<32x512xf32, #tpu.memory_space<vmem>>, vector<1x16xf32>,
        %get3A_573 = vector.shape_cast %get3A_572 : vector<1x16xf32> to vector<16xf32>
        %mul3A_574 = arith.constant 22.6274166 : f32
        %mul3A_575 = vector.broadcast %mul3A_574 : f32 to vector<16xf32>
        %mul3A_576 = arith.mulf %get3A_573, %mul3A_575 : vector<16xf32>
        %swap3A_577 = arith.index_cast %add3A_211 : i32 to index
        %swap3A_578 = arith.constant 480 : index
        %swap3A_579 = tpu.vector_load %arg6[%swap3A_577, %swap3A_578] {strides = array<i32>} : memref<32x512xf32, #tpu.memory_space<vmem>>, vector<1x16xf32>,
        %swap3A_580 = vector.shape_cast %swap3A_579 : vector<1x16xf32> to vector<16xf32>
        %swap3A_581 = vector.shape_cast %mul3A_576 : vector<16xf32> to vector<1x16xf32>
        tpu.vector_store %arg6[%swap3A_577, %swap3A_578], %swap3A_581 {strides = array<i32>} : memref<32x512xf32, #tpu.memory_space<vmem>>, vector<1x16xf32>,
        %get3A_582 = arith.index_cast %add3A_211 : i32 to index
        %get3A_583 = arith.constant 496 : index
        %get3A_584 = tpu.vector_load %arg6[%get3A_582, %get3A_583] {strides = array<i32>} : memref<32x512xf32, #tpu.memory_space<vmem>>, vector<1x16xf32>,
        %get3A_585 = vector.shape_cast %get3A_584 : vector<1x16xf32> to vector<16xf32>
        %mul3A_586 = arith.constant 22.6274166 : f32
        %mul3A_587 = vector.broadcast %mul3A_586 : f32 to vector<16xf32>
        %mul3A_588 = arith.mulf %get3A_585, %mul3A_587 : vector<16xf32>
        %swap3A_589 = arith.index_cast %add3A_211 : i32 to index
        %swap3A_590 = arith.constant 496 : index
        %swap3A_591 = tpu.vector_load %arg6[%swap3A_589, %swap3A_590] {strides = array<i32>} : memref<32x512xf32, #tpu.memory_space<vmem>>, vector<1x16xf32>,
        %swap3A_592 = vector.shape_cast %swap3A_591 : vector<1x16xf32> to vector<16xf32>
        %swap3A_593 = vector.shape_cast %mul3A_588 : vector<16xf32> to vector<1x16xf32>
        tpu.vector_store %arg6[%swap3A_589, %swap3A_590], %swap3A_593 {strides = array<i32>} : memref<32x512xf32, #tpu.memory_space<vmem>>, vector<1x16xf32>,
      }
      %scan3A_77 = arith.constant 32 : i32
      %mul3A_78 = arith.constant 32 : i32
      %mul3A_79 = arith.muli %add3A_66, %mul3A_78 : i32
      %add3A_80 = arith.addi %mul3A_2, %mul3A_79 : i32
      %dma_start3A_81 = arith.constant 0 : i32
      %dma_start3A_82 = tpu.memref_slice %arg4[%add3A_80, %dma_start3A_81] : memref<819200x512xf32, #tpu.memory_space<hbm>> -> memref<32x512xf32, #tpu.memory_space<hbm>>
      %dma_start3A_83 = arith.constant 0 : i32
      %dma_start3A_84 = tpu.memref_slice %arg4[%add3A_80, %dma_start3A_83] : memref<819200x512xf32, #tpu.memory_space<hbm>> -> memref<32x512xf32, #tpu.memory_space<hbm>>
      tpu.enqueue_dma source(%arg6 : memref<32x512xf32, #tpu.memory_space<vmem>>) target(%dma_start3A_84 : memref<32x512xf32, #tpu.memory_space<hbm>>) target_semaphore(%arg16 : memref<!tpu.dma_semaphore, #tpu.memory_space<semaphore_mem>>)
      %add3A_85 = arith.constant 1 : i32
      %add3A_86 = arith.addi %add3A_64, %add3A_85 : i32
      %mul3A_87 = arith.constant 32 : i32
      %mul3A_88 = arith.muli %add3A_86, %mul3A_87 : i32
      %dma_wait3A_89 = tpu.memref_slice %arg5[%mul3A_88] : memref<25600xi32, #tpu.memory_space<vmem>> -> memref<32xi32, #tpu.memory_space<vmem>>
      %dma_wait3A_90 = arith.constant 0 : i32
      %dma_wait3A_91 = arith.constant 0 : i32
      %dma_wait3A_92 = tpu.memref_slice %arg2[%dma_wait3A_90, %dma_wait3A_91] : memref<100000x512xf32, #tpu.memory_space<hbm>> -> memref<100000x512xf32, #tpu.memory_space<hbm>>
      tpu.wait_indirect_dma semaphore(%arg12 : memref<!tpu.dma_semaphore, #tpu.memory_space<semaphore_mem>>) src(%dma_wait3A_92 : memref<100000x512xf32, #tpu.memory_space<hbm>>) dst(%arg7 : memref<32x512xf32, #tpu.memory_space<vmem>>)
      %scan3A_93 = arith.constant 0 : i32
      %scan3A_94 = arith.constant 32 : i32
      %scan3A_95 = arith.addi %scan3A_93, %scan3A_94 : i32
      %scan3A_96 = arith.constant 1 : i32
      scf.for %scan3A_207 = %scan3A_93 to %scan3A_95 step %scan3A_96  : i32 {
        %mul3A_208 = arith.constant 1 : i32
        %mul3A_209 = arith.muli %scan3A_207, %mul3A_208 : i32
        %add3A_210 = arith.constant 0 : i32
        %add3A_211 = arith.addi %add3A_210, %mul3A_209 : i32
        %get3A = arith.index_cast %add3A_211 : i32 to index
        %get3A_212 = arith.constant 0 : index
        %get3A_213 = tpu.vector_load %arg7[%get3A, %get3A_212] {strides = array<i32>} : memref<32x512xf32, #tpu.memory_space<vmem>>, vector<1x16xf32>,
        %get3A_214 = vector.shape_cast %get3A_213 : vector<1x16xf32> to vector<16xf32>
        %mul3A_215 = arith.constant 22.6274166 : f32
        %mul3A_216 = vector.broadcast %mul3A_215 : f32 to vector<16xf32>
        %mul3A_217 = arith.mulf %get3A_214, %mul3A_216 : vector<16xf32>
        %swap3A = arith.index_cast %add3A_211 : i32 to index
        %swap3A_218 = arith.constant 0 : index
        %swap3A_219 = tpu.vector_load %arg7[%swap3A, %swap3A_218] {strides = array<i32>} : memref<32x512xf32, #tpu.memory_space<vmem>>, vector<1x16xf32>,
        %swap3A_220 = vector.shape_cast %swap3A_219 : vector<1x16xf32> to vector<16xf32>
        %swap3A_221 = vector.shape_cast %mul3A_217 : vector<16xf32> to vector<1x16xf32>
        tpu.vector_store %arg7[%swap3A, %swap3A_218], %swap3A_221 {strides = array<i32>} : memref<32x512xf32, #tpu.memory_space<vmem>>, vector<1x16xf32>,
        %get3A_222 = arith.index_cast %add3A_211 : i32 to index
        %get3A_223 = arith.constant 16 : index
        %get3A_224 = tpu.vector_load %arg7[%get3A_222, %get3A_223] {strides = array<i32>} : memref<32x512xf32, #tpu.memory_space<vmem>>, vector<1x16xf32>,
        %get3A_225 = vector.shape_cast %get3A_224 : vector<1x16xf32> to vector<16xf32>
        %mul3A_226 = arith.constant 22.6274166 : f32
        %mul3A_227 = vector.broadcast %mul3A_226 : f32 to vector<16xf32>
        %mul3A_228 = arith.mulf %get3A_225, %mul3A_227 : vector<16xf32>
        %swap3A_229 = arith.index_cast %add3A_211 : i32 to index
        %swap3A_230 = arith.constant 16 : index
        %swap3A_231 = tpu.vector_load %arg7[%swap3A_229, %swap3A_230] {strides = array<i32>} : memref<32x512xf32, #tpu.memory_space<vmem>>, vector<1x16xf32>,
        %swap3A_232 = vector.shape_cast %swap3A_231 : vector<1x16xf32> to vector<16xf32>
        %swap3A_233 = vector.shape_cast %mul3A_228 : vector<16xf32> to vector<1x16xf32>
        tpu.vector_store %arg7[%swap3A_229, %swap3A_230], %swap3A_233 {strides = array<i32>} : memref<32x512xf32, #tpu.memory_space<vmem>>, vector<1x16xf32>,
        %get3A_234 = arith.index_cast %add3A_211 : i32 to index
        %get3A_235 = arith.constant 32 : index
        %get3A_236 = tpu.vector_load %arg7[%get3A_234, %get3A_235] {strides = array<i32>} : memref<32x512xf32, #tpu.memory_space<vmem>>, vector<1x16xf32>,
        %get3A_237 = vector.shape_cast %get3A_236 : vector<1x16xf32> to vector<16xf32>
        %mul3A_238 = arith.constant 22.6274166 : f32
        %mul3A_239 = vector.broadcast %mul3A_238 : f32 to vector<16xf32>
        %mul3A_240 = arith.mulf %get3A_237, %mul3A_239 : vector<16xf32>
        %swap3A_241 = arith.index_cast %add3A_211 : i32 to index
        %swap3A_242 = arith.constant 32 : index
        %swap3A_243 = tpu.vector_load %arg7[%swap3A_241, %swap3A_242] {strides = array<i32>} : memref<32x512xf32, #tpu.memory_space<vmem>>, vector<1x16xf32>,
        %swap3A_244 = vector.shape_cast %swap3A_243 : vector<1x16xf32> to vector<16xf32>
        %swap3A_245 = vector.shape_cast %mul3A_240 : vector<16xf32> to vector<1x16xf32>
        tpu.vector_store %arg7[%swap3A_241, %swap3A_242], %swap3A_245 {strides = array<i32>} : memref<32x512xf32, #tpu.memory_space<vmem>>, vector<1x16xf32>,
        %get3A_246 = arith.index_cast %add3A_211 : i32 to index
        %get3A_247 = arith.constant 48 : index
        %get3A_248 = tpu.vector_load %arg7[%get3A_246, %get3A_247] {strides = array<i32>} : memref<32x512xf32, #tpu.memory_space<vmem>>, vector<1x16xf32>,
        %get3A_249 = vector.shape_cast %get3A_248 : vector<1x16xf32> to vector<16xf32>
        %mul3A_250 = arith.constant 22.6274166 : f32
        %mul3A_251 = vector.broadcast %mul3A_250 : f32 to vector<16xf32>
        %mul3A_252 = arith.mulf %get3A_249, %mul3A_251 : vector<16xf32>
        %swap3A_253 = arith.index_cast %add3A_211 : i32 to index
        %swap3A_254 = arith.constant 48 : index
        %swap3A_255 = tpu.vector_load %arg7[%swap3A_253, %swap3A_254] {strides = array<i32>} : memref<32x512xf32, #tpu.memory_space<vmem>>, vector<1x16xf32>,
        %swap3A_256 = vector.shape_cast %swap3A_255 : vector<1x16xf32> to vector<16xf32>
        %swap3A_257 = vector.shape_cast %mul3A_252 : vector<16xf32> to vector<1x16xf32>
        tpu.vector_store %arg7[%swap3A_253, %swap3A_254], %swap3A_257 {strides = array<i32>} : memref<32x512xf32, #tpu.memory_space<vmem>>, vector<1x16xf32>,
        %get3A_258 = arith.index_cast %add3A_211 : i32 to index
        %get3A_259 = arith.constant 64 : index
        %get3A_260 = tpu.vector_load %arg7[%get3A_258, %get3A_259] {strides = array<i32>} : memref<32x512xf32, #tpu.memory_space<vmem>>, vector<1x16xf32>,
        %get3A_261 = vector.shape_cast %get3A_260 : vector<1x16xf32> to vector<16xf32>
        %mul3A_262 = arith.constant 22.6274166 : f32
        %mul3A_263 = vector.broadcast %mul3A_262 : f32 to vector<16xf32>
        %mul3A_264 = arith.mulf %get3A_261, %mul3A_263 : vector<16xf32>
        %swap3A_265 = arith.index_cast %add3A_211 : i32 to index
        %swap3A_266 = arith.constant 64 : index
        %swap3A_267 = tpu.vector_load %arg7[%swap3A_265, %swap3A_266] {strides = array<i32>} : memref<32x512xf32, #tpu.memory_space<vmem>>, vector<1x16xf32>,
        %swap3A_268 = vector.shape_cast %swap3A_267 : vector<1x16xf32> to vector<16xf32>
        %swap3A_269 = vector.shape_cast %mul3A_264 : vector<16xf32> to vector<1x16xf32>
        tpu.vector_store %arg7[%swap3A_265, %swap3A_266], %swap3A_269 {strides = array<i32>} : memref<32x512xf32, #tpu.memory_space<vmem>>, vector<1x16xf32>,
        %get3A_270 = arith.index_cast %add3A_211 : i32 to index
        %get3A_271 = arith.constant 80 : index
        %get3A_272 = tpu.vector_load %arg7[%get3A_270, %get3A_271] {strides = array<i32>} : memref<32x512xf32, #tpu.memory_space<vmem>>, vector<1x16xf32>,
        %get3A_273 = vector.shape_cast %get3A_272 : vector<1x16xf32> to vector<16xf32>
        %mul3A_274 = arith.constant 22.6274166 : f32
        %mul3A_275 = vector.broadcast %mul3A_274 : f32 to vector<16xf32>
        %mul3A_276 = arith.mulf %get3A_273, %mul3A_275 : vector<16xf32>
        %swap3A_277 = arith.index_cast %add3A_211 : i32 to index
        %swap3A_278 = arith.constant 80 : index
        %swap3A_279 = tpu.vector_load %arg7[%swap3A_277, %swap3A_278] {strides = array<i32>} : memref<32x512xf32, #tpu.memory_space<vmem>>, vector<1x16xf32>,
        %swap3A_280 = vector.shape_cast %swap3A_279 : vector<1x16xf32> to vector<16xf32>
        %swap3A_281 = vector.shape_cast %mul3A_276 : vector<16xf32> to vector<1x16xf32>
        tpu.vector_store %arg7[%swap3A_277, %swap3A_278], %swap3A_281 {strides = array<i32>} : memref<32x512xf32, #tpu.memory_space<vmem>>, vector<1x16xf32>,
        %get3A_282 = arith.index_cast %add3A_211 : i32 to index
        %get3A_283 = arith.constant 96 : index
        %get3A_284 = tpu.vector_load %arg7[%get3A_282, %get3A_283] {strides = array<i32>} : memref<32x512xf32, #tpu.memory_space<vmem>>, vector<1x16xf32>,
        %get3A_285 = vector.shape_cast %get3A_284 : vector<1x16xf32> to vector<16xf32>
        %mul3A_286 = arith.constant 22.6274166 : f32
        %mul3A_287 = vector.broadcast %mul3A_286 : f32 to vector<16xf32>
        %mul3A_288 = arith.mulf %get3A_285, %mul3A_287 : vector<16xf32>
        %swap3A_289 = arith.index_cast %add3A_211 : i32 to index
        %swap3A_290 = arith.constant 96 : index
        %swap3A_291 = tpu.vector_load %arg7[%swap3A_289, %swap3A_290] {strides = array<i32>} : memref<32x512xf32, #tpu.memory_space<vmem>>, vector<1x16xf32>,
        %swap3A_292 = vector.shape_cast %swap3A_291 : vector<1x16xf32> to vector<16xf32>
        %swap3A_293 = vector.shape_cast %mul3A_288 : vector<16xf32> to vector<1x16xf32>
        tpu.vector_store %arg7[%swap3A_289, %swap3A_290], %swap3A_293 {strides = array<i32>} : memref<32x512xf32, #tpu.memory_space<vmem>>, vector<1x16xf32>,
        %get3A_294 = arith.index_cast %add3A_211 : i32 to index
        %get3A_295 = arith.constant 112 : index
        %get3A_296 = tpu.vector_load %arg7[%get3A_294, %get3A_295] {strides = array<i32>} : memref<32x512xf32, #tpu.memory_space<vmem>>, vector<1x16xf32>,
        %get3A_297 = vector.shape_cast %get3A_296 : vector<1x16xf32> to vector<16xf32>
        %mul3A_298 = arith.constant 22.6274166 : f32
        %mul3A_299 = vector.broadcast %mul3A_298 : f32 to vector<16xf32>
        %mul3A_300 = arith.mulf %get3A_297, %mul3A_299 : vector<16xf32>
        %swap3A_301 = arith.index_cast %add3A_211 : i32 to index
        %swap3A_302 = arith.constant 112 : index
        %swap3A_303 = tpu.vector_load %arg7[%swap3A_301, %swap3A_302] {strides = array<i32>} : memref<32x512xf32, #tpu.memory_space<vmem>>, vector<1x16xf32>,
        %swap3A_304 = vector.shape_cast %swap3A_303 : vector<1x16xf32> to vector<16xf32>
        %swap3A_305 = vector.shape_cast %mul3A_300 : vector<16xf32> to vector<1x16xf32>
        tpu.vector_store %arg7[%swap3A_301, %swap3A_302], %swap3A_305 {strides = array<i32>} : memref<32x512xf32, #tpu.memory_space<vmem>>, vector<1x16xf32>,
        %get3A_306 = arith.index_cast %add3A_211 : i32 to index
        %get3A_307 = arith.constant 128 : index
        %get3A_308 = tpu.vector_load %arg7[%get3A_306, %get3A_307] {strides = array<i32>} : memref<32x512xf32, #tpu.memory_space<vmem>>, vector<1x16xf32>,
        %get3A_309 = vector.shape_cast %get3A_308 : vector<1x16xf32> to vector<16xf32>
        %mul3A_310 = arith.constant 22.6274166 : f32
        %mul3A_311 = vector.broadcast %mul3A_310 : f32 to vector<16xf32>
        %mul3A_312 = arith.mulf %get3A_309, %mul3A_311 : vector<16xf32>
        %swap3A_313 = arith.index_cast %add3A_211 : i32 to index
        %swap3A_314 = arith.constant 128 : index
        %swap3A_315 = tpu.vector_load %arg7[%swap3A_313, %swap3A_314] {strides = array<i32>} : memref<32x512xf32, #tpu.memory_space<vmem>>, vector<1x16xf32>,
        %swap3A_316 = vector.shape_cast %swap3A_315 : vector<1x16xf32> to vector<16xf32>
        %swap3A_317 = vector.shape_cast %mul3A_312 : vector<16xf32> to vector<1x16xf32>
        tpu.vector_store %arg7[%swap3A_313, %swap3A_314], %swap3A_317 {strides = array<i32>} : memref<32x512xf32, #tpu.memory_space<vmem>>, vector<1x16xf32>,
        %get3A_318 = arith.index_cast %add3A_211 : i32 to index
        %get3A_319 = arith.constant 144 : index
        %get3A_320 = tpu.vector_load %arg7[%get3A_318, %get3A_319] {strides = array<i32>} : memref<32x512xf32, #tpu.memory_space<vmem>>, vector<1x16xf32>,
        %get3A_321 = vector.shape_cast %get3A_320 : vector<1x16xf32> to vector<16xf32>
        %mul3A_322 = arith.constant 22.6274166 : f32
        %mul3A_323 = vector.broadcast %mul3A_322 : f32 to vector<16xf32>
        %mul3A_324 = arith.mulf %get3A_321, %mul3A_323 : vector<16xf32>
        %swap3A_325 = arith.index_cast %add3A_211 : i32 to index
        %swap3A_326 = arith.constant 144 : index
        %swap3A_327 = tpu.vector_load %arg7[%swap3A_325, %swap3A_326] {strides = array<i32>} : memref<32x512xf32, #tpu.memory_space<vmem>>, vector<1x16xf32>,
        %swap3A_328 = vector.shape_cast %swap3A_327 : vector<1x16xf32> to vector<16xf32>
        %swap3A_329 = vector.shape_cast %mul3A_324 : vector<16xf32> to vector<1x16xf32>
        tpu.vector_store %arg7[%swap3A_325, %swap3A_326], %swap3A_329 {strides = array<i32>} : memref<32x512xf32, #tpu.memory_space<vmem>>, vector<1x16xf32>,
        %get3A_330 = arith.index_cast %add3A_211 : i32 to index
        %get3A_331 = arith.constant 160 : index
        %get3A_332 = tpu.vector_load %arg7[%get3A_330, %get3A_331] {strides = array<i32>} : memref<32x512xf32, #tpu.memory_space<vmem>>, vector<1x16xf32>,
        %get3A_333 = vector.shape_cast %get3A_332 : vector<1x16xf32> to vector<16xf32>
        %mul3A_334 = arith.constant 22.6274166 : f32
        %mul3A_335 = vector.broadcast %mul3A_334 : f32 to vector<16xf32>
        %mul3A_336 = arith.mulf %get3A_333, %mul3A_335 : vector<16xf32>
        %swap3A_337 = arith.index_cast %add3A_211 : i32 to index
        %swap3A_338 = arith.constant 160 : index
        %swap3A_339 = tpu.vector_load %arg7[%swap3A_337, %swap3A_338] {strides = array<i32>} : memref<32x512xf32, #tpu.memory_space<vmem>>, vector<1x16xf32>,
        %swap3A_340 = vector.shape_cast %swap3A_339 : vector<1x16xf32> to vector<16xf32>
        %swap3A_341 = vector.shape_cast %mul3A_336 : vector<16xf32> to vector<1x16xf32>
        tpu.vector_store %arg7[%swap3A_337, %swap3A_338], %swap3A_341 {strides = array<i32>} : memref<32x512xf32, #tpu.memory_space<vmem>>, vector<1x16xf32>,
        %get3A_342 = arith.index_cast %add3A_211 : i32 to index
        %get3A_343 = arith.constant 176 : index
        %get3A_344 = tpu.vector_load %arg7[%get3A_342, %get3A_343] {strides = array<i32>} : memref<32x512xf32, #tpu.memory_space<vmem>>, vector<1x16xf32>,
        %get3A_345 = vector.shape_cast %get3A_344 : vector<1x16xf32> to vector<16xf32>
        %mul3A_346 = arith.constant 22.6274166 : f32
        %mul3A_347 = vector.broadcast %mul3A_346 : f32 to vector<16xf32>
        %mul3A_348 = arith.mulf %get3A_345, %mul3A_347 : vector<16xf32>
        %swap3A_349 = arith.index_cast %add3A_211 : i32 to index
        %swap3A_350 = arith.constant 176 : index
        %swap3A_351 = tpu.vector_load %arg7[%swap3A_349, %swap3A_350] {strides = array<i32>} : memref<32x512xf32, #tpu.memory_space<vmem>>, vector<1x16xf32>,
        %swap3A_352 = vector.shape_cast %swap3A_351 : vector<1x16xf32> to vector<16xf32>
        %swap3A_353 = vector.shape_cast %mul3A_348 : vector<16xf32> to vector<1x16xf32>
        tpu.vector_store %arg7[%swap3A_349, %swap3A_350], %swap3A_353 {strides = array<i32>} : memref<32x512xf32, #tpu.memory_space<vmem>>, vector<1x16xf32>,
        %get3A_354 = arith.index_cast %add3A_211 : i32 to index
        %get3A_355 = arith.constant 192 : index
        %get3A_356 = tpu.vector_load %arg7[%get3A_354, %get3A_355] {strides = array<i32>} : memref<32x512xf32, #tpu.memory_space<vmem>>, vector<1x16xf32>,
        %get3A_357 = vector.shape_cast %get3A_356 : vector<1x16xf32> to vector<16xf32>
        %mul3A_358 = arith.constant 22.6274166 : f32
        %mul3A_359 = vector.broadcast %mul3A_358 : f32 to vector<16xf32>
        %mul3A_360 = arith.mulf %get3A_357, %mul3A_359 : vector<16xf32>
        %swap3A_361 = arith.index_cast %add3A_211 : i32 to index
        %swap3A_362 = arith.constant 192 : index
        %swap3A_363 = tpu.vector_load %arg7[%swap3A_361, %swap3A_362] {strides = array<i32>} : memref<32x512xf32, #tpu.memory_space<vmem>>, vector<1x16xf32>,
        %swap3A_364 = vector.shape_cast %swap3A_363 : vector<1x16xf32> to vector<16xf32>
        %swap3A_365 = vector.shape_cast %mul3A_360 : vector<16xf32> to vector<1x16xf32>
        tpu.vector_store %arg7[%swap3A_361, %swap3A_362], %swap3A_365 {strides = array<i32>} : memref<32x512xf32, #tpu.memory_space<vmem>>, vector<1x16xf32>,
        %get3A_366 = arith.index_cast %add3A_211 : i32 to index
        %get3A_367 = arith.constant 208 : index
        %get3A_368 = tpu.vector_load %arg7[%get3A_366, %get3A_367] {strides = array<i32>} : memref<32x512xf32, #tpu.memory_space<vmem>>, vector<1x16xf32>,
        %get3A_369 = vector.shape_cast %get3A_368 : vector<1x16xf32> to vector<16xf32>
        %mul3A_370 = arith.constant 22.6274166 : f32
        %mul3A_371 = vector.broadcast %mul3A_370 : f32 to vector<16xf32>
        %mul3A_372 = arith.mulf %get3A_369, %mul3A_371 : vector<16xf32>
        %swap3A_373 = arith.index_cast %add3A_211 : i32 to index
        %swap3A_374 = arith.constant 208 : index
        %swap3A_375 = tpu.vector_load %arg7[%swap3A_373, %swap3A_374] {strides = array<i32>} : memref<32x512xf32, #tpu.memory_space<vmem>>, vector<1x16xf32>,
        %swap3A_376 = vector.shape_cast %swap3A_375 : vector<1x16xf32> to vector<16xf32>
        %swap3A_377 = vector.shape_cast %mul3A_372 : vector<16xf32> to vector<1x16xf32>
        tpu.vector_store %arg7[%swap3A_373, %swap3A_374], %swap3A_377 {strides = array<i32>} : memref<32x512xf32, #tpu.memory_space<vmem>>, vector<1x16xf32>,
        %get3A_378 = arith.index_cast %add3A_211 : i32 to index
        %get3A_379 = arith.constant 224 : index
        %get3A_380 = tpu.vector_load %arg7[%get3A_378, %get3A_379] {strides = array<i32>} : memref<32x512xf32, #tpu.memory_space<vmem>>, vector<1x16xf32>,
        %get3A_381 = vector.shape_cast %get3A_380 : vector<1x16xf32> to vector<16xf32>
        %mul3A_382 = arith.constant 22.6274166 : f32
        %mul3A_383 = vector.broadcast %mul3A_382 : f32 to vector<16xf32>
        %mul3A_384 = arith.mulf %get3A_381, %mul3A_383 : vector<16xf32>
        %swap3A_385 = arith.index_cast %add3A_211 : i32 to index
        %swap3A_386 = arith.constant 224 : index
        %swap3A_387 = tpu.vector_load %arg7[%swap3A_385, %swap3A_386] {strides = array<i32>} : memref<32x512xf32, #tpu.memory_space<vmem>>, vector<1x16xf32>,
        %swap3A_388 = vector.shape_cast %swap3A_387 : vector<1x16xf32> to vector<16xf32>
        %swap3A_389 = vector.shape_cast %mul3A_384 : vector<16xf32> to vector<1x16xf32>
        tpu.vector_store %arg7[%swap3A_385, %swap3A_386], %swap3A_389 {strides = array<i32>} : memref<32x512xf32, #tpu.memory_space<vmem>>, vector<1x16xf32>,
        %get3A_390 = arith.index_cast %add3A_211 : i32 to index
        %get3A_391 = arith.constant 240 : index
        %get3A_392 = tpu.vector_load %arg7[%get3A_390, %get3A_391] {strides = array<i32>} : memref<32x512xf32, #tpu.memory_space<vmem>>, vector<1x16xf32>,
        %get3A_393 = vector.shape_cast %get3A_392 : vector<1x16xf32> to vector<16xf32>
        %mul3A_394 = arith.constant 22.6274166 : f32
        %mul3A_395 = vector.broadcast %mul3A_394 : f32 to vector<16xf32>
        %mul3A_396 = arith.mulf %get3A_393, %mul3A_395 : vector<16xf32>
        %swap3A_397 = arith.index_cast %add3A_211 : i32 to index
        %swap3A_398 = arith.constant 240 : index
        %swap3A_399 = tpu.vector_load %arg7[%swap3A_397, %swap3A_398] {strides = array<i32>} : memref<32x512xf32, #tpu.memory_space<vmem>>, vector<1x16xf32>,
        %swap3A_400 = vector.shape_cast %swap3A_399 : vector<1x16xf32> to vector<16xf32>
        %swap3A_401 = vector.shape_cast %mul3A_396 : vector<16xf32> to vector<1x16xf32>
        tpu.vector_store %arg7[%swap3A_397, %swap3A_398], %swap3A_401 {strides = array<i32>} : memref<32x512xf32, #tpu.memory_space<vmem>>, vector<1x16xf32>,
        %get3A_402 = arith.index_cast %add3A_211 : i32 to index
        %get3A_403 = arith.constant 256 : index
        %get3A_404 = tpu.vector_load %arg7[%get3A_402, %get3A_403] {strides = array<i32>} : memref<32x512xf32, #tpu.memory_space<vmem>>, vector<1x16xf32>,
        %get3A_405 = vector.shape_cast %get3A_404 : vector<1x16xf32> to vector<16xf32>
        %mul3A_406 = arith.constant 22.6274166 : f32
        %mul3A_407 = vector.broadcast %mul3A_406 : f32 to vector<16xf32>
        %mul3A_408 = arith.mulf %get3A_405, %mul3A_407 : vector<16xf32>
        %swap3A_409 = arith.index_cast %add3A_211 : i32 to index
        %swap3A_410 = arith.constant 256 : index
        %swap3A_411 = tpu.vector_load %arg7[%swap3A_409, %swap3A_410] {strides = array<i32>} : memref<32x512xf32, #tpu.memory_space<vmem>>, vector<1x16xf32>,
        %swap3A_412 = vector.shape_cast %swap3A_411 : vector<1x16xf32> to vector<16xf32>
        %swap3A_413 = vector.shape_cast %mul3A_408 : vector<16xf32> to vector<1x16xf32>
        tpu.vector_store %arg7[%swap3A_409, %swap3A_410], %swap3A_413 {strides = array<i32>} : memref<32x512xf32, #tpu.memory_space<vmem>>, vector<1x16xf32>,
        %get3A_414 = arith.index_cast %add3A_211 : i32 to index
        %get3A_415 = arith.constant 272 : index
        %get3A_416 = tpu.vector_load %arg7[%get3A_414, %get3A_415] {strides = array<i32>} : memref<32x512xf32, #tpu.memory_space<vmem>>, vector<1x16xf32>,
        %get3A_417 = vector.shape_cast %get3A_416 : vector<1x16xf32> to vector<16xf32>
        %mul3A_418 = arith.constant 22.6274166 : f32
        %mul3A_419 = vector.broadcast %mul3A_418 : f32 to vector<16xf32>
        %mul3A_420 = arith.mulf %get3A_417, %mul3A_419 : vector<16xf32>
        %swap3A_421 = arith.index_cast %add3A_211 : i32 to index
        %swap3A_422 = arith.constant 272 : index
        %swap3A_423 = tpu.vector_load %arg7[%swap3A_421, %swap3A_422] {strides = array<i32>} : memref<32x512xf32, #tpu.memory_space<vmem>>, vector<1x16xf32>,
        %swap3A_424 = vector.shape_cast %swap3A_423 : vector<1x16xf32> to vector<16xf32>
        %swap3A_425 = vector.shape_cast %mul3A_420 : vector<16xf32> to vector<1x16xf32>
        tpu.vector_store %arg7[%swap3A_421, %swap3A_422], %swap3A_425 {strides = array<i32>} : memref<32x512xf32, #tpu.memory_space<vmem>>, vector<1x16xf32>,
        %get3A_426 = arith.index_cast %add3A_211 : i32 to index
        %get3A_427 = arith.constant 288 : index
        %get3A_428 = tpu.vector_load %arg7[%get3A_426, %get3A_427] {strides = array<i32>} : memref<32x512xf32, #tpu.memory_space<vmem>>, vector<1x16xf32>,
        %get3A_429 = vector.shape_cast %get3A_428 : vector<1x16xf32> to vector<16xf32>
        %mul3A_430 = arith.constant 22.6274166 : f32
        %mul3A_431 = vector.broadcast %mul3A_430 : f32 to vector<16xf32>
        %mul3A_432 = arith.mulf %get3A_429, %mul3A_431 : vector<16xf32>
        %swap3A_433 = arith.index_cast %add3A_211 : i32 to index
        %swap3A_434 = arith.constant 288 : index
        %swap3A_435 = tpu.vector_load %arg7[%swap3A_433, %swap3A_434] {strides = array<i32>} : memref<32x512xf32, #tpu.memory_space<vmem>>, vector<1x16xf32>,
        %swap3A_436 = vector.shape_cast %swap3A_435 : vector<1x16xf32> to vector<16xf32>
        %swap3A_437 = vector.shape_cast %mul3A_432 : vector<16xf32> to vector<1x16xf32>
        tpu.vector_store %arg7[%swap3A_433, %swap3A_434], %swap3A_437 {strides = array<i32>} : memref<32x512xf32, #tpu.memory_space<vmem>>, vector<1x16xf32>,
        %get3A_438 = arith.index_cast %add3A_211 : i32 to index
        %get3A_439 = arith.constant 304 : index
        %get3A_440 = tpu.vector_load %arg7[%get3A_438, %get3A_439] {strides = array<i32>} : memref<32x512xf32, #tpu.memory_space<vmem>>, vector<1x16xf32>,
        %get3A_441 = vector.shape_cast %get3A_440 : vector<1x16xf32> to vector<16xf32>
        %mul3A_442 = arith.constant 22.6274166 : f32
        %mul3A_443 = vector.broadcast %mul3A_442 : f32 to vector<16xf32>
        %mul3A_444 = arith.mulf %get3A_441, %mul3A_443 : vector<16xf32>
        %swap3A_445 = arith.index_cast %add3A_211 : i32 to index
        %swap3A_446 = arith.constant 304 : index
        %swap3A_447 = tpu.vector_load %arg7[%swap3A_445, %swap3A_446] {strides = array<i32>} : memref<32x512xf32, #tpu.memory_space<vmem>>, vector<1x16xf32>,
        %swap3A_448 = vector.shape_cast %swap3A_447 : vector<1x16xf32> to vector<16xf32>
        %swap3A_449 = vector.shape_cast %mul3A_444 : vector<16xf32> to vector<1x16xf32>
        tpu.vector_store %arg7[%swap3A_445, %swap3A_446], %swap3A_449 {strides = array<i32>} : memref<32x512xf32, #tpu.memory_space<vmem>>, vector<1x16xf32>,
        %get3A_450 = arith.index_cast %add3A_211 : i32 to index
        %get3A_451 = arith.constant 320 : index
        %get3A_452 = tpu.vector_load %arg7[%get3A_450, %get3A_451] {strides = array<i32>} : memref<32x512xf32, #tpu.memory_space<vmem>>, vector<1x16xf32>,
        %get3A_453 = vector.shape_cast %get3A_452 : vector<1x16xf32> to vector<16xf32>
        %mul3A_454 = arith.constant 22.6274166 : f32
        %mul3A_455 = vector.broadcast %mul3A_454 : f32 to vector<16xf32>
        %mul3A_456 = arith.mulf %get3A_453, %mul3A_455 : vector<16xf32>
        %swap3A_457 = arith.index_cast %add3A_211 : i32 to index
        %swap3A_458 = arith.constant 320 : index
        %swap3A_459 = tpu.vector_load %arg7[%swap3A_457, %swap3A_458] {strides = array<i32>} : memref<32x512xf32, #tpu.memory_space<vmem>>, vector<1x16xf32>,
        %swap3A_460 = vector.shape_cast %swap3A_459 : vector<1x16xf32> to vector<16xf32>
        %swap3A_461 = vector.shape_cast %mul3A_456 : vector<16xf32> to vector<1x16xf32>
        tpu.vector_store %arg7[%swap3A_457, %swap3A_458], %swap3A_461 {strides = array<i32>} : memref<32x512xf32, #tpu.memory_space<vmem>>, vector<1x16xf32>,
        %get3A_462 = arith.index_cast %add3A_211 : i32 to index
        %get3A_463 = arith.constant 336 : index
        %get3A_464 = tpu.vector_load %arg7[%get3A_462, %get3A_463] {strides = array<i32>} : memref<32x512xf32, #tpu.memory_space<vmem>>, vector<1x16xf32>,
        %get3A_465 = vector.shape_cast %get3A_464 : vector<1x16xf32> to vector<16xf32>
        %mul3A_466 = arith.constant 22.6274166 : f32
        %mul3A_467 = vector.broadcast %mul3A_466 : f32 to vector<16xf32>
        %mul3A_468 = arith.mulf %get3A_465, %mul3A_467 : vector<16xf32>
        %swap3A_469 = arith.index_cast %add3A_211 : i32 to index
        %swap3A_470 = arith.constant 336 : index
        %swap3A_471 = tpu.vector_load %arg7[%swap3A_469, %swap3A_470] {strides = array<i32>} : memref<32x512xf32, #tpu.memory_space<vmem>>, vector<1x16xf32>,
        %swap3A_472 = vector.shape_cast %swap3A_471 : vector<1x16xf32> to vector<16xf32>
        %swap3A_473 = vector.shape_cast %mul3A_468 : vector<16xf32> to vector<1x16xf32>
        tpu.vector_store %arg7[%swap3A_469, %swap3A_470], %swap3A_473 {strides = array<i32>} : memref<32x512xf32, #tpu.memory_space<vmem>>, vector<1x16xf32>,
        %get3A_474 = arith.index_cast %add3A_211 : i32 to index
        %get3A_475 = arith.constant 352 : index
        %get3A_476 = tpu.vector_load %arg7[%get3A_474, %get3A_475] {strides = array<i32>} : memref<32x512xf32, #tpu.memory_space<vmem>>, vector<1x16xf32>,
        %get3A_477 = vector.shape_cast %get3A_476 : vector<1x16xf32> to vector<16xf32>
        %mul3A_478 = arith.constant 22.6274166 : f32
        %mul3A_479 = vector.broadcast %mul3A_478 : f32 to vector<16xf32>
        %mul3A_480 = arith.mulf %get3A_477, %mul3A_479 : vector<16xf32>
        %swap3A_481 = arith.index_cast %add3A_211 : i32 to index
        %swap3A_482 = arith.constant 352 : index
        %swap3A_483 = tpu.vector_load %arg7[%swap3A_481, %swap3A_482] {strides = array<i32>} : memref<32x512xf32, #tpu.memory_space<vmem>>, vector<1x16xf32>,
        %swap3A_484 = vector.shape_cast %swap3A_483 : vector<1x16xf32> to vector<16xf32>
        %swap3A_485 = vector.shape_cast %mul3A_480 : vector<16xf32> to vector<1x16xf32>
        tpu.vector_store %arg7[%swap3A_481, %swap3A_482], %swap3A_485 {strides = array<i32>} : memref<32x512xf32, #tpu.memory_space<vmem>>, vector<1x16xf32>,
        %get3A_486 = arith.index_cast %add3A_211 : i32 to index
        %get3A_487 = arith.constant 368 : index
        %get3A_488 = tpu.vector_load %arg7[%get3A_486, %get3A_487] {strides = array<i32>} : memref<32x512xf32, #tpu.memory_space<vmem>>, vector<1x16xf32>,
        %get3A_489 = vector.shape_cast %get3A_488 : vector<1x16xf32> to vector<16xf32>
        %mul3A_490 = arith.constant 22.6274166 : f32
        %mul3A_491 = vector.broadcast %mul3A_490 : f32 to vector<16xf32>
        %mul3A_492 = arith.mulf %get3A_489, %mul3A_491 : vector<16xf32>
        %swap3A_493 = arith.index_cast %add3A_211 : i32 to index
        %swap3A_494 = arith.constant 368 : index
        %swap3A_495 = tpu.vector_load %arg7[%swap3A_493, %swap3A_494] {strides = array<i32>} : memref<32x512xf32, #tpu.memory_space<vmem>>, vector<1x16xf32>,
        %swap3A_496 = vector.shape_cast %swap3A_495 : vector<1x16xf32> to vector<16xf32>
        %swap3A_497 = vector.shape_cast %mul3A_492 : vector<16xf32> to vector<1x16xf32>
        tpu.vector_store %arg7[%swap3A_493, %swap3A_494], %swap3A_497 {strides = array<i32>} : memref<32x512xf32, #tpu.memory_space<vmem>>, vector<1x16xf32>,
        %get3A_498 = arith.index_cast %add3A_211 : i32 to index
        %get3A_499 = arith.constant 384 : index
        %get3A_500 = tpu.vector_load %arg7[%get3A_498, %get3A_499] {strides = array<i32>} : memref<32x512xf32, #tpu.memory_space<vmem>>, vector<1x16xf32>,
        %get3A_501 = vector.shape_cast %get3A_500 : vector<1x16xf32> to vector<16xf32>
        %mul3A_502 = arith.constant 22.6274166 : f32
        %mul3A_503 = vector.broadcast %mul3A_502 : f32 to vector<16xf32>
        %mul3A_504 = arith.mulf %get3A_501, %mul3A_503 : vector<16xf32>
        %swap3A_505 = arith.index_cast %add3A_211 : i32 to index
        %swap3A_506 = arith.constant 384 : index
        %swap3A_507 = tpu.vector_load %arg7[%swap3A_505, %swap3A_506] {strides = array<i32>} : memref<32x512xf32, #tpu.memory_space<vmem>>, vector<1x16xf32>,
        %swap3A_508 = vector.shape_cast %swap3A_507 : vector<1x16xf32> to vector<16xf32>
        %swap3A_509 = vector.shape_cast %mul3A_504 : vector<16xf32> to vector<1x16xf32>
        tpu.vector_store %arg7[%swap3A_505, %swap3A_506], %swap3A_509 {strides = array<i32>} : memref<32x512xf32, #tpu.memory_space<vmem>>, vector<1x16xf32>,
        %get3A_510 = arith.index_cast %add3A_211 : i32 to index
        %get3A_511 = arith.constant 400 : index
        %get3A_512 = tpu.vector_load %arg7[%get3A_510, %get3A_511] {strides = array<i32>} : memref<32x512xf32, #tpu.memory_space<vmem>>, vector<1x16xf32>,
        %get3A_513 = vector.shape_cast %get3A_512 : vector<1x16xf32> to vector<16xf32>
        %mul3A_514 = arith.constant 22.6274166 : f32
        %mul3A_515 = vector.broadcast %mul3A_514 : f32 to vector<16xf32>
        %mul3A_516 = arith.mulf %get3A_513, %mul3A_515 : vector<16xf32>
        %swap3A_517 = arith.index_cast %add3A_211 : i32 to index
        %swap3A_518 = arith.constant 400 : index
        %swap3A_519 = tpu.vector_load %arg7[%swap3A_517, %swap3A_518] {strides = array<i32>} : memref<32x512xf32, #tpu.memory_space<vmem>>, vector<1x16xf32>,
        %swap3A_520 = vector.shape_cast %swap3A_519 : vector<1x16xf32> to vector<16xf32>
        %swap3A_521 = vector.shape_cast %mul3A_516 : vector<16xf32> to vector<1x16xf32>
        tpu.vector_store %arg7[%swap3A_517, %swap3A_518], %swap3A_521 {strides = array<i32>} : memref<32x512xf32, #tpu.memory_space<vmem>>, vector<1x16xf32>,
        %get3A_522 = arith.index_cast %add3A_211 : i32 to index
        %get3A_523 = arith.constant 416 : index
        %get3A_524 = tpu.vector_load %arg7[%get3A_522, %get3A_523] {strides = array<i32>} : memref<32x512xf32, #tpu.memory_space<vmem>>, vector<1x16xf32>,
        %get3A_525 = vector.shape_cast %get3A_524 : vector<1x16xf32> to vector<16xf32>
        %mul3A_526 = arith.constant 22.6274166 : f32
        %mul3A_527 = vector.broadcast %mul3A_526 : f32 to vector<16xf32>
        %mul3A_528 = arith.mulf %get3A_525, %mul3A_527 : vector<16xf32>
        %swap3A_529 = arith.index_cast %add3A_211 : i32 to index
        %swap3A_530 = arith.constant 416 : index
        %swap3A_531 = tpu.vector_load %arg7[%swap3A_529, %swap3A_530] {strides = array<i32>} : memref<32x512xf32, #tpu.memory_space<vmem>>, vector<1x16xf32>,
        %swap3A_532 = vector.shape_cast %swap3A_531 : vector<1x16xf32> to vector<16xf32>
        %swap3A_533 = vector.shape_cast %mul3A_528 : vector<16xf32> to vector<1x16xf32>
        tpu.vector_store %arg7[%swap3A_529, %swap3A_530], %swap3A_533 {strides = array<i32>} : memref<32x512xf32, #tpu.memory_space<vmem>>, vector<1x16xf32>,
        %get3A_534 = arith.index_cast %add3A_211 : i32 to index
        %get3A_535 = arith.constant 432 : index
        %get3A_536 = tpu.vector_load %arg7[%get3A_534, %get3A_535] {strides = array<i32>} : memref<32x512xf32, #tpu.memory_space<vmem>>, vector<1x16xf32>,
        %get3A_537 = vector.shape_cast %get3A_536 : vector<1x16xf32> to vector<16xf32>
        %mul3A_538 = arith.constant 22.6274166 : f32
        %mul3A_539 = vector.broadcast %mul3A_538 : f32 to vector<16xf32>
        %mul3A_540 = arith.mulf %get3A_537, %mul3A_539 : vector<16xf32>
        %swap3A_541 = arith.index_cast %add3A_211 : i32 to index
        %swap3A_542 = arith.constant 432 : index
        %swap3A_543 = tpu.vector_load %arg7[%swap3A_541, %swap3A_542] {strides = array<i32>} : memref<32x512xf32, #tpu.memory_space<vmem>>, vector<1x16xf32>,
        %swap3A_544 = vector.shape_cast %swap3A_543 : vector<1x16xf32> to vector<16xf32>
        %swap3A_545 = vector.shape_cast %mul3A_540 : vector<16xf32> to vector<1x16xf32>
        tpu.vector_store %arg7[%swap3A_541, %swap3A_542], %swap3A_545 {strides = array<i32>} : memref<32x512xf32, #tpu.memory_space<vmem>>, vector<1x16xf32>,
        %get3A_546 = arith.index_cast %add3A_211 : i32 to index
        %get3A_547 = arith.constant 448 : index
        %get3A_548 = tpu.vector_load %arg7[%get3A_546, %get3A_547] {strides = array<i32>} : memref<32x512xf32, #tpu.memory_space<vmem>>, vector<1x16xf32>,
        %get3A_549 = vector.shape_cast %get3A_548 : vector<1x16xf32> to vector<16xf32>
        %mul3A_550 = arith.constant 22.6274166 : f32
        %mul3A_551 = vector.broadcast %mul3A_550 : f32 to vector<16xf32>
        %mul3A_552 = arith.mulf %get3A_549, %mul3A_551 : vector<16xf32>
        %swap3A_553 = arith.index_cast %add3A_211 : i32 to index
        %swap3A_554 = arith.constant 448 : index
        %swap3A_555 = tpu.vector_load %arg7[%swap3A_553, %swap3A_554] {strides = array<i32>} : memref<32x512xf32, #tpu.memory_space<vmem>>, vector<1x16xf32>,
        %swap3A_556 = vector.shape_cast %swap3A_555 : vector<1x16xf32> to vector<16xf32>
        %swap3A_557 = vector.shape_cast %mul3A_552 : vector<16xf32> to vector<1x16xf32>
        tpu.vector_store %arg7[%swap3A_553, %swap3A_554], %swap3A_557 {strides = array<i32>} : memref<32x512xf32, #tpu.memory_space<vmem>>, vector<1x16xf32>,
        %get3A_558 = arith.index_cast %add3A_211 : i32 to index
        %get3A_559 = arith.constant 464 : index
        %get3A_560 = tpu.vector_load %arg7[%get3A_558, %get3A_559] {strides = array<i32>} : memref<32x512xf32, #tpu.memory_space<vmem>>, vector<1x16xf32>,
        %get3A_561 = vector.shape_cast %get3A_560 : vector<1x16xf32> to vector<16xf32>
        %mul3A_562 = arith.constant 22.6274166 : f32
        %mul3A_563 = vector.broadcast %mul3A_562 : f32 to vector<16xf32>
        %mul3A_564 = arith.mulf %get3A_561, %mul3A_563 : vector<16xf32>
        %swap3A_565 = arith.index_cast %add3A_211 : i32 to index
        %swap3A_566 = arith.constant 464 : index
        %swap3A_567 = tpu.vector_load %arg7[%swap3A_565, %swap3A_566] {strides = array<i32>} : memref<32x512xf32, #tpu.memory_space<vmem>>, vector<1x16xf32>,
        %swap3A_568 = vector.shape_cast %swap3A_567 : vector<1x16xf32> to vector<16xf32>
        %swap3A_569 = vector.shape_cast %mul3A_564 : vector<16xf32> to vector<1x16xf32>
        tpu.vector_store %arg7[%swap3A_565, %swap3A_566], %swap3A_569 {strides = array<i32>} : memref<32x512xf32, #tpu.memory_space<vmem>>, vector<1x16xf32>,
        %get3A_570 = arith.index_cast %add3A_211 : i32 to index
        %get3A_571 = arith.constant 480 : index
        %get3A_572 = tpu.vector_load %arg7[%get3A_570, %get3A_571] {strides = array<i32>} : memref<32x512xf32, #tpu.memory_space<vmem>>, vector<1x16xf32>,
        %get3A_573 = vector.shape_cast %get3A_572 : vector<1x16xf32> to vector<16xf32>
        %mul3A_574 = arith.constant 22.6274166 : f32
        %mul3A_575 = vector.broadcast %mul3A_574 : f32 to vector<16xf32>
        %mul3A_576 = arith.mulf %get3A_573, %mul3A_575 : vector<16xf32>
        %swap3A_577 = arith.index_cast %add3A_211 : i32 to index
        %swap3A_578 = arith.constant 480 : index
        %swap3A_579 = tpu.vector_load %arg7[%swap3A_577, %swap3A_578] {strides = array<i32>} : memref<32x512xf32, #tpu.memory_space<vmem>>, vector<1x16xf32>,
        %swap3A_580 = vector.shape_cast %swap3A_579 : vector<1x16xf32> to vector<16xf32>
        %swap3A_581 = vector.shape_cast %mul3A_576 : vector<16xf32> to vector<1x16xf32>
        tpu.vector_store %arg7[%swap3A_577, %swap3A_578], %swap3A_581 {strides = array<i32>} : memref<32x512xf32, #tpu.memory_space<vmem>>, vector<1x16xf32>,
        %get3A_582 = arith.index_cast %add3A_211 : i32 to index
        %get3A_583 = arith.constant 496 : index
        %get3A_584 = tpu.vector_load %arg7[%get3A_582, %get3A_583] {strides = array<i32>} : memref<32x512xf32, #tpu.memory_space<vmem>>, vector<1x16xf32>,
        %get3A_585 = vector.shape_cast %get3A_584 : vector<1x16xf32> to vector<16xf32>
        %mul3A_586 = arith.constant 22.6274166 : f32
        %mul3A_587 = vector.broadcast %mul3A_586 : f32 to vector<16xf32>
        %mul3A_588 = arith.mulf %get3A_585, %mul3A_587 : vector<16xf32>
        %swap3A_589 = arith.index_cast %add3A_211 : i32 to index
        %swap3A_590 = arith.constant 496 : index
        %swap3A_591 = tpu.vector_load %arg7[%swap3A_589, %swap3A_590] {strides = array<i32>} : memref<32x512xf32, #tpu.memory_space<vmem>>, vector<1x16xf32>,
        %swap3A_592 = vector.shape_cast %swap3A_591 : vector<1x16xf32> to vector<16xf32>
        %swap3A_593 = vector.shape_cast %mul3A_588 : vector<16xf32> to vector<1x16xf32>
        tpu.vector_store %arg7[%swap3A_589, %swap3A_590], %swap3A_593 {strides = array<i32>} : memref<32x512xf32, #tpu.memory_space<vmem>>, vector<1x16xf32>,
      }
      %scan3A_97 = arith.constant 32 : i32
      %mul3A_98 = arith.constant 32 : i32
      %mul3A_99 = arith.muli %add3A_86, %mul3A_98 : i32
      %add3A_100 = arith.addi %mul3A_2, %mul3A_99 : i32
      %dma_start3A_101 = arith.constant 0 : i32
      %dma_start3A_102 = tpu.memref_slice %arg4[%add3A_100, %dma_start3A_101] : memref<819200x512xf32, #tpu.memory_space<hbm>> -> memref<32x512xf32, #tpu.memory_space<hbm>>
      %dma_start3A_103 = arith.constant 0 : i32
      %dma_start3A_104 = tpu.memref_slice %arg4[%add3A_100, %dma_start3A_103] : memref<819200x512xf32, #tpu.memory_space<hbm>> -> memref<32x512xf32, #tpu.memory_space<hbm>>
      tpu.enqueue_dma source(%arg7 : memref<32x512xf32, #tpu.memory_space<vmem>>) target(%dma_start3A_104 : memref<32x512xf32, #tpu.memory_space<hbm>>) target_semaphore(%arg17 : memref<!tpu.dma_semaphore, #tpu.memory_space<semaphore_mem>>)
      %add3A_105 = arith.constant 2 : i32
      %add3A_106 = arith.addi %add3A_64, %add3A_105 : i32
      %mul3A_107 = arith.constant 32 : i32
      %mul3A_108 = arith.muli %add3A_106, %mul3A_107 : i32
      %dma_wait3A_109 = tpu.memref_slice %arg5[%mul3A_108] : memref<25600xi32, #tpu.memory_space<vmem>> -> memref<32xi32, #tpu.memory_space<vmem>>
      %dma_wait3A_110 = arith.constant 0 : i32
      %dma_wait3A_111 = arith.constant 0 : i32
      %dma_wait3A_112 = tpu.memref_slice %arg2[%dma_wait3A_110, %dma_wait3A_111] : memref<100000x512xf32, #tpu.memory_space<hbm>> -> memref<100000x512xf32, #tpu.memory_space<hbm>>
      tpu.wait_indirect_dma semaphore(%arg13 : memref<!tpu.dma_semaphore, #tpu.memory_space<semaphore_mem>>) src(%dma_wait3A_112 : memref<100000x512xf32, #tpu.memory_space<hbm>>) dst(%arg8 : memref<32x512xf32, #tpu.memory_space<vmem>>)
      %scan3A_113 = arith.constant 0 : i32
      %scan3A_114 = arith.constant 32 : i32
      %scan3A_115 = arith.addi %scan3A_113, %scan3A_114 : i32
      %scan3A_116 = arith.constant 1 : i32
      scf.for %scan3A_207 = %scan3A_113 to %scan3A_115 step %scan3A_116  : i32 {
        %mul3A_208 = arith.constant 1 : i32
        %mul3A_209 = arith.muli %scan3A_207, %mul3A_208 : i32
        %add3A_210 = arith.constant 0 : i32
        %add3A_211 = arith.addi %add3A_210, %mul3A_209 : i32
        %get3A = arith.index_cast %add3A_211 : i32 to index
        %get3A_212 = arith.constant 0 : index
        %get3A_213 = tpu.vector_load %arg8[%get3A, %get3A_212] {strides = array<i32>} : memref<32x512xf32, #tpu.memory_space<vmem>>, vector<1x16xf32>,
        %get3A_214 = vector.shape_cast %get3A_213 : vector<1x16xf32> to vector<16xf32>
        %mul3A_215 = arith.constant 22.6274166 : f32
        %mul3A_216 = vector.broadcast %mul3A_215 : f32 to vector<16xf32>
        %mul3A_217 = arith.mulf %get3A_214, %mul3A_216 : vector<16xf32>
        %swap3A = arith.index_cast %add3A_211 : i32 to index
        %swap3A_218 = arith.constant 0 : index
        %swap3A_219 = tpu.vector_load %arg8[%swap3A, %swap3A_218] {strides = array<i32>} : memref<32x512xf32, #tpu.memory_space<vmem>>, vector<1x16xf32>,
        %swap3A_220 = vector.shape_cast %swap3A_219 : vector<1x16xf32> to vector<16xf32>
        %swap3A_221 = vector.shape_cast %mul3A_217 : vector<16xf32> to vector<1x16xf32>
        tpu.vector_store %arg8[%swap3A, %swap3A_218], %swap3A_221 {strides = array<i32>} : memref<32x512xf32, #tpu.memory_space<vmem>>, vector<1x16xf32>,
        %get3A_222 = arith.index_cast %add3A_211 : i32 to index
        %get3A_223 = arith.constant 16 : index
        %get3A_224 = tpu.vector_load %arg8[%get3A_222, %get3A_223] {strides = array<i32>} : memref<32x512xf32, #tpu.memory_space<vmem>>, vector<1x16xf32>,
        %get3A_225 = vector.shape_cast %get3A_224 : vector<1x16xf32> to vector<16xf32>
        %mul3A_226 = arith.constant 22.6274166 : f32
        %mul3A_227 = vector.broadcast %mul3A_226 : f32 to vector<16xf32>
        %mul3A_228 = arith.mulf %get3A_225, %mul3A_227 : vector<16xf32>
        %swap3A_229 = arith.index_cast %add3A_211 : i32 to index
        %swap3A_230 = arith.constant 16 : index
        %swap3A_231 = tpu.vector_load %arg8[%swap3A_229, %swap3A_230] {strides = array<i32>} : memref<32x512xf32, #tpu.memory_space<vmem>>, vector<1x16xf32>,
        %swap3A_232 = vector.shape_cast %swap3A_231 : vector<1x16xf32> to vector<16xf32>
        %swap3A_233 = vector.shape_cast %mul3A_228 : vector<16xf32> to vector<1x16xf32>
        tpu.vector_store %arg8[%swap3A_229, %swap3A_230], %swap3A_233 {strides = array<i32>} : memref<32x512xf32, #tpu.memory_space<vmem>>, vector<1x16xf32>,
        %get3A_234 = arith.index_cast %add3A_211 : i32 to index
        %get3A_235 = arith.constant 32 : index
        %get3A_236 = tpu.vector_load %arg8[%get3A_234, %get3A_235] {strides = array<i32>} : memref<32x512xf32, #tpu.memory_space<vmem>>, vector<1x16xf32>,
        %get3A_237 = vector.shape_cast %get3A_236 : vector<1x16xf32> to vector<16xf32>
        %mul3A_238 = arith.constant 22.6274166 : f32
        %mul3A_239 = vector.broadcast %mul3A_238 : f32 to vector<16xf32>
        %mul3A_240 = arith.mulf %get3A_237, %mul3A_239 : vector<16xf32>
        %swap3A_241 = arith.index_cast %add3A_211 : i32 to index
        %swap3A_242 = arith.constant 32 : index
        %swap3A_243 = tpu.vector_load %arg8[%swap3A_241, %swap3A_242] {strides = array<i32>} : memref<32x512xf32, #tpu.memory_space<vmem>>, vector<1x16xf32>,
        %swap3A_244 = vector.shape_cast %swap3A_243 : vector<1x16xf32> to vector<16xf32>
        %swap3A_245 = vector.shape_cast %mul3A_240 : vector<16xf32> to vector<1x16xf32>
        tpu.vector_store %arg8[%swap3A_241, %swap3A_242], %swap3A_245 {strides = array<i32>} : memref<32x512xf32, #tpu.memory_space<vmem>>, vector<1x16xf32>,
        %get3A_246 = arith.index_cast %add3A_211 : i32 to index
        %get3A_247 = arith.constant 48 : index
        %get3A_248 = tpu.vector_load %arg8[%get3A_246, %get3A_247] {strides = array<i32>} : memref<32x512xf32, #tpu.memory_space<vmem>>, vector<1x16xf32>,
        %get3A_249 = vector.shape_cast %get3A_248 : vector<1x16xf32> to vector<16xf32>
        %mul3A_250 = arith.constant 22.6274166 : f32
        %mul3A_251 = vector.broadcast %mul3A_250 : f32 to vector<16xf32>
        %mul3A_252 = arith.mulf %get3A_249, %mul3A_251 : vector<16xf32>
        %swap3A_253 = arith.index_cast %add3A_211 : i32 to index
        %swap3A_254 = arith.constant 48 : index
        %swap3A_255 = tpu.vector_load %arg8[%swap3A_253, %swap3A_254] {strides = array<i32>} : memref<32x512xf32, #tpu.memory_space<vmem>>, vector<1x16xf32>,
        %swap3A_256 = vector.shape_cast %swap3A_255 : vector<1x16xf32> to vector<16xf32>
        %swap3A_257 = vector.shape_cast %mul3A_252 : vector<16xf32> to vector<1x16xf32>
        tpu.vector_store %arg8[%swap3A_253, %swap3A_254], %swap3A_257 {strides = array<i32>} : memref<32x512xf32, #tpu.memory_space<vmem>>, vector<1x16xf32>,
        %get3A_258 = arith.index_cast %add3A_211 : i32 to index
        %get3A_259 = arith.constant 64 : index
        %get3A_260 = tpu.vector_load %arg8[%get3A_258, %get3A_259] {strides = array<i32>} : memref<32x512xf32, #tpu.memory_space<vmem>>, vector<1x16xf32>,
        %get3A_261 = vector.shape_cast %get3A_260 : vector<1x16xf32> to vector<16xf32>
        %mul3A_262 = arith.constant 22.6274166 : f32
        %mul3A_263 = vector.broadcast %mul3A_262 : f32 to vector<16xf32>
        %mul3A_264 = arith.mulf %get3A_261, %mul3A_263 : vector<16xf32>
        %swap3A_265 = arith.index_cast %add3A_211 : i32 to index
        %swap3A_266 = arith.constant 64 : index
        %swap3A_267 = tpu.vector_load %arg8[%swap3A_265, %swap3A_266] {strides = array<i32>} : memref<32x512xf32, #tpu.memory_space<vmem>>, vector<1x16xf32>,
        %swap3A_268 = vector.shape_cast %swap3A_267 : vector<1x16xf32> to vector<16xf32>
        %swap3A_269 = vector.shape_cast %mul3A_264 : vector<16xf32> to vector<1x16xf32>
        tpu.vector_store %arg8[%swap3A_265, %swap3A_266], %swap3A_269 {strides = array<i32>} : memref<32x512xf32, #tpu.memory_space<vmem>>, vector<1x16xf32>,
        %get3A_270 = arith.index_cast %add3A_211 : i32 to index
        %get3A_271 = arith.constant 80 : index
        %get3A_272 = tpu.vector_load %arg8[%get3A_270, %get3A_271] {strides = array<i32>} : memref<32x512xf32, #tpu.memory_space<vmem>>, vector<1x16xf32>,
        %get3A_273 = vector.shape_cast %get3A_272 : vector<1x16xf32> to vector<16xf32>
        %mul3A_274 = arith.constant 22.6274166 : f32
        %mul3A_275 = vector.broadcast %mul3A_274 : f32 to vector<16xf32>
        %mul3A_276 = arith.mulf %get3A_273, %mul3A_275 : vector<16xf32>
        %swap3A_277 = arith.index_cast %add3A_211 : i32 to index
        %swap3A_278 = arith.constant 80 : index
        %swap3A_279 = tpu.vector_load %arg8[%swap3A_277, %swap3A_278] {strides = array<i32>} : memref<32x512xf32, #tpu.memory_space<vmem>>, vector<1x16xf32>,
        %swap3A_280 = vector.shape_cast %swap3A_279 : vector<1x16xf32> to vector<16xf32>
        %swap3A_281 = vector.shape_cast %mul3A_276 : vector<16xf32> to vector<1x16xf32>
        tpu.vector_store %arg8[%swap3A_277, %swap3A_278], %swap3A_281 {strides = array<i32>} : memref<32x512xf32, #tpu.memory_space<vmem>>, vector<1x16xf32>,
        %get3A_282 = arith.index_cast %add3A_211 : i32 to index
        %get3A_283 = arith.constant 96 : index
        %get3A_284 = tpu.vector_load %arg8[%get3A_282, %get3A_283] {strides = array<i32>} : memref<32x512xf32, #tpu.memory_space<vmem>>, vector<1x16xf32>,
        %get3A_285 = vector.shape_cast %get3A_284 : vector<1x16xf32> to vector<16xf32>
        %mul3A_286 = arith.constant 22.6274166 : f32
        %mul3A_287 = vector.broadcast %mul3A_286 : f32 to vector<16xf32>
        %mul3A_288 = arith.mulf %get3A_285, %mul3A_287 : vector<16xf32>
        %swap3A_289 = arith.index_cast %add3A_211 : i32 to index
        %swap3A_290 = arith.constant 96 : index
        %swap3A_291 = tpu.vector_load %arg8[%swap3A_289, %swap3A_290] {strides = array<i32>} : memref<32x512xf32, #tpu.memory_space<vmem>>, vector<1x16xf32>,
        %swap3A_292 = vector.shape_cast %swap3A_291 : vector<1x16xf32> to vector<16xf32>
        %swap3A_293 = vector.shape_cast %mul3A_288 : vector<16xf32> to vector<1x16xf32>
        tpu.vector_store %arg8[%swap3A_289, %swap3A_290], %swap3A_293 {strides = array<i32>} : memref<32x512xf32, #tpu.memory_space<vmem>>, vector<1x16xf32>,
        %get3A_294 = arith.index_cast %add3A_211 : i32 to index
        %get3A_295 = arith.constant 112 : index
        %get3A_296 = tpu.vector_load %arg8[%get3A_294, %get3A_295] {strides = array<i32>} : memref<32x512xf32, #tpu.memory_space<vmem>>, vector<1x16xf32>,
        %get3A_297 = vector.shape_cast %get3A_296 : vector<1x16xf32> to vector<16xf32>
        %mul3A_298 = arith.constant 22.6274166 : f32
        %mul3A_299 = vector.broadcast %mul3A_298 : f32 to vector<16xf32>
        %mul3A_300 = arith.mulf %get3A_297, %mul3A_299 : vector<16xf32>
        %swap3A_301 = arith.index_cast %add3A_211 : i32 to index
        %swap3A_302 = arith.constant 112 : index
        %swap3A_303 = tpu.vector_load %arg8[%swap3A_301, %swap3A_302] {strides = array<i32>} : memref<32x512xf32, #tpu.memory_space<vmem>>, vector<1x16xf32>,
        %swap3A_304 = vector.shape_cast %swap3A_303 : vector<1x16xf32> to vector<16xf32>
        %swap3A_305 = vector.shape_cast %mul3A_300 : vector<16xf32> to vector<1x16xf32>
        tpu.vector_store %arg8[%swap3A_301, %swap3A_302], %swap3A_305 {strides = array<i32>} : memref<32x512xf32, #tpu.memory_space<vmem>>, vector<1x16xf32>,
        %get3A_306 = arith.index_cast %add3A_211 : i32 to index
        %get3A_307 = arith.constant 128 : index
        %get3A_308 = tpu.vector_load %arg8[%get3A_306, %get3A_307] {strides = array<i32>} : memref<32x512xf32, #tpu.memory_space<vmem>>, vector<1x16xf32>,
        %get3A_309 = vector.shape_cast %get3A_308 : vector<1x16xf32> to vector<16xf32>
        %mul3A_310 = arith.constant 22.6274166 : f32
        %mul3A_311 = vector.broadcast %mul3A_310 : f32 to vector<16xf32>
        %mul3A_312 = arith.mulf %get3A_309, %mul3A_311 : vector<16xf32>
        %swap3A_313 = arith.index_cast %add3A_211 : i32 to index
        %swap3A_314 = arith.constant 128 : index
        %swap3A_315 = tpu.vector_load %arg8[%swap3A_313, %swap3A_314] {strides = array<i32>} : memref<32x512xf32, #tpu.memory_space<vmem>>, vector<1x16xf32>,
        %swap3A_316 = vector.shape_cast %swap3A_315 : vector<1x16xf32> to vector<16xf32>
        %swap3A_317 = vector.shape_cast %mul3A_312 : vector<16xf32> to vector<1x16xf32>
        tpu.vector_store %arg8[%swap3A_313, %swap3A_314], %swap3A_317 {strides = array<i32>} : memref<32x512xf32, #tpu.memory_space<vmem>>, vector<1x16xf32>,
        %get3A_318 = arith.index_cast %add3A_211 : i32 to index
        %get3A_319 = arith.constant 144 : index
        %get3A_320 = tpu.vector_load %arg8[%get3A_318, %get3A_319] {strides = array<i32>} : memref<32x512xf32, #tpu.memory_space<vmem>>, vector<1x16xf32>,
        %get3A_321 = vector.shape_cast %get3A_320 : vector<1x16xf32> to vector<16xf32>
        %mul3A_322 = arith.constant 22.6274166 : f32
        %mul3A_323 = vector.broadcast %mul3A_322 : f32 to vector<16xf32>
        %mul3A_324 = arith.mulf %get3A_321, %mul3A_323 : vector<16xf32>
        %swap3A_325 = arith.index_cast %add3A_211 : i32 to index
        %swap3A_326 = arith.constant 144 : index
        %swap3A_327 = tpu.vector_load %arg8[%swap3A_325, %swap3A_326] {strides = array<i32>} : memref<32x512xf32, #tpu.memory_space<vmem>>, vector<1x16xf32>,
        %swap3A_328 = vector.shape_cast %swap3A_327 : vector<1x16xf32> to vector<16xf32>
        %swap3A_329 = vector.shape_cast %mul3A_324 : vector<16xf32> to vector<1x16xf32>
        tpu.vector_store %arg8[%swap3A_325, %swap3A_326], %swap3A_329 {strides = array<i32>} : memref<32x512xf32, #tpu.memory_space<vmem>>, vector<1x16xf32>,
        %get3A_330 = arith.index_cast %add3A_211 : i32 to index
        %get3A_331 = arith.constant 160 : index
        %get3A_332 = tpu.vector_load %arg8[%get3A_330, %get3A_331] {strides = array<i32>} : memref<32x512xf32, #tpu.memory_space<vmem>>, vector<1x16xf32>,
        %get3A_333 = vector.shape_cast %get3A_332 : vector<1x16xf32> to vector<16xf32>
        %mul3A_334 = arith.constant 22.6274166 : f32
        %mul3A_335 = vector.broadcast %mul3A_334 : f32 to vector<16xf32>
        %mul3A_336 = arith.mulf %get3A_333, %mul3A_335 : vector<16xf32>
        %swap3A_337 = arith.index_cast %add3A_211 : i32 to index
        %swap3A_338 = arith.constant 160 : index
        %swap3A_339 = tpu.vector_load %arg8[%swap3A_337, %swap3A_338] {strides = array<i32>} : memref<32x512xf32, #tpu.memory_space<vmem>>, vector<1x16xf32>,
        %swap3A_340 = vector.shape_cast %swap3A_339 : vector<1x16xf32> to vector<16xf32>
        %swap3A_341 = vector.shape_cast %mul3A_336 : vector<16xf32> to vector<1x16xf32>
        tpu.vector_store %arg8[%swap3A_337, %swap3A_338], %swap3A_341 {strides = array<i32>} : memref<32x512xf32, #tpu.memory_space<vmem>>, vector<1x16xf32>,
        %get3A_342 = arith.index_cast %add3A_211 : i32 to index
        %get3A_343 = arith.constant 176 : index
        %get3A_344 = tpu.vector_load %arg8[%get3A_342, %get3A_343] {strides = array<i32>} : memref<32x512xf32, #tpu.memory_space<vmem>>, vector<1x16xf32>,
        %get3A_345 = vector.shape_cast %get3A_344 : vector<1x16xf32> to vector<16xf32>
        %mul3A_346 = arith.constant 22.6274166 : f32
        %mul3A_347 = vector.broadcast %mul3A_346 : f32 to vector<16xf32>
        %mul3A_348 = arith.mulf %get3A_345, %mul3A_347 : vector<16xf32>
        %swap3A_349 = arith.index_cast %add3A_211 : i32 to index
        %swap3A_350 = arith.constant 176 : index
        %swap3A_351 = tpu.vector_load %arg8[%swap3A_349, %swap3A_350] {strides = array<i32>} : memref<32x512xf32, #tpu.memory_space<vmem>>, vector<1x16xf32>,
        %swap3A_352 = vector.shape_cast %swap3A_351 : vector<1x16xf32> to vector<16xf32>
        %swap3A_353 = vector.shape_cast %mul3A_348 : vector<16xf32> to vector<1x16xf32>
        tpu.vector_store %arg8[%swap3A_349, %swap3A_350], %swap3A_353 {strides = array<i32>} : memref<32x512xf32, #tpu.memory_space<vmem>>, vector<1x16xf32>,
        %get3A_354 = arith.index_cast %add3A_211 : i32 to index
        %get3A_355 = arith.constant 192 : index
        %get3A_356 = tpu.vector_load %arg8[%get3A_354, %get3A_355] {strides = array<i32>} : memref<32x512xf32, #tpu.memory_space<vmem>>, vector<1x16xf32>,
        %get3A_357 = vector.shape_cast %get3A_356 : vector<1x16xf32> to vector<16xf32>
        %mul3A_358 = arith.constant 22.6274166 : f32
        %mul3A_359 = vector.broadcast %mul3A_358 : f32 to vector<16xf32>
        %mul3A_360 = arith.mulf %get3A_357, %mul3A_359 : vector<16xf32>
        %swap3A_361 = arith.index_cast %add3A_211 : i32 to index
        %swap3A_362 = arith.constant 192 : index
        %swap3A_363 = tpu.vector_load %arg8[%swap3A_361, %swap3A_362] {strides = array<i32>} : memref<32x512xf32, #tpu.memory_space<vmem>>, vector<1x16xf32>,
        %swap3A_364 = vector.shape_cast %swap3A_363 : vector<1x16xf32> to vector<16xf32>
        %swap3A_365 = vector.shape_cast %mul3A_360 : vector<16xf32> to vector<1x16xf32>
        tpu.vector_store %arg8[%swap3A_361, %swap3A_362], %swap3A_365 {strides = array<i32>} : memref<32x512xf32, #tpu.memory_space<vmem>>, vector<1x16xf32>,
        %get3A_366 = arith.index_cast %add3A_211 : i32 to index
        %get3A_367 = arith.constant 208 : index
        %get3A_368 = tpu.vector_load %arg8[%get3A_366, %get3A_367] {strides = array<i32>} : memref<32x512xf32, #tpu.memory_space<vmem>>, vector<1x16xf32>,
        %get3A_369 = vector.shape_cast %get3A_368 : vector<1x16xf32> to vector<16xf32>
        %mul3A_370 = arith.constant 22.6274166 : f32
        %mul3A_371 = vector.broadcast %mul3A_370 : f32 to vector<16xf32>
        %mul3A_372 = arith.mulf %get3A_369, %mul3A_371 : vector<16xf32>
        %swap3A_373 = arith.index_cast %add3A_211 : i32 to index
        %swap3A_374 = arith.constant 208 : index
        %swap3A_375 = tpu.vector_load %arg8[%swap3A_373, %swap3A_374] {strides = array<i32>} : memref<32x512xf32, #tpu.memory_space<vmem>>, vector<1x16xf32>,
        %swap3A_376 = vector.shape_cast %swap3A_375 : vector<1x16xf32> to vector<16xf32>
        %swap3A_377 = vector.shape_cast %mul3A_372 : vector<16xf32> to vector<1x16xf32>
        tpu.vector_store %arg8[%swap3A_373, %swap3A_374], %swap3A_377 {strides = array<i32>} : memref<32x512xf32, #tpu.memory_space<vmem>>, vector<1x16xf32>,
        %get3A_378 = arith.index_cast %add3A_211 : i32 to index
        %get3A_379 = arith.constant 224 : index
        %get3A_380 = tpu.vector_load %arg8[%get3A_378, %get3A_379] {strides = array<i32>} : memref<32x512xf32, #tpu.memory_space<vmem>>, vector<1x16xf32>,
        %get3A_381 = vector.shape_cast %get3A_380 : vector<1x16xf32> to vector<16xf32>
        %mul3A_382 = arith.constant 22.6274166 : f32
        %mul3A_383 = vector.broadcast %mul3A_382 : f32 to vector<16xf32>
        %mul3A_384 = arith.mulf %get3A_381, %mul3A_383 : vector<16xf32>
        %swap3A_385 = arith.index_cast %add3A_211 : i32 to index
        %swap3A_386 = arith.constant 224 : index
        %swap3A_387 = tpu.vector_load %arg8[%swap3A_385, %swap3A_386] {strides = array<i32>} : memref<32x512xf32, #tpu.memory_space<vmem>>, vector<1x16xf32>,
        %swap3A_388 = vector.shape_cast %swap3A_387 : vector<1x16xf32> to vector<16xf32>
        %swap3A_389 = vector.shape_cast %mul3A_384 : vector<16xf32> to vector<1x16xf32>
        tpu.vector_store %arg8[%swap3A_385, %swap3A_386], %swap3A_389 {strides = array<i32>} : memref<32x512xf32, #tpu.memory_space<vmem>>, vector<1x16xf32>,
        %get3A_390 = arith.index_cast %add3A_211 : i32 to index
        %get3A_391 = arith.constant 240 : index
        %get3A_392 = tpu.vector_load %arg8[%get3A_390, %get3A_391] {strides = array<i32>} : memref<32x512xf32, #tpu.memory_space<vmem>>, vector<1x16xf32>,
        %get3A_393 = vector.shape_cast %get3A_392 : vector<1x16xf32> to vector<16xf32>
        %mul3A_394 = arith.constant 22.6274166 : f32
        %mul3A_395 = vector.broadcast %mul3A_394 : f32 to vector<16xf32>
        %mul3A_396 = arith.mulf %get3A_393, %mul3A_395 : vector<16xf32>
        %swap3A_397 = arith.index_cast %add3A_211 : i32 to index
        %swap3A_398 = arith.constant 240 : index
        %swap3A_399 = tpu.vector_load %arg8[%swap3A_397, %swap3A_398] {strides = array<i32>} : memref<32x512xf32, #tpu.memory_space<vmem>>, vector<1x16xf32>,
        %swap3A_400 = vector.shape_cast %swap3A_399 : vector<1x16xf32> to vector<16xf32>
        %swap3A_401 = vector.shape_cast %mul3A_396 : vector<16xf32> to vector<1x16xf32>
        tpu.vector_store %arg8[%swap3A_397, %swap3A_398], %swap3A_401 {strides = array<i32>} : memref<32x512xf32, #tpu.memory_space<vmem>>, vector<1x16xf32>,
        %get3A_402 = arith.index_cast %add3A_211 : i32 to index
        %get3A_403 = arith.constant 256 : index
        %get3A_404 = tpu.vector_load %arg8[%get3A_402, %get3A_403] {strides = array<i32>} : memref<32x512xf32, #tpu.memory_space<vmem>>, vector<1x16xf32>,
        %get3A_405 = vector.shape_cast %get3A_404 : vector<1x16xf32> to vector<16xf32>
        %mul3A_406 = arith.constant 22.6274166 : f32
        %mul3A_407 = vector.broadcast %mul3A_406 : f32 to vector<16xf32>
        %mul3A_408 = arith.mulf %get3A_405, %mul3A_407 : vector<16xf32>
        %swap3A_409 = arith.index_cast %add3A_211 : i32 to index
        %swap3A_410 = arith.constant 256 : index
        %swap3A_411 = tpu.vector_load %arg8[%swap3A_409, %swap3A_410] {strides = array<i32>} : memref<32x512xf32, #tpu.memory_space<vmem>>, vector<1x16xf32>,
        %swap3A_412 = vector.shape_cast %swap3A_411 : vector<1x16xf32> to vector<16xf32>
        %swap3A_413 = vector.shape_cast %mul3A_408 : vector<16xf32> to vector<1x16xf32>
        tpu.vector_store %arg8[%swap3A_409, %swap3A_410], %swap3A_413 {strides = array<i32>} : memref<32x512xf32, #tpu.memory_space<vmem>>, vector<1x16xf32>,
        %get3A_414 = arith.index_cast %add3A_211 : i32 to index
        %get3A_415 = arith.constant 272 : index
        %get3A_416 = tpu.vector_load %arg8[%get3A_414, %get3A_415] {strides = array<i32>} : memref<32x512xf32, #tpu.memory_space<vmem>>, vector<1x16xf32>,
        %get3A_417 = vector.shape_cast %get3A_416 : vector<1x16xf32> to vector<16xf32>
        %mul3A_418 = arith.constant 22.6274166 : f32
        %mul3A_419 = vector.broadcast %mul3A_418 : f32 to vector<16xf32>
        %mul3A_420 = arith.mulf %get3A_417, %mul3A_419 : vector<16xf32>
        %swap3A_421 = arith.index_cast %add3A_211 : i32 to index
        %swap3A_422 = arith.constant 272 : index
        %swap3A_423 = tpu.vector_load %arg8[%swap3A_421, %swap3A_422] {strides = array<i32>} : memref<32x512xf32, #tpu.memory_space<vmem>>, vector<1x16xf32>,
        %swap3A_424 = vector.shape_cast %swap3A_423 : vector<1x16xf32> to vector<16xf32>
        %swap3A_425 = vector.shape_cast %mul3A_420 : vector<16xf32> to vector<1x16xf32>
        tpu.vector_store %arg8[%swap3A_421, %swap3A_422], %swap3A_425 {strides = array<i32>} : memref<32x512xf32, #tpu.memory_space<vmem>>, vector<1x16xf32>,
        %get3A_426 = arith.index_cast %add3A_211 : i32 to index
        %get3A_427 = arith.constant 288 : index
        %get3A_428 = tpu.vector_load %arg8[%get3A_426, %get3A_427] {strides = array<i32>} : memref<32x512xf32, #tpu.memory_space<vmem>>, vector<1x16xf32>,
        %get3A_429 = vector.shape_cast %get3A_428 : vector<1x16xf32> to vector<16xf32>
        %mul3A_430 = arith.constant 22.6274166 : f32
        %mul3A_431 = vector.broadcast %mul3A_430 : f32 to vector<16xf32>
        %mul3A_432 = arith.mulf %get3A_429, %mul3A_431 : vector<16xf32>
        %swap3A_433 = arith.index_cast %add3A_211 : i32 to index
        %swap3A_434 = arith.constant 288 : index
        %swap3A_435 = tpu.vector_load %arg8[%swap3A_433, %swap3A_434] {strides = array<i32>} : memref<32x512xf32, #tpu.memory_space<vmem>>, vector<1x16xf32>,
        %swap3A_436 = vector.shape_cast %swap3A_435 : vector<1x16xf32> to vector<16xf32>
        %swap3A_437 = vector.shape_cast %mul3A_432 : vector<16xf32> to vector<1x16xf32>
        tpu.vector_store %arg8[%swap3A_433, %swap3A_434], %swap3A_437 {strides = array<i32>} : memref<32x512xf32, #tpu.memory_space<vmem>>, vector<1x16xf32>,
        %get3A_438 = arith.index_cast %add3A_211 : i32 to index
        %get3A_439 = arith.constant 304 : index
        %get3A_440 = tpu.vector_load %arg8[%get3A_438, %get3A_439] {strides = array<i32>} : memref<32x512xf32, #tpu.memory_space<vmem>>, vector<1x16xf32>,
        %get3A_441 = vector.shape_cast %get3A_440 : vector<1x16xf32> to vector<16xf32>
        %mul3A_442 = arith.constant 22.6274166 : f32
        %mul3A_443 = vector.broadcast %mul3A_442 : f32 to vector<16xf32>
        %mul3A_444 = arith.mulf %get3A_441, %mul3A_443 : vector<16xf32>
        %swap3A_445 = arith.index_cast %add3A_211 : i32 to index
        %swap3A_446 = arith.constant 304 : index
        %swap3A_447 = tpu.vector_load %arg8[%swap3A_445, %swap3A_446] {strides = array<i32>} : memref<32x512xf32, #tpu.memory_space<vmem>>, vector<1x16xf32>,
        %swap3A_448 = vector.shape_cast %swap3A_447 : vector<1x16xf32> to vector<16xf32>
        %swap3A_449 = vector.shape_cast %mul3A_444 : vector<16xf32> to vector<1x16xf32>
        tpu.vector_store %arg8[%swap3A_445, %swap3A_446], %swap3A_449 {strides = array<i32>} : memref<32x512xf32, #tpu.memory_space<vmem>>, vector<1x16xf32>,
        %get3A_450 = arith.index_cast %add3A_211 : i32 to index
        %get3A_451 = arith.constant 320 : index
        %get3A_452 = tpu.vector_load %arg8[%get3A_450, %get3A_451] {strides = array<i32>} : memref<32x512xf32, #tpu.memory_space<vmem>>, vector<1x16xf32>,
        %get3A_453 = vector.shape_cast %get3A_452 : vector<1x16xf32> to vector<16xf32>
        %mul3A_454 = arith.constant 22.6274166 : f32
        %mul3A_455 = vector.broadcast %mul3A_454 : f32 to vector<16xf32>
        %mul3A_456 = arith.mulf %get3A_453, %mul3A_455 : vector<16xf32>
        %swap3A_457 = arith.index_cast %add3A_211 : i32 to index
        %swap3A_458 = arith.constant 320 : index
        %swap3A_459 = tpu.vector_load %arg8[%swap3A_457, %swap3A_458] {strides = array<i32>} : memref<32x512xf32, #tpu.memory_space<vmem>>, vector<1x16xf32>,
        %swap3A_460 = vector.shape_cast %swap3A_459 : vector<1x16xf32> to vector<16xf32>
        %swap3A_461 = vector.shape_cast %mul3A_456 : vector<16xf32> to vector<1x16xf32>
        tpu.vector_store %arg8[%swap3A_457, %swap3A_458], %swap3A_461 {strides = array<i32>} : memref<32x512xf32, #tpu.memory_space<vmem>>, vector<1x16xf32>,
        %get3A_462 = arith.index_cast %add3A_211 : i32 to index
        %get3A_463 = arith.constant 336 : index
        %get3A_464 = tpu.vector_load %arg8[%get3A_462, %get3A_463] {strides = array<i32>} : memref<32x512xf32, #tpu.memory_space<vmem>>, vector<1x16xf32>,
        %get3A_465 = vector.shape_cast %get3A_464 : vector<1x16xf32> to vector<16xf32>
        %mul3A_466 = arith.constant 22.6274166 : f32
        %mul3A_467 = vector.broadcast %mul3A_466 : f32 to vector<16xf32>
        %mul3A_468 = arith.mulf %get3A_465, %mul3A_467 : vector<16xf32>
        %swap3A_469 = arith.index_cast %add3A_211 : i32 to index
        %swap3A_470 = arith.constant 336 : index
        %swap3A_471 = tpu.vector_load %arg8[%swap3A_469, %swap3A_470] {strides = array<i32>} : memref<32x512xf32, #tpu.memory_space<vmem>>, vector<1x16xf32>,
        %swap3A_472 = vector.shape_cast %swap3A_471 : vector<1x16xf32> to vector<16xf32>
        %swap3A_473 = vector.shape_cast %mul3A_468 : vector<16xf32> to vector<1x16xf32>
        tpu.vector_store %arg8[%swap3A_469, %swap3A_470], %swap3A_473 {strides = array<i32>} : memref<32x512xf32, #tpu.memory_space<vmem>>, vector<1x16xf32>,
        %get3A_474 = arith.index_cast %add3A_211 : i32 to index
        %get3A_475 = arith.constant 352 : index
        %get3A_476 = tpu.vector_load %arg8[%get3A_474, %get3A_475] {strides = array<i32>} : memref<32x512xf32, #tpu.memory_space<vmem>>, vector<1x16xf32>,
        %get3A_477 = vector.shape_cast %get3A_476 : vector<1x16xf32> to vector<16xf32>
        %mul3A_478 = arith.constant 22.6274166 : f32
        %mul3A_479 = vector.broadcast %mul3A_478 : f32 to vector<16xf32>
        %mul3A_480 = arith.mulf %get3A_477, %mul3A_479 : vector<16xf32>
        %swap3A_481 = arith.index_cast %add3A_211 : i32 to index
        %swap3A_482 = arith.constant 352 : index
        %swap3A_483 = tpu.vector_load %arg8[%swap3A_481, %swap3A_482] {strides = array<i32>} : memref<32x512xf32, #tpu.memory_space<vmem>>, vector<1x16xf32>,
        %swap3A_484 = vector.shape_cast %swap3A_483 : vector<1x16xf32> to vector<16xf32>
        %swap3A_485 = vector.shape_cast %mul3A_480 : vector<16xf32> to vector<1x16xf32>
        tpu.vector_store %arg8[%swap3A_481, %swap3A_482], %swap3A_485 {strides = array<i32>} : memref<32x512xf32, #tpu.memory_space<vmem>>, vector<1x16xf32>,
        %get3A_486 = arith.index_cast %add3A_211 : i32 to index
        %get3A_487 = arith.constant 368 : index
        %get3A_488 = tpu.vector_load %arg8[%get3A_486, %get3A_487] {strides = array<i32>} : memref<32x512xf32, #tpu.memory_space<vmem>>, vector<1x16xf32>,
        %get3A_489 = vector.shape_cast %get3A_488 : vector<1x16xf32> to vector<16xf32>
        %mul3A_490 = arith.constant 22.6274166 : f32
        %mul3A_491 = vector.broadcast %mul3A_490 : f32 to vector<16xf32>
        %mul3A_492 = arith.mulf %get3A_489, %mul3A_491 : vector<16xf32>
        %swap3A_493 = arith.index_cast %add3A_211 : i32 to index
        %swap3A_494 = arith.constant 368 : index
        %swap3A_495 = tpu.vector_load %arg8[%swap3A_493, %swap3A_494] {strides = array<i32>} : memref<32x512xf32, #tpu.memory_space<vmem>>, vector<1x16xf32>,
        %swap3A_496 = vector.shape_cast %swap3A_495 : vector<1x16xf32> to vector<16xf32>
        %swap3A_497 = vector.shape_cast %mul3A_492 : vector<16xf32> to vector<1x16xf32>
        tpu.vector_store %arg8[%swap3A_493, %swap3A_494], %swap3A_497 {strides = array<i32>} : memref<32x512xf32, #tpu.memory_space<vmem>>, vector<1x16xf32>,
        %get3A_498 = arith.index_cast %add3A_211 : i32 to index
        %get3A_499 = arith.constant 384 : index
        %get3A_500 = tpu.vector_load %arg8[%get3A_498, %get3A_499] {strides = array<i32>} : memref<32x512xf32, #tpu.memory_space<vmem>>, vector<1x16xf32>,
        %get3A_501 = vector.shape_cast %get3A_500 : vector<1x16xf32> to vector<16xf32>
        %mul3A_502 = arith.constant 22.6274166 : f32
        %mul3A_503 = vector.broadcast %mul3A_502 : f32 to vector<16xf32>
        %mul3A_504 = arith.mulf %get3A_501, %mul3A_503 : vector<16xf32>
        %swap3A_505 = arith.index_cast %add3A_211 : i32 to index
        %swap3A_506 = arith.constant 384 : index
        %swap3A_507 = tpu.vector_load %arg8[%swap3A_505, %swap3A_506] {strides = array<i32>} : memref<32x512xf32, #tpu.memory_space<vmem>>, vector<1x16xf32>,
        %swap3A_508 = vector.shape_cast %swap3A_507 : vector<1x16xf32> to vector<16xf32>
        %swap3A_509 = vector.shape_cast %mul3A_504 : vector<16xf32> to vector<1x16xf32>
        tpu.vector_store %arg8[%swap3A_505, %swap3A_506], %swap3A_509 {strides = array<i32>} : memref<32x512xf32, #tpu.memory_space<vmem>>, vector<1x16xf32>,
        %get3A_510 = arith.index_cast %add3A_211 : i32 to index
        %get3A_511 = arith.constant 400 : index
        %get3A_512 = tpu.vector_load %arg8[%get3A_510, %get3A_511] {strides = array<i32>} : memref<32x512xf32, #tpu.memory_space<vmem>>, vector<1x16xf32>,
        %get3A_513 = vector.shape_cast %get3A_512 : vector<1x16xf32> to vector<16xf32>
        %mul3A_514 = arith.constant 22.6274166 : f32
        %mul3A_515 = vector.broadcast %mul3A_514 : f32 to vector<16xf32>
        %mul3A_516 = arith.mulf %get3A_513, %mul3A_515 : vector<16xf32>
        %swap3A_517 = arith.index_cast %add3A_211 : i32 to index
        %swap3A_518 = arith.constant 400 : index
        %swap3A_519 = tpu.vector_load %arg8[%swap3A_517, %swap3A_518] {strides = array<i32>} : memref<32x512xf32, #tpu.memory_space<vmem>>, vector<1x16xf32>,
        %swap3A_520 = vector.shape_cast %swap3A_519 : vector<1x16xf32> to vector<16xf32>
        %swap3A_521 = vector.shape_cast %mul3A_516 : vector<16xf32> to vector<1x16xf32>
        tpu.vector_store %arg8[%swap3A_517, %swap3A_518], %swap3A_521 {strides = array<i32>} : memref<32x512xf32, #tpu.memory_space<vmem>>, vector<1x16xf32>,
        %get3A_522 = arith.index_cast %add3A_211 : i32 to index
        %get3A_523 = arith.constant 416 : index
        %get3A_524 = tpu.vector_load %arg8[%get3A_522, %get3A_523] {strides = array<i32>} : memref<32x512xf32, #tpu.memory_space<vmem>>, vector<1x16xf32>,
        %get3A_525 = vector.shape_cast %get3A_524 : vector<1x16xf32> to vector<16xf32>
        %mul3A_526 = arith.constant 22.6274166 : f32
        %mul3A_527 = vector.broadcast %mul3A_526 : f32 to vector<16xf32>
        %mul3A_528 = arith.mulf %get3A_525, %mul3A_527 : vector<16xf32>
        %swap3A_529 = arith.index_cast %add3A_211 : i32 to index
        %swap3A_530 = arith.constant 416 : index
        %swap3A_531 = tpu.vector_load %arg8[%swap3A_529, %swap3A_530] {strides = array<i32>} : memref<32x512xf32, #tpu.memory_space<vmem>>, vector<1x16xf32>,
        %swap3A_532 = vector.shape_cast %swap3A_531 : vector<1x16xf32> to vector<16xf32>
        %swap3A_533 = vector.shape_cast %mul3A_528 : vector<16xf32> to vector<1x16xf32>
        tpu.vector_store %arg8[%swap3A_529, %swap3A_530], %swap3A_533 {strides = array<i32>} : memref<32x512xf32, #tpu.memory_space<vmem>>, vector<1x16xf32>,
        %get3A_534 = arith.index_cast %add3A_211 : i32 to index
        %get3A_535 = arith.constant 432 : index
        %get3A_536 = tpu.vector_load %arg8[%get3A_534, %get3A_535] {strides = array<i32>} : memref<32x512xf32, #tpu.memory_space<vmem>>, vector<1x16xf32>,
        %get3A_537 = vector.shape_cast %get3A_536 : vector<1x16xf32> to vector<16xf32>
        %mul3A_538 = arith.constant 22.6274166 : f32
        %mul3A_539 = vector.broadcast %mul3A_538 : f32 to vector<16xf32>
        %mul3A_540 = arith.mulf %get3A_537, %mul3A_539 : vector<16xf32>
        %swap3A_541 = arith.index_cast %add3A_211 : i32 to index
        %swap3A_542 = arith.constant 432 : index
        %swap3A_543 = tpu.vector_load %arg8[%swap3A_541, %swap3A_542] {strides = array<i32>} : memref<32x512xf32, #tpu.memory_space<vmem>>, vector<1x16xf32>,
        %swap3A_544 = vector.shape_cast %swap3A_543 : vector<1x16xf32> to vector<16xf32>
        %swap3A_545 = vector.shape_cast %mul3A_540 : vector<16xf32> to vector<1x16xf32>
        tpu.vector_store %arg8[%swap3A_541, %swap3A_542], %swap3A_545 {strides = array<i32>} : memref<32x512xf32, #tpu.memory_space<vmem>>, vector<1x16xf32>,
        %get3A_546 = arith.index_cast %add3A_211 : i32 to index
        %get3A_547 = arith.constant 448 : index
        %get3A_548 = tpu.vector_load %arg8[%get3A_546, %get3A_547] {strides = array<i32>} : memref<32x512xf32, #tpu.memory_space<vmem>>, vector<1x16xf32>,
        %get3A_549 = vector.shape_cast %get3A_548 : vector<1x16xf32> to vector<16xf32>
        %mul3A_550 = arith.constant 22.6274166 : f32
        %mul3A_551 = vector.broadcast %mul3A_550 : f32 to vector<16xf32>
        %mul3A_552 = arith.mulf %get3A_549, %mul3A_551 : vector<16xf32>
        %swap3A_553 = arith.index_cast %add3A_211 : i32 to index
        %swap3A_554 = arith.constant 448 : index
        %swap3A_555 = tpu.vector_load %arg8[%swap3A_553, %swap3A_554] {strides = array<i32>} : memref<32x512xf32, #tpu.memory_space<vmem>>, vector<1x16xf32>,
        %swap3A_556 = vector.shape_cast %swap3A_555 : vector<1x16xf32> to vector<16xf32>
        %swap3A_557 = vector.shape_cast %mul3A_552 : vector<16xf32> to vector<1x16xf32>
        tpu.vector_store %arg8[%swap3A_553, %swap3A_554], %swap3A_557 {strides = array<i32>} : memref<32x512xf32, #tpu.memory_space<vmem>>, vector<1x16xf32>,
        %get3A_558 = arith.index_cast %add3A_211 : i32 to index
        %get3A_559 = arith.constant 464 : index
        %get3A_560 = tpu.vector_load %arg8[%get3A_558, %get3A_559] {strides = array<i32>} : memref<32x512xf32, #tpu.memory_space<vmem>>, vector<1x16xf32>,
        %get3A_561 = vector.shape_cast %get3A_560 : vector<1x16xf32> to vector<16xf32>
        %mul3A_562 = arith.constant 22.6274166 : f32
        %mul3A_563 = vector.broadcast %mul3A_562 : f32 to vector<16xf32>
        %mul3A_564 = arith.mulf %get3A_561, %mul3A_563 : vector<16xf32>
        %swap3A_565 = arith.index_cast %add3A_211 : i32 to index
        %swap3A_566 = arith.constant 464 : index
        %swap3A_567 = tpu.vector_load %arg8[%swap3A_565, %swap3A_566] {strides = array<i32>} : memref<32x512xf32, #tpu.memory_space<vmem>>, vector<1x16xf32>,
        %swap3A_568 = vector.shape_cast %swap3A_567 : vector<1x16xf32> to vector<16xf32>
        %swap3A_569 = vector.shape_cast %mul3A_564 : vector<16xf32> to vector<1x16xf32>
        tpu.vector_store %arg8[%swap3A_565, %swap3A_566], %swap3A_569 {strides = array<i32>} : memref<32x512xf32, #tpu.memory_space<vmem>>, vector<1x16xf32>,
        %get3A_570 = arith.index_cast %add3A_211 : i32 to index
        %get3A_571 = arith.constant 480 : index
        %get3A_572 = tpu.vector_load %arg8[%get3A_570, %get3A_571] {strides = array<i32>} : memref<32x512xf32, #tpu.memory_space<vmem>>, vector<1x16xf32>,
        %get3A_573 = vector.shape_cast %get3A_572 : vector<1x16xf32> to vector<16xf32>
        %mul3A_574 = arith.constant 22.6274166 : f32
        %mul3A_575 = vector.broadcast %mul3A_574 : f32 to vector<16xf32>
        %mul3A_576 = arith.mulf %get3A_573, %mul3A_575 : vector<16xf32>
        %swap3A_577 = arith.index_cast %add3A_211 : i32 to index
        %swap3A_578 = arith.constant 480 : index
        %swap3A_579 = tpu.vector_load %arg8[%swap3A_577, %swap3A_578] {strides = array<i32>} : memref<32x512xf32, #tpu.memory_space<vmem>>, vector<1x16xf32>,
        %swap3A_580 = vector.shape_cast %swap3A_579 : vector<1x16xf32> to vector<16xf32>
        %swap3A_581 = vector.shape_cast %mul3A_576 : vector<16xf32> to vector<1x16xf32>
        tpu.vector_store %arg8[%swap3A_577, %swap3A_578], %swap3A_581 {strides = array<i32>} : memref<32x512xf32, #tpu.memory_space<vmem>>, vector<1x16xf32>,
        %get3A_582 = arith.index_cast %add3A_211 : i32 to index
        %get3A_583 = arith.constant 496 : index
        %get3A_584 = tpu.vector_load %arg8[%get3A_582, %get3A_583] {strides = array<i32>} : memref<32x512xf32, #tpu.memory_space<vmem>>, vector<1x16xf32>,
        %get3A_585 = vector.shape_cast %get3A_584 : vector<1x16xf32> to vector<16xf32>
        %mul3A_586 = arith.constant 22.6274166 : f32
        %mul3A_587 = vector.broadcast %mul3A_586 : f32 to vector<16xf32>
        %mul3A_588 = arith.mulf %get3A_585, %mul3A_587 : vector<16xf32>
        %swap3A_589 = arith.index_cast %add3A_211 : i32 to index
        %swap3A_590 = arith.constant 496 : index
        %swap3A_591 = tpu.vector_load %arg8[%swap3A_589, %swap3A_590] {strides = array<i32>} : memref<32x512xf32, #tpu.memory_space<vmem>>, vector<1x16xf32>,
        %swap3A_592 = vector.shape_cast %swap3A_591 : vector<1x16xf32> to vector<16xf32>
        %swap3A_593 = vector.shape_cast %mul3A_588 : vector<16xf32> to vector<1x16xf32>
        tpu.vector_store %arg8[%swap3A_589, %swap3A_590], %swap3A_593 {strides = array<i32>} : memref<32x512xf32, #tpu.memory_space<vmem>>, vector<1x16xf32>,
      }
      %scan3A_117 = arith.constant 32 : i32
      %mul3A_118 = arith.constant 32 : i32
      %mul3A_119 = arith.muli %add3A_106, %mul3A_118 : i32
      %add3A_120 = arith.addi %mul3A_2, %mul3A_119 : i32
      %dma_start3A_121 = arith.constant 0 : i32
      %dma_start3A_122 = tpu.memref_slice %arg4[%add3A_120, %dma_start3A_121] : memref<819200x512xf32, #tpu.memory_space<hbm>> -> memref<32x512xf32, #tpu.memory_space<hbm>>
      %dma_start3A_123 = arith.constant 0 : i32
      %dma_start3A_124 = tpu.memref_slice %arg4[%add3A_120, %dma_start3A_123] : memref<819200x512xf32, #tpu.memory_space<hbm>> -> memref<32x512xf32, #tpu.memory_space<hbm>>
      tpu.enqueue_dma source(%arg8 : memref<32x512xf32, #tpu.memory_space<vmem>>) target(%dma_start3A_124 : memref<32x512xf32, #tpu.memory_space<hbm>>) target_semaphore(%arg18 : memref<!tpu.dma_semaphore, #tpu.memory_space<semaphore_mem>>)
      %add3A_125 = arith.constant 3 : i32
      %add3A_126 = arith.addi %add3A_64, %add3A_125 : i32
      %mul3A_127 = arith.constant 32 : i32
      %mul3A_128 = arith.muli %add3A_126, %mul3A_127 : i32
      %dma_wait3A_129 = tpu.memref_slice %arg5[%mul3A_128] : memref<25600xi32, #tpu.memory_space<vmem>> -> memref<32xi32, #tpu.memory_space<vmem>>
      %dma_wait3A_130 = arith.constant 0 : i32
      %dma_wait3A_131 = arith.constant 0 : i32
      %dma_wait3A_132 = tpu.memref_slice %arg2[%dma_wait3A_130, %dma_wait3A_131] : memref<100000x512xf32, #tpu.memory_space<hbm>> -> memref<100000x512xf32, #tpu.memory_space<hbm>>
      tpu.wait_indirect_dma semaphore(%arg14 : memref<!tpu.dma_semaphore, #tpu.memory_space<semaphore_mem>>) src(%dma_wait3A_132 : memref<100000x512xf32, #tpu.memory_space<hbm>>) dst(%arg9 : memref<32x512xf32, #tpu.memory_space<vmem>>)
      %scan3A_133 = arith.constant 0 : i32
      %scan3A_134 = arith.constant 32 : i32
      %scan3A_135 = arith.addi %scan3A_133, %scan3A_134 : i32
      %scan3A_136 = arith.constant 1 : i32
      scf.for %scan3A_207 = %scan3A_133 to %scan3A_135 step %scan3A_136  : i32 {
        %mul3A_208 = arith.constant 1 : i32
        %mul3A_209 = arith.muli %scan3A_207, %mul3A_208 : i32
        %add3A_210 = arith.constant 0 : i32
        %add3A_211 = arith.addi %add3A_210, %mul3A_209 : i32
        %get3A = arith.index_cast %add3A_211 : i32 to index
        %get3A_212 = arith.constant 0 : index
        %get3A_213 = tpu.vector_load %arg9[%get3A, %get3A_212] {strides = array<i32>} : memref<32x512xf32, #tpu.memory_space<vmem>>, vector<1x16xf32>,
        %get3A_214 = vector.shape_cast %get3A_213 : vector<1x16xf32> to vector<16xf32>
        %mul3A_215 = arith.constant 22.6274166 : f32
        %mul3A_216 = vector.broadcast %mul3A_215 : f32 to vector<16xf32>
        %mul3A_217 = arith.mulf %get3A_214, %mul3A_216 : vector<16xf32>
        %swap3A = arith.index_cast %add3A_211 : i32 to index
        %swap3A_218 = arith.constant 0 : index
        %swap3A_219 = tpu.vector_load %arg9[%swap3A, %swap3A_218] {strides = array<i32>} : memref<32x512xf32, #tpu.memory_space<vmem>>, vector<1x16xf32>,
        %swap3A_220 = vector.shape_cast %swap3A_219 : vector<1x16xf32> to vector<16xf32>
        %swap3A_221 = vector.shape_cast %mul3A_217 : vector<16xf32> to vector<1x16xf32>
        tpu.vector_store %arg9[%swap3A, %swap3A_218], %swap3A_221 {strides = array<i32>} : memref<32x512xf32, #tpu.memory_space<vmem>>, vector<1x16xf32>,
        %get3A_222 = arith.index_cast %add3A_211 : i32 to index
        %get3A_223 = arith.constant 16 : index
        %get3A_224 = tpu.vector_load %arg9[%get3A_222, %get3A_223] {strides = array<i32>} : memref<32x512xf32, #tpu.memory_space<vmem>>, vector<1x16xf32>,
        %get3A_225 = vector.shape_cast %get3A_224 : vector<1x16xf32> to vector<16xf32>
        %mul3A_226 = arith.constant 22.6274166 : f32
        %mul3A_227 = vector.broadcast %mul3A_226 : f32 to vector<16xf32>
        %mul3A_228 = arith.mulf %get3A_225, %mul3A_227 : vector<16xf32>
        %swap3A_229 = arith.index_cast %add3A_211 : i32 to index
        %swap3A_230 = arith.constant 16 : index
        %swap3A_231 = tpu.vector_load %arg9[%swap3A_229, %swap3A_230] {strides = array<i32>} : memref<32x512xf32, #tpu.memory_space<vmem>>, vector<1x16xf32>,
        %swap3A_232 = vector.shape_cast %swap3A_231 : vector<1x16xf32> to vector<16xf32>
        %swap3A_233 = vector.shape_cast %mul3A_228 : vector<16xf32> to vector<1x16xf32>
        tpu.vector_store %arg9[%swap3A_229, %swap3A_230], %swap3A_233 {strides = array<i32>} : memref<32x512xf32, #tpu.memory_space<vmem>>, vector<1x16xf32>,
        %get3A_234 = arith.index_cast %add3A_211 : i32 to index
        %get3A_235 = arith.constant 32 : index
        %get3A_236 = tpu.vector_load %arg9[%get3A_234, %get3A_235] {strides = array<i32>} : memref<32x512xf32, #tpu.memory_space<vmem>>, vector<1x16xf32>,
        %get3A_237 = vector.shape_cast %get3A_236 : vector<1x16xf32> to vector<16xf32>
        %mul3A_238 = arith.constant 22.6274166 : f32
        %mul3A_239 = vector.broadcast %mul3A_238 : f32 to vector<16xf32>
        %mul3A_240 = arith.mulf %get3A_237, %mul3A_239 : vector<16xf32>
        %swap3A_241 = arith.index_cast %add3A_211 : i32 to index
        %swap3A_242 = arith.constant 32 : index
        %swap3A_243 = tpu.vector_load %arg9[%swap3A_241, %swap3A_242] {strides = array<i32>} : memref<32x512xf32, #tpu.memory_space<vmem>>, vector<1x16xf32>,
        %swap3A_244 = vector.shape_cast %swap3A_243 : vector<1x16xf32> to vector<16xf32>
        %swap3A_245 = vector.shape_cast %mul3A_240 : vector<16xf32> to vector<1x16xf32>
        tpu.vector_store %arg9[%swap3A_241, %swap3A_242], %swap3A_245 {strides = array<i32>} : memref<32x512xf32, #tpu.memory_space<vmem>>, vector<1x16xf32>,
        %get3A_246 = arith.index_cast %add3A_211 : i32 to index
        %get3A_247 = arith.constant 48 : index
        %get3A_248 = tpu.vector_load %arg9[%get3A_246, %get3A_247] {strides = array<i32>} : memref<32x512xf32, #tpu.memory_space<vmem>>, vector<1x16xf32>,
        %get3A_249 = vector.shape_cast %get3A_248 : vector<1x16xf32> to vector<16xf32>
        %mul3A_250 = arith.constant 22.6274166 : f32
        %mul3A_251 = vector.broadcast %mul3A_250 : f32 to vector<16xf32>
        %mul3A_252 = arith.mulf %get3A_249, %mul3A_251 : vector<16xf32>
        %swap3A_253 = arith.index_cast %add3A_211 : i32 to index
        %swap3A_254 = arith.constant 48 : index
        %swap3A_255 = tpu.vector_load %arg9[%swap3A_253, %swap3A_254] {strides = array<i32>} : memref<32x512xf32, #tpu.memory_space<vmem>>, vector<1x16xf32>,
        %swap3A_256 = vector.shape_cast %swap3A_255 : vector<1x16xf32> to vector<16xf32>
        %swap3A_257 = vector.shape_cast %mul3A_252 : vector<16xf32> to vector<1x16xf32>
        tpu.vector_store %arg9[%swap3A_253, %swap3A_254], %swap3A_257 {strides = array<i32>} : memref<32x512xf32, #tpu.memory_space<vmem>>, vector<1x16xf32>,
        %get3A_258 = arith.index_cast %add3A_211 : i32 to index
        %get3A_259 = arith.constant 64 : index
        %get3A_260 = tpu.vector_load %arg9[%get3A_258, %get3A_259] {strides = array<i32>} : memref<32x512xf32, #tpu.memory_space<vmem>>, vector<1x16xf32>,
        %get3A_261 = vector.shape_cast %get3A_260 : vector<1x16xf32> to vector<16xf32>
        %mul3A_262 = arith.constant 22.6274166 : f32
        %mul3A_263 = vector.broadcast %mul3A_262 : f32 to vector<16xf32>
        %mul3A_264 = arith.mulf %get3A_261, %mul3A_263 : vector<16xf32>
        %swap3A_265 = arith.index_cast %add3A_211 : i32 to index
        %swap3A_266 = arith.constant 64 : index
        %swap3A_267 = tpu.vector_load %arg9[%swap3A_265, %swap3A_266] {strides = array<i32>} : memref<32x512xf32, #tpu.memory_space<vmem>>, vector<1x16xf32>,
        %swap3A_268 = vector.shape_cast %swap3A_267 : vector<1x16xf32> to vector<16xf32>
        %swap3A_269 = vector.shape_cast %mul3A_264 : vector<16xf32> to vector<1x16xf32>
        tpu.vector_store %arg9[%swap3A_265, %swap3A_266], %swap3A_269 {strides = array<i32>} : memref<32x512xf32, #tpu.memory_space<vmem>>, vector<1x16xf32>,
        %get3A_270 = arith.index_cast %add3A_211 : i32 to index
        %get3A_271 = arith.constant 80 : index
        %get3A_272 = tpu.vector_load %arg9[%get3A_270, %get3A_271] {strides = array<i32>} : memref<32x512xf32, #tpu.memory_space<vmem>>, vector<1x16xf32>,
        %get3A_273 = vector.shape_cast %get3A_272 : vector<1x16xf32> to vector<16xf32>
        %mul3A_274 = arith.constant 22.6274166 : f32
        %mul3A_275 = vector.broadcast %mul3A_274 : f32 to vector<16xf32>
        %mul3A_276 = arith.mulf %get3A_273, %mul3A_275 : vector<16xf32>
        %swap3A_277 = arith.index_cast %add3A_211 : i32 to index
        %swap3A_278 = arith.constant 80 : index
        %swap3A_279 = tpu.vector_load %arg9[%swap3A_277, %swap3A_278] {strides = array<i32>} : memref<32x512xf32, #tpu.memory_space<vmem>>, vector<1x16xf32>,
        %swap3A_280 = vector.shape_cast %swap3A_279 : vector<1x16xf32> to vector<16xf32>
        %swap3A_281 = vector.shape_cast %mul3A_276 : vector<16xf32> to vector<1x16xf32>
        tpu.vector_store %arg9[%swap3A_277, %swap3A_278], %swap3A_281 {strides = array<i32>} : memref<32x512xf32, #tpu.memory_space<vmem>>, vector<1x16xf32>,
        %get3A_282 = arith.index_cast %add3A_211 : i32 to index
        %get3A_283 = arith.constant 96 : index
        %get3A_284 = tpu.vector_load %arg9[%get3A_282, %get3A_283] {strides = array<i32>} : memref<32x512xf32, #tpu.memory_space<vmem>>, vector<1x16xf32>,
        %get3A_285 = vector.shape_cast %get3A_284 : vector<1x16xf32> to vector<16xf32>
        %mul3A_286 = arith.constant 22.6274166 : f32
        %mul3A_287 = vector.broadcast %mul3A_286 : f32 to vector<16xf32>
        %mul3A_288 = arith.mulf %get3A_285, %mul3A_287 : vector<16xf32>
        %swap3A_289 = arith.index_cast %add3A_211 : i32 to index
        %swap3A_290 = arith.constant 96 : index
        %swap3A_291 = tpu.vector_load %arg9[%swap3A_289, %swap3A_290] {strides = array<i32>} : memref<32x512xf32, #tpu.memory_space<vmem>>, vector<1x16xf32>,
        %swap3A_292 = vector.shape_cast %swap3A_291 : vector<1x16xf32> to vector<16xf32>
        %swap3A_293 = vector.shape_cast %mul3A_288 : vector<16xf32> to vector<1x16xf32>
        tpu.vector_store %arg9[%swap3A_289, %swap3A_290], %swap3A_293 {strides = array<i32>} : memref<32x512xf32, #tpu.memory_space<vmem>>, vector<1x16xf32>,
        %get3A_294 = arith.index_cast %add3A_211 : i32 to index
        %get3A_295 = arith.constant 112 : index
        %get3A_296 = tpu.vector_load %arg9[%get3A_294, %get3A_295] {strides = array<i32>} : memref<32x512xf32, #tpu.memory_space<vmem>>, vector<1x16xf32>,
        %get3A_297 = vector.shape_cast %get3A_296 : vector<1x16xf32> to vector<16xf32>
        %mul3A_298 = arith.constant 22.6274166 : f32
        %mul3A_299 = vector.broadcast %mul3A_298 : f32 to vector<16xf32>
        %mul3A_300 = arith.mulf %get3A_297, %mul3A_299 : vector<16xf32>
        %swap3A_301 = arith.index_cast %add3A_211 : i32 to index
        %swap3A_302 = arith.constant 112 : index
        %swap3A_303 = tpu.vector_load %arg9[%swap3A_301, %swap3A_302] {strides = array<i32>} : memref<32x512xf32, #tpu.memory_space<vmem>>, vector<1x16xf32>,
        %swap3A_304 = vector.shape_cast %swap3A_303 : vector<1x16xf32> to vector<16xf32>
        %swap3A_305 = vector.shape_cast %mul3A_300 : vector<16xf32> to vector<1x16xf32>
        tpu.vector_store %arg9[%swap3A_301, %swap3A_302], %swap3A_305 {strides = array<i32>} : memref<32x512xf32, #tpu.memory_space<vmem>>, vector<1x16xf32>,
        %get3A_306 = arith.index_cast %add3A_211 : i32 to index
        %get3A_307 = arith.constant 128 : index
        %get3A_308 = tpu.vector_load %arg9[%get3A_306, %get3A_307] {strides = array<i32>} : memref<32x512xf32, #tpu.memory_space<vmem>>, vector<1x16xf32>,
        %get3A_309 = vector.shape_cast %get3A_308 : vector<1x16xf32> to vector<16xf32>
        %mul3A_310 = arith.constant 22.6274166 : f32
        %mul3A_311 = vector.broadcast %mul3A_310 : f32 to vector<16xf32>
        %mul3A_312 = arith.mulf %get3A_309, %mul3A_311 : vector<16xf32>
        %swap3A_313 = arith.index_cast %add3A_211 : i32 to index
        %swap3A_314 = arith.constant 128 : index
        %swap3A_315 = tpu.vector_load %arg9[%swap3A_313, %swap3A_314] {strides = array<i32>} : memref<32x512xf32, #tpu.memory_space<vmem>>, vector<1x16xf32>,
        %swap3A_316 = vector.shape_cast %swap3A_315 : vector<1x16xf32> to vector<16xf32>
        %swap3A_317 = vector.shape_cast %mul3A_312 : vector<16xf32> to vector<1x16xf32>
        tpu.vector_store %arg9[%swap3A_313, %swap3A_314], %swap3A_317 {strides = array<i32>} : memref<32x512xf32, #tpu.memory_space<vmem>>, vector<1x16xf32>,
        %get3A_318 = arith.index_cast %add3A_211 : i32 to index
        %get3A_319 = arith.constant 144 : index
        %get3A_320 = tpu.vector_load %arg9[%get3A_318, %get3A_319] {strides = array<i32>} : memref<32x512xf32, #tpu.memory_space<vmem>>, vector<1x16xf32>,
        %get3A_321 = vector.shape_cast %get3A_320 : vector<1x16xf32> to vector<16xf32>
        %mul3A_322 = arith.constant 22.6274166 : f32
        %mul3A_323 = vector.broadcast %mul3A_322 : f32 to vector<16xf32>
        %mul3A_324 = arith.mulf %get3A_321, %mul3A_323 : vector<16xf32>
        %swap3A_325 = arith.index_cast %add3A_211 : i32 to index
        %swap3A_326 = arith.constant 144 : index
        %swap3A_327 = tpu.vector_load %arg9[%swap3A_325, %swap3A_326] {strides = array<i32>} : memref<32x512xf32, #tpu.memory_space<vmem>>, vector<1x16xf32>,
        %swap3A_328 = vector.shape_cast %swap3A_327 : vector<1x16xf32> to vector<16xf32>
        %swap3A_329 = vector.shape_cast %mul3A_324 : vector<16xf32> to vector<1x16xf32>
        tpu.vector_store %arg9[%swap3A_325, %swap3A_326], %swap3A_329 {strides = array<i32>} : memref<32x512xf32, #tpu.memory_space<vmem>>, vector<1x16xf32>,
        %get3A_330 = arith.index_cast %add3A_211 : i32 to index
        %get3A_331 = arith.constant 160 : index
        %get3A_332 = tpu.vector_load %arg9[%get3A_330, %get3A_331] {strides = array<i32>} : memref<32x512xf32, #tpu.memory_space<vmem>>, vector<1x16xf32>,
        %get3A_333 = vector.shape_cast %get3A_332 : vector<1x16xf32> to vector<16xf32>
        %mul3A_334 = arith.constant 22.6274166 : f32
        %mul3A_335 = vector.broadcast %mul3A_334 : f32 to vector<16xf32>
        %mul3A_336 = arith.mulf %get3A_333, %mul3A_335 : vector<16xf32>
        %swap3A_337 = arith.index_cast %add3A_211 : i32 to index
        %swap3A_338 = arith.constant 160 : index
        %swap3A_339 = tpu.vector_load %arg9[%swap3A_337, %swap3A_338] {strides = array<i32>} : memref<32x512xf32, #tpu.memory_space<vmem>>, vector<1x16xf32>,
        %swap3A_340 = vector.shape_cast %swap3A_339 : vector<1x16xf32> to vector<16xf32>
        %swap3A_341 = vector.shape_cast %mul3A_336 : vector<16xf32> to vector<1x16xf32>
        tpu.vector_store %arg9[%swap3A_337, %swap3A_338], %swap3A_341 {strides = array<i32>} : memref<32x512xf32, #tpu.memory_space<vmem>>, vector<1x16xf32>,
        %get3A_342 = arith.index_cast %add3A_211 : i32 to index
        %get3A_343 = arith.constant 176 : index
        %get3A_344 = tpu.vector_load %arg9[%get3A_342, %get3A_343] {strides = array<i32>} : memref<32x512xf32, #tpu.memory_space<vmem>>, vector<1x16xf32>,
        %get3A_345 = vector.shape_cast %get3A_344 : vector<1x16xf32> to vector<16xf32>
        %mul3A_346 = arith.constant 22.6274166 : f32
        %mul3A_347 = vector.broadcast %mul3A_346 : f32 to vector<16xf32>
        %mul3A_348 = arith.mulf %get3A_345, %mul3A_347 : vector<16xf32>
        %swap3A_349 = arith.index_cast %add3A_211 : i32 to index
        %swap3A_350 = arith.constant 176 : index
        %swap3A_351 = tpu.vector_load %arg9[%swap3A_349, %swap3A_350] {strides = array<i32>} : memref<32x512xf32, #tpu.memory_space<vmem>>, vector<1x16xf32>,
        %swap3A_352 = vector.shape_cast %swap3A_351 : vector<1x16xf32> to vector<16xf32>
        %swap3A_353 = vector.shape_cast %mul3A_348 : vector<16xf32> to vector<1x16xf32>
        tpu.vector_store %arg9[%swap3A_349, %swap3A_350], %swap3A_353 {strides = array<i32>} : memref<32x512xf32, #tpu.memory_space<vmem>>, vector<1x16xf32>,
        %get3A_354 = arith.index_cast %add3A_211 : i32 to index
        %get3A_355 = arith.constant 192 : index
        %get3A_356 = tpu.vector_load %arg9[%get3A_354, %get3A_355] {strides = array<i32>} : memref<32x512xf32, #tpu.memory_space<vmem>>, vector<1x16xf32>,
        %get3A_357 = vector.shape_cast %get3A_356 : vector<1x16xf32> to vector<16xf32>
        %mul3A_358 = arith.constant 22.6274166 : f32
        %mul3A_359 = vector.broadcast %mul3A_358 : f32 to vector<16xf32>
        %mul3A_360 = arith.mulf %get3A_357, %mul3A_359 : vector<16xf32>
        %swap3A_361 = arith.index_cast %add3A_211 : i32 to index
        %swap3A_362 = arith.constant 192 : index
        %swap3A_363 = tpu.vector_load %arg9[%swap3A_361, %swap3A_362] {strides = array<i32>} : memref<32x512xf32, #tpu.memory_space<vmem>>, vector<1x16xf32>,
        %swap3A_364 = vector.shape_cast %swap3A_363 : vector<1x16xf32> to vector<16xf32>
        %swap3A_365 = vector.shape_cast %mul3A_360 : vector<16xf32> to vector<1x16xf32>
        tpu.vector_store %arg9[%swap3A_361, %swap3A_362], %swap3A_365 {strides = array<i32>} : memref<32x512xf32, #tpu.memory_space<vmem>>, vector<1x16xf32>,
        %get3A_366 = arith.index_cast %add3A_211 : i32 to index
        %get3A_367 = arith.constant 208 : index
        %get3A_368 = tpu.vector_load %arg9[%get3A_366, %get3A_367] {strides = array<i32>} : memref<32x512xf32, #tpu.memory_space<vmem>>, vector<1x16xf32>,
        %get3A_369 = vector.shape_cast %get3A_368 : vector<1x16xf32> to vector<16xf32>
        %mul3A_370 = arith.constant 22.6274166 : f32
        %mul3A_371 = vector.broadcast %mul3A_370 : f32 to vector<16xf32>
        %mul3A_372 = arith.mulf %get3A_369, %mul3A_371 : vector<16xf32>
        %swap3A_373 = arith.index_cast %add3A_211 : i32 to index
        %swap3A_374 = arith.constant 208 : index
        %swap3A_375 = tpu.vector_load %arg9[%swap3A_373, %swap3A_374] {strides = array<i32>} : memref<32x512xf32, #tpu.memory_space<vmem>>, vector<1x16xf32>,
        %swap3A_376 = vector.shape_cast %swap3A_375 : vector<1x16xf32> to vector<16xf32>
        %swap3A_377 = vector.shape_cast %mul3A_372 : vector<16xf32> to vector<1x16xf32>
        tpu.vector_store %arg9[%swap3A_373, %swap3A_374], %swap3A_377 {strides = array<i32>} : memref<32x512xf32, #tpu.memory_space<vmem>>, vector<1x16xf32>,
        %get3A_378 = arith.index_cast %add3A_211 : i32 to index
        %get3A_379 = arith.constant 224 : index
        %get3A_380 = tpu.vector_load %arg9[%get3A_378, %get3A_379] {strides = array<i32>} : memref<32x512xf32, #tpu.memory_space<vmem>>, vector<1x16xf32>,
        %get3A_381 = vector.shape_cast %get3A_380 : vector<1x16xf32> to vector<16xf32>
        %mul3A_382 = arith.constant 22.6274166 : f32
        %mul3A_383 = vector.broadcast %mul3A_382 : f32 to vector<16xf32>
        %mul3A_384 = arith.mulf %get3A_381, %mul3A_383 : vector<16xf32>
        %swap3A_385 = arith.index_cast %add3A_211 : i32 to index
        %swap3A_386 = arith.constant 224 : index
        %swap3A_387 = tpu.vector_load %arg9[%swap3A_385, %swap3A_386] {strides = array<i32>} : memref<32x512xf32, #tpu.memory_space<vmem>>, vector<1x16xf32>,
        %swap3A_388 = vector.shape_cast %swap3A_387 : vector<1x16xf32> to vector<16xf32>
        %swap3A_389 = vector.shape_cast %mul3A_384 : vector<16xf32> to vector<1x16xf32>
        tpu.vector_store %arg9[%swap3A_385, %swap3A_386], %swap3A_389 {strides = array<i32>} : memref<32x512xf32, #tpu.memory_space<vmem>>, vector<1x16xf32>,
        %get3A_390 = arith.index_cast %add3A_211 : i32 to index
        %get3A_391 = arith.constant 240 : index
        %get3A_392 = tpu.vector_load %arg9[%get3A_390, %get3A_391] {strides = array<i32>} : memref<32x512xf32, #tpu.memory_space<vmem>>, vector<1x16xf32>,
        %get3A_393 = vector.shape_cast %get3A_392 : vector<1x16xf32> to vector<16xf32>
        %mul3A_394 = arith.constant 22.6274166 : f32
        %mul3A_395 = vector.broadcast %mul3A_394 : f32 to vector<16xf32>
        %mul3A_396 = arith.mulf %get3A_393, %mul3A_395 : vector<16xf32>
        %swap3A_397 = arith.index_cast %add3A_211 : i32 to index
        %swap3A_398 = arith.constant 240 : index
        %swap3A_399 = tpu.vector_load %arg9[%swap3A_397, %swap3A_398] {strides = array<i32>} : memref<32x512xf32, #tpu.memory_space<vmem>>, vector<1x16xf32>,
        %swap3A_400 = vector.shape_cast %swap3A_399 : vector<1x16xf32> to vector<16xf32>
        %swap3A_401 = vector.shape_cast %mul3A_396 : vector<16xf32> to vector<1x16xf32>
        tpu.vector_store %arg9[%swap3A_397, %swap3A_398], %swap3A_401 {strides = array<i32>} : memref<32x512xf32, #tpu.memory_space<vmem>>, vector<1x16xf32>,
        %get3A_402 = arith.index_cast %add3A_211 : i32 to index
        %get3A_403 = arith.constant 256 : index
        %get3A_404 = tpu.vector_load %arg9[%get3A_402, %get3A_403] {strides = array<i32>} : memref<32x512xf32, #tpu.memory_space<vmem>>, vector<1x16xf32>,
        %get3A_405 = vector.shape_cast %get3A_404 : vector<1x16xf32> to vector<16xf32>
        %mul3A_406 = arith.constant 22.6274166 : f32
        %mul3A_407 = vector.broadcast %mul3A_406 : f32 to vector<16xf32>
        %mul3A_408 = arith.mulf %get3A_405, %mul3A_407 : vector<16xf32>
        %swap3A_409 = arith.index_cast %add3A_211 : i32 to index
        %swap3A_410 = arith.constant 256 : index
        %swap3A_411 = tpu.vector_load %arg9[%swap3A_409, %swap3A_410] {strides = array<i32>} : memref<32x512xf32, #tpu.memory_space<vmem>>, vector<1x16xf32>,
        %swap3A_412 = vector.shape_cast %swap3A_411 : vector<1x16xf32> to vector<16xf32>
        %swap3A_413 = vector.shape_cast %mul3A_408 : vector<16xf32> to vector<1x16xf32>
        tpu.vector_store %arg9[%swap3A_409, %swap3A_410], %swap3A_413 {strides = array<i32>} : memref<32x512xf32, #tpu.memory_space<vmem>>, vector<1x16xf32>,
        %get3A_414 = arith.index_cast %add3A_211 : i32 to index
        %get3A_415 = arith.constant 272 : index
        %get3A_416 = tpu.vector_load %arg9[%get3A_414, %get3A_415] {strides = array<i32>} : memref<32x512xf32, #tpu.memory_space<vmem>>, vector<1x16xf32>,
        %get3A_417 = vector.shape_cast %get3A_416 : vector<1x16xf32> to vector<16xf32>
        %mul3A_418 = arith.constant 22.6274166 : f32
        %mul3A_419 = vector.broadcast %mul3A_418 : f32 to vector<16xf32>
        %mul3A_420 = arith.mulf %get3A_417, %mul3A_419 : vector<16xf32>
        %swap3A_421 = arith.index_cast %add3A_211 : i32 to index
        %swap3A_422 = arith.constant 272 : index
        %swap3A_423 = tpu.vector_load %arg9[%swap3A_421, %swap3A_422] {strides = array<i32>} : memref<32x512xf32, #tpu.memory_space<vmem>>, vector<1x16xf32>,
        %swap3A_424 = vector.shape_cast %swap3A_423 : vector<1x16xf32> to vector<16xf32>
        %swap3A_425 = vector.shape_cast %mul3A_420 : vector<16xf32> to vector<1x16xf32>
        tpu.vector_store %arg9[%swap3A_421, %swap3A_422], %swap3A_425 {strides = array<i32>} : memref<32x512xf32, #tpu.memory_space<vmem>>, vector<1x16xf32>,
        %get3A_426 = arith.index_cast %add3A_211 : i32 to index
        %get3A_427 = arith.constant 288 : index
        %get3A_428 = tpu.vector_load %arg9[%get3A_426, %get3A_427] {strides = array<i32>} : memref<32x512xf32, #tpu.memory_space<vmem>>, vector<1x16xf32>,
        %get3A_429 = vector.shape_cast %get3A_428 : vector<1x16xf32> to vector<16xf32>
        %mul3A_430 = arith.constant 22.6274166 : f32
        %mul3A_431 = vector.broadcast %mul3A_430 : f32 to vector<16xf32>
        %mul3A_432 = arith.mulf %get3A_429, %mul3A_431 : vector<16xf32>
        %swap3A_433 = arith.index_cast %add3A_211 : i32 to index
        %swap3A_434 = arith.constant 288 : index
        %swap3A_435 = tpu.vector_load %arg9[%swap3A_433, %swap3A_434] {strides = array<i32>} : memref<32x512xf32, #tpu.memory_space<vmem>>, vector<1x16xf32>,
        %swap3A_436 = vector.shape_cast %swap3A_435 : vector<1x16xf32> to vector<16xf32>
        %swap3A_437 = vector.shape_cast %mul3A_432 : vector<16xf32> to vector<1x16xf32>
        tpu.vector_store %arg9[%swap3A_433, %swap3A_434], %swap3A_437 {strides = array<i32>} : memref<32x512xf32, #tpu.memory_space<vmem>>, vector<1x16xf32>,
        %get3A_438 = arith.index_cast %add3A_211 : i32 to index
        %get3A_439 = arith.constant 304 : index
        %get3A_440 = tpu.vector_load %arg9[%get3A_438, %get3A_439] {strides = array<i32>} : memref<32x512xf32, #tpu.memory_space<vmem>>, vector<1x16xf32>,
        %get3A_441 = vector.shape_cast %get3A_440 : vector<1x16xf32> to vector<16xf32>
        %mul3A_442 = arith.constant 22.6274166 : f32
        %mul3A_443 = vector.broadcast %mul3A_442 : f32 to vector<16xf32>
        %mul3A_444 = arith.mulf %get3A_441, %mul3A_443 : vector<16xf32>
        %swap3A_445 = arith.index_cast %add3A_211 : i32 to index
        %swap3A_446 = arith.constant 304 : index
        %swap3A_447 = tpu.vector_load %arg9[%swap3A_445, %swap3A_446] {strides = array<i32>} : memref<32x512xf32, #tpu.memory_space<vmem>>, vector<1x16xf32>,
        %swap3A_448 = vector.shape_cast %swap3A_447 : vector<1x16xf32> to vector<16xf32>
        %swap3A_449 = vector.shape_cast %mul3A_444 : vector<16xf32> to vector<1x16xf32>
        tpu.vector_store %arg9[%swap3A_445, %swap3A_446], %swap3A_449 {strides = array<i32>} : memref<32x512xf32, #tpu.memory_space<vmem>>, vector<1x16xf32>,
        %get3A_450 = arith.index_cast %add3A_211 : i32 to index
        %get3A_451 = arith.constant 320 : index
        %get3A_452 = tpu.vector_load %arg9[%get3A_450, %get3A_451] {strides = array<i32>} : memref<32x512xf32, #tpu.memory_space<vmem>>, vector<1x16xf32>,
        %get3A_453 = vector.shape_cast %get3A_452 : vector<1x16xf32> to vector<16xf32>
        %mul3A_454 = arith.constant 22.6274166 : f32
        %mul3A_455 = vector.broadcast %mul3A_454 : f32 to vector<16xf32>
        %mul3A_456 = arith.mulf %get3A_453, %mul3A_455 : vector<16xf32>
        %swap3A_457 = arith.index_cast %add3A_211 : i32 to index
        %swap3A_458 = arith.constant 320 : index
        %swap3A_459 = tpu.vector_load %arg9[%swap3A_457, %swap3A_458] {strides = array<i32>} : memref<32x512xf32, #tpu.memory_space<vmem>>, vector<1x16xf32>,
        %swap3A_460 = vector.shape_cast %swap3A_459 : vector<1x16xf32> to vector<16xf32>
        %swap3A_461 = vector.shape_cast %mul3A_456 : vector<16xf32> to vector<1x16xf32>
        tpu.vector_store %arg9[%swap3A_457, %swap3A_458], %swap3A_461 {strides = array<i32>} : memref<32x512xf32, #tpu.memory_space<vmem>>, vector<1x16xf32>,
        %get3A_462 = arith.index_cast %add3A_211 : i32 to index
        %get3A_463 = arith.constant 336 : index
        %get3A_464 = tpu.vector_load %arg9[%get3A_462, %get3A_463] {strides = array<i32>} : memref<32x512xf32, #tpu.memory_space<vmem>>, vector<1x16xf32>,
        %get3A_465 = vector.shape_cast %get3A_464 : vector<1x16xf32> to vector<16xf32>
        %mul3A_466 = arith.constant 22.6274166 : f32
        %mul3A_467 = vector.broadcast %mul3A_466 : f32 to vector<16xf32>
        %mul3A_468 = arith.mulf %get3A_465, %mul3A_467 : vector<16xf32>
        %swap3A_469 = arith.index_cast %add3A_211 : i32 to index
        %swap3A_470 = arith.constant 336 : index
        %swap3A_471 = tpu.vector_load %arg9[%swap3A_469, %swap3A_470] {strides = array<i32>} : memref<32x512xf32, #tpu.memory_space<vmem>>, vector<1x16xf32>,
        %swap3A_472 = vector.shape_cast %swap3A_471 : vector<1x16xf32> to vector<16xf32>
        %swap3A_473 = vector.shape_cast %mul3A_468 : vector<16xf32> to vector<1x16xf32>
        tpu.vector_store %arg9[%swap3A_469, %swap3A_470], %swap3A_473 {strides = array<i32>} : memref<32x512xf32, #tpu.memory_space<vmem>>, vector<1x16xf32>,
        %get3A_474 = arith.index_cast %add3A_211 : i32 to index
        %get3A_475 = arith.constant 352 : index
        %get3A_476 = tpu.vector_load %arg9[%get3A_474, %get3A_475] {strides = array<i32>} : memref<32x512xf32, #tpu.memory_space<vmem>>, vector<1x16xf32>,
        %get3A_477 = vector.shape_cast %get3A_476 : vector<1x16xf32> to vector<16xf32>
        %mul3A_478 = arith.constant 22.6274166 : f32
        %mul3A_479 = vector.broadcast %mul3A_478 : f32 to vector<16xf32>
        %mul3A_480 = arith.mulf %get3A_477, %mul3A_479 : vector<16xf32>
        %swap3A_481 = arith.index_cast %add3A_211 : i32 to index
        %swap3A_482 = arith.constant 352 : index
        %swap3A_483 = tpu.vector_load %arg9[%swap3A_481, %swap3A_482] {strides = array<i32>} : memref<32x512xf32, #tpu.memory_space<vmem>>, vector<1x16xf32>,
        %swap3A_484 = vector.shape_cast %swap3A_483 : vector<1x16xf32> to vector<16xf32>
        %swap3A_485 = vector.shape_cast %mul3A_480 : vector<16xf32> to vector<1x16xf32>
        tpu.vector_store %arg9[%swap3A_481, %swap3A_482], %swap3A_485 {strides = array<i32>} : memref<32x512xf32, #tpu.memory_space<vmem>>, vector<1x16xf32>,
        %get3A_486 = arith.index_cast %add3A_211 : i32 to index
        %get3A_487 = arith.constant 368 : index
        %get3A_488 = tpu.vector_load %arg9[%get3A_486, %get3A_487] {strides = array<i32>} : memref<32x512xf32, #tpu.memory_space<vmem>>, vector<1x16xf32>,
        %get3A_489 = vector.shape_cast %get3A_488 : vector<1x16xf32> to vector<16xf32>
        %mul3A_490 = arith.constant 22.6274166 : f32
        %mul3A_491 = vector.broadcast %mul3A_490 : f32 to vector<16xf32>
        %mul3A_492 = arith.mulf %get3A_489, %mul3A_491 : vector<16xf32>
        %swap3A_493 = arith.index_cast %add3A_211 : i32 to index
        %swap3A_494 = arith.constant 368 : index
        %swap3A_495 = tpu.vector_load %arg9[%swap3A_493, %swap3A_494] {strides = array<i32>} : memref<32x512xf32, #tpu.memory_space<vmem>>, vector<1x16xf32>,
        %swap3A_496 = vector.shape_cast %swap3A_495 : vector<1x16xf32> to vector<16xf32>
        %swap3A_497 = vector.shape_cast %mul3A_492 : vector<16xf32> to vector<1x16xf32>
        tpu.vector_store %arg9[%swap3A_493, %swap3A_494], %swap3A_497 {strides = array<i32>} : memref<32x512xf32, #tpu.memory_space<vmem>>, vector<1x16xf32>,
        %get3A_498 = arith.index_cast %add3A_211 : i32 to index
        %get3A_499 = arith.constant 384 : index
        %get3A_500 = tpu.vector_load %arg9[%get3A_498, %get3A_499] {strides = array<i32>} : memref<32x512xf32, #tpu.memory_space<vmem>>, vector<1x16xf32>,
        %get3A_501 = vector.shape_cast %get3A_500 : vector<1x16xf32> to vector<16xf32>
        %mul3A_502 = arith.constant 22.6274166 : f32
        %mul3A_503 = vector.broadcast %mul3A_502 : f32 to vector<16xf32>
        %mul3A_504 = arith.mulf %get3A_501, %mul3A_503 : vector<16xf32>
        %swap3A_505 = arith.index_cast %add3A_211 : i32 to index
        %swap3A_506 = arith.constant 384 : index
        %swap3A_507 = tpu.vector_load %arg9[%swap3A_505, %swap3A_506] {strides = array<i32>} : memref<32x512xf32, #tpu.memory_space<vmem>>, vector<1x16xf32>,
        %swap3A_508 = vector.shape_cast %swap3A_507 : vector<1x16xf32> to vector<16xf32>
        %swap3A_509 = vector.shape_cast %mul3A_504 : vector<16xf32> to vector<1x16xf32>
        tpu.vector_store %arg9[%swap3A_505, %swap3A_506], %swap3A_509 {strides = array<i32>} : memref<32x512xf32, #tpu.memory_space<vmem>>, vector<1x16xf32>,
        %get3A_510 = arith.index_cast %add3A_211 : i32 to index
        %get3A_511 = arith.constant 400 : index
        %get3A_512 = tpu.vector_load %arg9[%get3A_510, %get3A_511] {strides = array<i32>} : memref<32x512xf32, #tpu.memory_space<vmem>>, vector<1x16xf32>,
        %get3A_513 = vector.shape_cast %get3A_512 : vector<1x16xf32> to vector<16xf32>
        %mul3A_514 = arith.constant 22.6274166 : f32
        %mul3A_515 = vector.broadcast %mul3A_514 : f32 to vector<16xf32>
        %mul3A_516 = arith.mulf %get3A_513, %mul3A_515 : vector<16xf32>
        %swap3A_517 = arith.index_cast %add3A_211 : i32 to index
        %swap3A_518 = arith.constant 400 : index
        %swap3A_519 = tpu.vector_load %arg9[%swap3A_517, %swap3A_518] {strides = array<i32>} : memref<32x512xf32, #tpu.memory_space<vmem>>, vector<1x16xf32>,
        %swap3A_520 = vector.shape_cast %swap3A_519 : vector<1x16xf32> to vector<16xf32>
        %swap3A_521 = vector.shape_cast %mul3A_516 : vector<16xf32> to vector<1x16xf32>
        tpu.vector_store %arg9[%swap3A_517, %swap3A_518], %swap3A_521 {strides = array<i32>} : memref<32x512xf32, #tpu.memory_space<vmem>>, vector<1x16xf32>,
        %get3A_522 = arith.index_cast %add3A_211 : i32 to index
        %get3A_523 = arith.constant 416 : index
        %get3A_524 = tpu.vector_load %arg9[%get3A_522, %get3A_523] {strides = array<i32>} : memref<32x512xf32, #tpu.memory_space<vmem>>, vector<1x16xf32>,
        %get3A_525 = vector.shape_cast %get3A_524 : vector<1x16xf32> to vector<16xf32>
        %mul3A_526 = arith.constant 22.6274166 : f32
        %mul3A_527 = vector.broadcast %mul3A_526 : f32 to vector<16xf32>
        %mul3A_528 = arith.mulf %get3A_525, %mul3A_527 : vector<16xf32>
        %swap3A_529 = arith.index_cast %add3A_211 : i32 to index
        %swap3A_530 = arith.constant 416 : index
        %swap3A_531 = tpu.vector_load %arg9[%swap3A_529, %swap3A_530] {strides = array<i32>} : memref<32x512xf32, #tpu.memory_space<vmem>>, vector<1x16xf32>,
        %swap3A_532 = vector.shape_cast %swap3A_531 : vector<1x16xf32> to vector<16xf32>
        %swap3A_533 = vector.shape_cast %mul3A_528 : vector<16xf32> to vector<1x16xf32>
        tpu.vector_store %arg9[%swap3A_529, %swap3A_530], %swap3A_533 {strides = array<i32>} : memref<32x512xf32, #tpu.memory_space<vmem>>, vector<1x16xf32>,
        %get3A_534 = arith.index_cast %add3A_211 : i32 to index
        %get3A_535 = arith.constant 432 : index
        %get3A_536 = tpu.vector_load %arg9[%get3A_534, %get3A_535] {strides = array<i32>} : memref<32x512xf32, #tpu.memory_space<vmem>>, vector<1x16xf32>,
        %get3A_537 = vector.shape_cast %get3A_536 : vector<1x16xf32> to vector<16xf32>
        %mul3A_538 = arith.constant 22.6274166 : f32
        %mul3A_539 = vector.broadcast %mul3A_538 : f32 to vector<16xf32>
        %mul3A_540 = arith.mulf %get3A_537, %mul3A_539 : vector<16xf32>
        %swap3A_541 = arith.index_cast %add3A_211 : i32 to index
        %swap3A_542 = arith.constant 432 : index
        %swap3A_543 = tpu.vector_load %arg9[%swap3A_541, %swap3A_542] {strides = array<i32>} : memref<32x512xf32, #tpu.memory_space<vmem>>, vector<1x16xf32>,
        %swap3A_544 = vector.shape_cast %swap3A_543 : vector<1x16xf32> to vector<16xf32>
        %swap3A_545 = vector.shape_cast %mul3A_540 : vector<16xf32> to vector<1x16xf32>
        tpu.vector_store %arg9[%swap3A_541, %swap3A_542], %swap3A_545 {strides = array<i32>} : memref<32x512xf32, #tpu.memory_space<vmem>>, vector<1x16xf32>,
        %get3A_546 = arith.index_cast %add3A_211 : i32 to index
        %get3A_547 = arith.constant 448 : index
        %get3A_548 = tpu.vector_load %arg9[%get3A_546, %get3A_547] {strides = array<i32>} : memref<32x512xf32, #tpu.memory_space<vmem>>, vector<1x16xf32>,
        %get3A_549 = vector.shape_cast %get3A_548 : vector<1x16xf32> to vector<16xf32>
        %mul3A_550 = arith.constant 22.6274166 : f32
        %mul3A_551 = vector.broadcast %mul3A_550 : f32 to vector<16xf32>
        %mul3A_552 = arith.mulf %get3A_549, %mul3A_551 : vector<16xf32>
        %swap3A_553 = arith.index_cast %add3A_211 : i32 to index
        %swap3A_554 = arith.constant 448 : index
        %swap3A_555 = tpu.vector_load %arg9[%swap3A_553, %swap3A_554] {strides = array<i32>} : memref<32x512xf32, #tpu.memory_space<vmem>>, vector<1x16xf32>,
        %swap3A_556 = vector.shape_cast %swap3A_555 : vector<1x16xf32> to vector<16xf32>
        %swap3A_557 = vector.shape_cast %mul3A_552 : vector<16xf32> to vector<1x16xf32>
        tpu.vector_store %arg9[%swap3A_553, %swap3A_554], %swap3A_557 {strides = array<i32>} : memref<32x512xf32, #tpu.memory_space<vmem>>, vector<1x16xf32>,
        %get3A_558 = arith.index_cast %add3A_211 : i32 to index
        %get3A_559 = arith.constant 464 : index
        %get3A_560 = tpu.vector_load %arg9[%get3A_558, %get3A_559] {strides = array<i32>} : memref<32x512xf32, #tpu.memory_space<vmem>>, vector<1x16xf32>,
        %get3A_561 = vector.shape_cast %get3A_560 : vector<1x16xf32> to vector<16xf32>
        %mul3A_562 = arith.constant 22.6274166 : f32
        %mul3A_563 = vector.broadcast %mul3A_562 : f32 to vector<16xf32>
        %mul3A_564 = arith.mulf %get3A_561, %mul3A_563 : vector<16xf32>
        %swap3A_565 = arith.index_cast %add3A_211 : i32 to index
        %swap3A_566 = arith.constant 464 : index
        %swap3A_567 = tpu.vector_load %arg9[%swap3A_565, %swap3A_566] {strides = array<i32>} : memref<32x512xf32, #tpu.memory_space<vmem>>, vector<1x16xf32>,
        %swap3A_568 = vector.shape_cast %swap3A_567 : vector<1x16xf32> to vector<16xf32>
        %swap3A_569 = vector.shape_cast %mul3A_564 : vector<16xf32> to vector<1x16xf32>
        tpu.vector_store %arg9[%swap3A_565, %swap3A_566], %swap3A_569 {strides = array<i32>} : memref<32x512xf32, #tpu.memory_space<vmem>>, vector<1x16xf32>,
        %get3A_570 = arith.index_cast %add3A_211 : i32 to index
        %get3A_571 = arith.constant 480 : index
        %get3A_572 = tpu.vector_load %arg9[%get3A_570, %get3A_571] {strides = array<i32>} : memref<32x512xf32, #tpu.memory_space<vmem>>, vector<1x16xf32>,
        %get3A_573 = vector.shape_cast %get3A_572 : vector<1x16xf32> to vector<16xf32>
        %mul3A_574 = arith.constant 22.6274166 : f32
        %mul3A_575 = vector.broadcast %mul3A_574 : f32 to vector<16xf32>
        %mul3A_576 = arith.mulf %get3A_573, %mul3A_575 : vector<16xf32>
        %swap3A_577 = arith.index_cast %add3A_211 : i32 to index
        %swap3A_578 = arith.constant 480 : index
        %swap3A_579 = tpu.vector_load %arg9[%swap3A_577, %swap3A_578] {strides = array<i32>} : memref<32x512xf32, #tpu.memory_space<vmem>>, vector<1x16xf32>,
        %swap3A_580 = vector.shape_cast %swap3A_579 : vector<1x16xf32> to vector<16xf32>
        %swap3A_581 = vector.shape_cast %mul3A_576 : vector<16xf32> to vector<1x16xf32>
        tpu.vector_store %arg9[%swap3A_577, %swap3A_578], %swap3A_581 {strides = array<i32>} : memref<32x512xf32, #tpu.memory_space<vmem>>, vector<1x16xf32>,
        %get3A_582 = arith.index_cast %add3A_211 : i32 to index
        %get3A_583 = arith.constant 496 : index
        %get3A_584 = tpu.vector_load %arg9[%get3A_582, %get3A_583] {strides = array<i32>} : memref<32x512xf32, #tpu.memory_space<vmem>>, vector<1x16xf32>,
        %get3A_585 = vector.shape_cast %get3A_584 : vector<1x16xf32> to vector<16xf32>
        %mul3A_586 = arith.constant 22.6274166 : f32
        %mul3A_587 = vector.broadcast %mul3A_586 : f32 to vector<16xf32>
        %mul3A_588 = arith.mulf %get3A_585, %mul3A_587 : vector<16xf32>
        %swap3A_589 = arith.index_cast %add3A_211 : i32 to index
        %swap3A_590 = arith.constant 496 : index
        %swap3A_591 = tpu.vector_load %arg9[%swap3A_589, %swap3A_590] {strides = array<i32>} : memref<32x512xf32, #tpu.memory_space<vmem>>, vector<1x16xf32>,
        %swap3A_592 = vector.shape_cast %swap3A_591 : vector<1x16xf32> to vector<16xf32>
        %swap3A_593 = vector.shape_cast %mul3A_588 : vector<16xf32> to vector<1x16xf32>
        tpu.vector_store %arg9[%swap3A_589, %swap3A_590], %swap3A_593 {strides = array<i32>} : memref<32x512xf32, #tpu.memory_space<vmem>>, vector<1x16xf32>,
      }
      %scan3A_137 = arith.constant 32 : i32
      %mul3A_138 = arith.constant 32 : i32
      %mul3A_139 = arith.muli %add3A_126, %mul3A_138 : i32
      %add3A_140 = arith.addi %mul3A_2, %mul3A_139 : i32
      %dma_start3A_141 = arith.constant 0 : i32
      %dma_start3A_142 = tpu.memref_slice %arg4[%add3A_140, %dma_start3A_141] : memref<819200x512xf32, #tpu.memory_space<hbm>> -> memref<32x512xf32, #tpu.memory_space<hbm>>
      %dma_start3A_143 = arith.constant 0 : i32
      %dma_start3A_144 = tpu.memref_slice %arg4[%add3A_140, %dma_start3A_143] : memref<819200x512xf32, #tpu.memory_space<hbm>> -> memref<32x512xf32, #tpu.memory_space<hbm>>
      tpu.enqueue_dma source(%arg9 : memref<32x512xf32, #tpu.memory_space<vmem>>) target(%dma_start3A_144 : memref<32x512xf32, #tpu.memory_space<hbm>>) target_semaphore(%arg19 : memref<!tpu.dma_semaphore, #tpu.memory_space<semaphore_mem>>)
      %add3A_145 = arith.constant 4 : i32
      %add3A_146 = arith.addi %add3A_64, %add3A_145 : i32
      %mul3A_147 = arith.constant 32 : i32
      %mul3A_148 = arith.muli %add3A_146, %mul3A_147 : i32
      %dma_wait3A_149 = tpu.memref_slice %arg5[%mul3A_148] : memref<25600xi32, #tpu.memory_space<vmem>> -> memref<32xi32, #tpu.memory_space<vmem>>
      %dma_wait3A_150 = arith.constant 0 : i32
      %dma_wait3A_151 = arith.constant 0 : i32
      %dma_wait3A_152 = tpu.memref_slice %arg2[%dma_wait3A_150, %dma_wait3A_151] : memref<100000x512xf32, #tpu.memory_space<hbm>> -> memref<100000x512xf32, #tpu.memory_space<hbm>>
      tpu.wait_indirect_dma semaphore(%arg15 : memref<!tpu.dma_semaphore, #tpu.memory_space<semaphore_mem>>) src(%dma_wait3A_152 : memref<100000x512xf32, #tpu.memory_space<hbm>>) dst(%arg10 : memref<32x512xf32, #tpu.memory_space<vmem>>)
      %scan3A_153 = arith.constant 0 : i32
      %scan3A_154 = arith.constant 32 : i32
      %scan3A_155 = arith.addi %scan3A_153, %scan3A_154 : i32
      %scan3A_156 = arith.constant 1 : i32
      scf.for %scan3A_207 = %scan3A_153 to %scan3A_155 step %scan3A_156  : i32 {
        %mul3A_208 = arith.constant 1 : i32
        %mul3A_209 = arith.muli %scan3A_207, %mul3A_208 : i32
        %add3A_210 = arith.constant 0 : i32
        %add3A_211 = arith.addi %add3A_210, %mul3A_209 : i32
        %get3A = arith.index_cast %add3A_211 : i32 to index
        %get3A_212 = arith.constant 0 : index
        %get3A_213 = tpu.vector_load %arg10[%get3A, %get3A_212] {strides = array<i32>} : memref<32x512xf32, #tpu.memory_space<vmem>>, vector<1x16xf32>,
        %get3A_214 = vector.shape_cast %get3A_213 : vector<1x16xf32> to vector<16xf32>
        %mul3A_215 = arith.constant 22.6274166 : f32
        %mul3A_216 = vector.broadcast %mul3A_215 : f32 to vector<16xf32>
        %mul3A_217 = arith.mulf %get3A_214, %mul3A_216 : vector<16xf32>
        %swap3A = arith.index_cast %add3A_211 : i32 to index
        %swap3A_218 = arith.constant 0 : index
        %swap3A_219 = tpu.vector_load %arg10[%swap3A, %swap3A_218] {strides = array<i32>} : memref<32x512xf32, #tpu.memory_space<vmem>>, vector<1x16xf32>,
        %swap3A_220 = vector.shape_cast %swap3A_219 : vector<1x16xf32> to vector<16xf32>
        %swap3A_221 = vector.shape_cast %mul3A_217 : vector<16xf32> to vector<1x16xf32>
        tpu.vector_store %arg10[%swap3A, %swap3A_218], %swap3A_221 {strides = array<i32>} : memref<32x512xf32, #tpu.memory_space<vmem>>, vector<1x16xf32>,
        %get3A_222 = arith.index_cast %add3A_211 : i32 to index
        %get3A_223 = arith.constant 16 : index
        %get3A_224 = tpu.vector_load %arg10[%get3A_222, %get3A_223] {strides = array<i32>} : memref<32x512xf32, #tpu.memory_space<vmem>>, vector<1x16xf32>,
        %get3A_225 = vector.shape_cast %get3A_224 : vector<1x16xf32> to vector<16xf32>
        %mul3A_226 = arith.constant 22.6274166 : f32
        %mul3A_227 = vector.broadcast %mul3A_226 : f32 to vector<16xf32>
        %mul3A_228 = arith.mulf %get3A_225, %mul3A_227 : vector<16xf32>
        %swap3A_229 = arith.index_cast %add3A_211 : i32 to index
        %swap3A_230 = arith.constant 16 : index
        %swap3A_231 = tpu.vector_load %arg10[%swap3A_229, %swap3A_230] {strides = array<i32>} : memref<32x512xf32, #tpu.memory_space<vmem>>, vector<1x16xf32>,
        %swap3A_232 = vector.shape_cast %swap3A_231 : vector<1x16xf32> to vector<16xf32>
        %swap3A_233 = vector.shape_cast %mul3A_228 : vector<16xf32> to vector<1x16xf32>
        tpu.vector_store %arg10[%swap3A_229, %swap3A_230], %swap3A_233 {strides = array<i32>} : memref<32x512xf32, #tpu.memory_space<vmem>>, vector<1x16xf32>,
        %get3A_234 = arith.index_cast %add3A_211 : i32 to index
        %get3A_235 = arith.constant 32 : index
        %get3A_236 = tpu.vector_load %arg10[%get3A_234, %get3A_235] {strides = array<i32>} : memref<32x512xf32, #tpu.memory_space<vmem>>, vector<1x16xf32>,
        %get3A_237 = vector.shape_cast %get3A_236 : vector<1x16xf32> to vector<16xf32>
        %mul3A_238 = arith.constant 22.6274166 : f32
        %mul3A_239 = vector.broadcast %mul3A_238 : f32 to vector<16xf32>
        %mul3A_240 = arith.mulf %get3A_237, %mul3A_239 : vector<16xf32>
        %swap3A_241 = arith.index_cast %add3A_211 : i32 to index
        %swap3A_242 = arith.constant 32 : index
        %swap3A_243 = tpu.vector_load %arg10[%swap3A_241, %swap3A_242] {strides = array<i32>} : memref<32x512xf32, #tpu.memory_space<vmem>>, vector<1x16xf32>,
        %swap3A_244 = vector.shape_cast %swap3A_243 : vector<1x16xf32> to vector<16xf32>
        %swap3A_245 = vector.shape_cast %mul3A_240 : vector<16xf32> to vector<1x16xf32>
        tpu.vector_store %arg10[%swap3A_241, %swap3A_242], %swap3A_245 {strides = array<i32>} : memref<32x512xf32, #tpu.memory_space<vmem>>, vector<1x16xf32>,
        %get3A_246 = arith.index_cast %add3A_211 : i32 to index
        %get3A_247 = arith.constant 48 : index
        %get3A_248 = tpu.vector_load %arg10[%get3A_246, %get3A_247] {strides = array<i32>} : memref<32x512xf32, #tpu.memory_space<vmem>>, vector<1x16xf32>,
        %get3A_249 = vector.shape_cast %get3A_248 : vector<1x16xf32> to vector<16xf32>
        %mul3A_250 = arith.constant 22.6274166 : f32
        %mul3A_251 = vector.broadcast %mul3A_250 : f32 to vector<16xf32>
        %mul3A_252 = arith.mulf %get3A_249, %mul3A_251 : vector<16xf32>
        %swap3A_253 = arith.index_cast %add3A_211 : i32 to index
        %swap3A_254 = arith.constant 48 : index
        %swap3A_255 = tpu.vector_load %arg10[%swap3A_253, %swap3A_254] {strides = array<i32>} : memref<32x512xf32, #tpu.memory_space<vmem>>, vector<1x16xf32>,
        %swap3A_256 = vector.shape_cast %swap3A_255 : vector<1x16xf32> to vector<16xf32>
        %swap3A_257 = vector.shape_cast %mul3A_252 : vector<16xf32> to vector<1x16xf32>
        tpu.vector_store %arg10[%swap3A_253, %swap3A_254], %swap3A_257 {strides = array<i32>} : memref<32x512xf32, #tpu.memory_space<vmem>>, vector<1x16xf32>,
        %get3A_258 = arith.index_cast %add3A_211 : i32 to index
        %get3A_259 = arith.constant 64 : index
        %get3A_260 = tpu.vector_load %arg10[%get3A_258, %get3A_259] {strides = array<i32>} : memref<32x512xf32, #tpu.memory_space<vmem>>, vector<1x16xf32>,
        %get3A_261 = vector.shape_cast %get3A_260 : vector<1x16xf32> to vector<16xf32>
        %mul3A_262 = arith.constant 22.6274166 : f32
        %mul3A_263 = vector.broadcast %mul3A_262 : f32 to vector<16xf32>
        %mul3A_264 = arith.mulf %get3A_261, %mul3A_263 : vector<16xf32>
        %swap3A_265 = arith.index_cast %add3A_211 : i32 to index
        %swap3A_266 = arith.constant 64 : index
        %swap3A_267 = tpu.vector_load %arg10[%swap3A_265, %swap3A_266] {strides = array<i32>} : memref<32x512xf32, #tpu.memory_space<vmem>>, vector<1x16xf32>,
        %swap3A_268 = vector.shape_cast %swap3A_267 : vector<1x16xf32> to vector<16xf32>
        %swap3A_269 = vector.shape_cast %mul3A_264 : vector<16xf32> to vector<1x16xf32>
        tpu.vector_store %arg10[%swap3A_265, %swap3A_266], %swap3A_269 {strides = array<i32>} : memref<32x512xf32, #tpu.memory_space<vmem>>, vector<1x16xf32>,
        %get3A_270 = arith.index_cast %add3A_211 : i32 to index
        %get3A_271 = arith.constant 80 : index
        %get3A_272 = tpu.vector_load %arg10[%get3A_270, %get3A_271] {strides = array<i32>} : memref<32x512xf32, #tpu.memory_space<vmem>>, vector<1x16xf32>,
        %get3A_273 = vector.shape_cast %get3A_272 : vector<1x16xf32> to vector<16xf32>
        %mul3A_274 = arith.constant 22.6274166 : f32
        %mul3A_275 = vector.broadcast %mul3A_274 : f32 to vector<16xf32>
        %mul3A_276 = arith.mulf %get3A_273, %mul3A_275 : vector<16xf32>
        %swap3A_277 = arith.index_cast %add3A_211 : i32 to index
        %swap3A_278 = arith.constant 80 : index
        %swap3A_279 = tpu.vector_load %arg10[%swap3A_277, %swap3A_278] {strides = array<i32>} : memref<32x512xf32, #tpu.memory_space<vmem>>, vector<1x16xf32>,
        %swap3A_280 = vector.shape_cast %swap3A_279 : vector<1x16xf32> to vector<16xf32>
        %swap3A_281 = vector.shape_cast %mul3A_276 : vector<16xf32> to vector<1x16xf32>
        tpu.vector_store %arg10[%swap3A_277, %swap3A_278], %swap3A_281 {strides = array<i32>} : memref<32x512xf32, #tpu.memory_space<vmem>>, vector<1x16xf32>,
        %get3A_282 = arith.index_cast %add3A_211 : i32 to index
        %get3A_283 = arith.constant 96 : index
        %get3A_284 = tpu.vector_load %arg10[%get3A_282, %get3A_283] {strides = array<i32>} : memref<32x512xf32, #tpu.memory_space<vmem>>, vector<1x16xf32>,
        %get3A_285 = vector.shape_cast %get3A_284 : vector<1x16xf32> to vector<16xf32>
        %mul3A_286 = arith.constant 22.6274166 : f32
        %mul3A_287 = vector.broadcast %mul3A_286 : f32 to vector<16xf32>
        %mul3A_288 = arith.mulf %get3A_285, %mul3A_287 : vector<16xf32>
        %swap3A_289 = arith.index_cast %add3A_211 : i32 to index
        %swap3A_290 = arith.constant 96 : index
        %swap3A_291 = tpu.vector_load %arg10[%swap3A_289, %swap3A_290] {strides = array<i32>} : memref<32x512xf32, #tpu.memory_space<vmem>>, vector<1x16xf32>,
        %swap3A_292 = vector.shape_cast %swap3A_291 : vector<1x16xf32> to vector<16xf32>
        %swap3A_293 = vector.shape_cast %mul3A_288 : vector<16xf32> to vector<1x16xf32>
        tpu.vector_store %arg10[%swap3A_289, %swap3A_290], %swap3A_293 {strides = array<i32>} : memref<32x512xf32, #tpu.memory_space<vmem>>, vector<1x16xf32>,
        %get3A_294 = arith.index_cast %add3A_211 : i32 to index
        %get3A_295 = arith.constant 112 : index
        %get3A_296 = tpu.vector_load %arg10[%get3A_294, %get3A_295] {strides = array<i32>} : memref<32x512xf32, #tpu.memory_space<vmem>>, vector<1x16xf32>,
        %get3A_297 = vector.shape_cast %get3A_296 : vector<1x16xf32> to vector<16xf32>
        %mul3A_298 = arith.constant 22.6274166 : f32
        %mul3A_299 = vector.broadcast %mul3A_298 : f32 to vector<16xf32>
        %mul3A_300 = arith.mulf %get3A_297, %mul3A_299 : vector<16xf32>
        %swap3A_301 = arith.index_cast %add3A_211 : i32 to index
        %swap3A_302 = arith.constant 112 : index
        %swap3A_303 = tpu.vector_load %arg10[%swap3A_301, %swap3A_302] {strides = array<i32>} : memref<32x512xf32, #tpu.memory_space<vmem>>, vector<1x16xf32>,
        %swap3A_304 = vector.shape_cast %swap3A_303 : vector<1x16xf32> to vector<16xf32>
        %swap3A_305 = vector.shape_cast %mul3A_300 : vector<16xf32> to vector<1x16xf32>
        tpu.vector_store %arg10[%swap3A_301, %swap3A_302], %swap3A_305 {strides = array<i32>} : memref<32x512xf32, #tpu.memory_space<vmem>>, vector<1x16xf32>,
        %get3A_306 = arith.index_cast %add3A_211 : i32 to index
        %get3A_307 = arith.constant 128 : index
        %get3A_308 = tpu.vector_load %arg10[%get3A_306, %get3A_307] {strides = array<i32>} : memref<32x512xf32, #tpu.memory_space<vmem>>, vector<1x16xf32>,
        %get3A_309 = vector.shape_cast %get3A_308 : vector<1x16xf32> to vector<16xf32>
        %mul3A_310 = arith.constant 22.6274166 : f32
        %mul3A_311 = vector.broadcast %mul3A_310 : f32 to vector<16xf32>
        %mul3A_312 = arith.mulf %get3A_309, %mul3A_311 : vector<16xf32>
        %swap3A_313 = arith.index_cast %add3A_211 : i32 to index
        %swap3A_314 = arith.constant 128 : index
        %swap3A_315 = tpu.vector_load %arg10[%swap3A_313, %swap3A_314] {strides = array<i32>} : memref<32x512xf32, #tpu.memory_space<vmem>>, vector<1x16xf32>,
        %swap3A_316 = vector.shape_cast %swap3A_315 : vector<1x16xf32> to vector<16xf32>
        %swap3A_317 = vector.shape_cast %mul3A_312 : vector<16xf32> to vector<1x16xf32>
        tpu.vector_store %arg10[%swap3A_313, %swap3A_314], %swap3A_317 {strides = array<i32>} : memref<32x512xf32, #tpu.memory_space<vmem>>, vector<1x16xf32>,
        %get3A_318 = arith.index_cast %add3A_211 : i32 to index
        %get3A_319 = arith.constant 144 : index
        %get3A_320 = tpu.vector_load %arg10[%get3A_318, %get3A_319] {strides = array<i32>} : memref<32x512xf32, #tpu.memory_space<vmem>>, vector<1x16xf32>,
        %get3A_321 = vector.shape_cast %get3A_320 : vector<1x16xf32> to vector<16xf32>
        %mul3A_322 = arith.constant 22.6274166 : f32
        %mul3A_323 = vector.broadcast %mul3A_322 : f32 to vector<16xf32>
        %mul3A_324 = arith.mulf %get3A_321, %mul3A_323 : vector<16xf32>
        %swap3A_325 = arith.index_cast %add3A_211 : i32 to index
        %swap3A_326 = arith.constant 144 : index
        %swap3A_327 = tpu.vector_load %arg10[%swap3A_325, %swap3A_326] {strides = array<i32>} : memref<32x512xf32, #tpu.memory_space<vmem>>, vector<1x16xf32>,
        %swap3A_328 = vector.shape_cast %swap3A_327 : vector<1x16xf32> to vector<16xf32>
        %swap3A_329 = vector.shape_cast %mul3A_324 : vector<16xf32> to vector<1x16xf32>
        tpu.vector_store %arg10[%swap3A_325, %swap3A_326], %swap3A_329 {strides = array<i32>} : memref<32x512xf32, #tpu.memory_space<vmem>>, vector<1x16xf32>,
        %get3A_330 = arith.index_cast %add3A_211 : i32 to index
        %get3A_331 = arith.constant 160 : index
        %get3A_332 = tpu.vector_load %arg10[%get3A_330, %get3A_331] {strides = array<i32>} : memref<32x512xf32, #tpu.memory_space<vmem>>, vector<1x16xf32>,
        %get3A_333 = vector.shape_cast %get3A_332 : vector<1x16xf32> to vector<16xf32>
        %mul3A_334 = arith.constant 22.6274166 : f32
        %mul3A_335 = vector.broadcast %mul3A_334 : f32 to vector<16xf32>
        %mul3A_336 = arith.mulf %get3A_333, %mul3A_335 : vector<16xf32>
        %swap3A_337 = arith.index_cast %add3A_211 : i32 to index
        %swap3A_338 = arith.constant 160 : index
        %swap3A_339 = tpu.vector_load %arg10[%swap3A_337, %swap3A_338] {strides = array<i32>} : memref<32x512xf32, #tpu.memory_space<vmem>>, vector<1x16xf32>,
        %swap3A_340 = vector.shape_cast %swap3A_339 : vector<1x16xf32> to vector<16xf32>
        %swap3A_341 = vector.shape_cast %mul3A_336 : vector<16xf32> to vector<1x16xf32>
        tpu.vector_store %arg10[%swap3A_337, %swap3A_338], %swap3A_341 {strides = array<i32>} : memref<32x512xf32, #tpu.memory_space<vmem>>, vector<1x16xf32>,
        %get3A_342 = arith.index_cast %add3A_211 : i32 to index
        %get3A_343 = arith.constant 176 : index
        %get3A_344 = tpu.vector_load %arg10[%get3A_342, %get3A_343] {strides = array<i32>} : memref<32x512xf32, #tpu.memory_space<vmem>>, vector<1x16xf32>,
        %get3A_345 = vector.shape_cast %get3A_344 : vector<1x16xf32> to vector<16xf32>
        %mul3A_346 = arith.constant 22.6274166 : f32
        %mul3A_347 = vector.broadcast %mul3A_346 : f32 to vector<16xf32>
        %mul3A_348 = arith.mulf %get3A_345, %mul3A_347 : vector<16xf32>
        %swap3A_349 = arith.index_cast %add3A_211 : i32 to index
        %swap3A_350 = arith.constant 176 : index
        %swap3A_351 = tpu.vector_load %arg10[%swap3A_349, %swap3A_350] {strides = array<i32>} : memref<32x512xf32, #tpu.memory_space<vmem>>, vector<1x16xf32>,
        %swap3A_352 = vector.shape_cast %swap3A_351 : vector<1x16xf32> to vector<16xf32>
        %swap3A_353 = vector.shape_cast %mul3A_348 : vector<16xf32> to vector<1x16xf32>
        tpu.vector_store %arg10[%swap3A_349, %swap3A_350], %swap3A_353 {strides = array<i32>} : memref<32x512xf32, #tpu.memory_space<vmem>>, vector<1x16xf32>,
        %get3A_354 = arith.index_cast %add3A_211 : i32 to index
        %get3A_355 = arith.constant 192 : index
        %get3A_356 = tpu.vector_load %arg10[%get3A_354, %get3A_355] {strides = array<i32>} : memref<32x512xf32, #tpu.memory_space<vmem>>, vector<1x16xf32>,
        %get3A_357 = vector.shape_cast %get3A_356 : vector<1x16xf32> to vector<16xf32>
        %mul3A_358 = arith.constant 22.6274166 : f32
        %mul3A_359 = vector.broadcast %mul3A_358 : f32 to vector<16xf32>
        %mul3A_360 = arith.mulf %get3A_357, %mul3A_359 : vector<16xf32>
        %swap3A_361 = arith.index_cast %add3A_211 : i32 to index
        %swap3A_362 = arith.constant 192 : index
        %swap3A_363 = tpu.vector_load %arg10[%swap3A_361, %swap3A_362] {strides = array<i32>} : memref<32x512xf32, #tpu.memory_space<vmem>>, vector<1x16xf32>,
        %swap3A_364 = vector.shape_cast %swap3A_363 : vector<1x16xf32> to vector<16xf32>
        %swap3A_365 = vector.shape_cast %mul3A_360 : vector<16xf32> to vector<1x16xf32>
        tpu.vector_store %arg10[%swap3A_361, %swap3A_362], %swap3A_365 {strides = array<i32>} : memref<32x512xf32, #tpu.memory_space<vmem>>, vector<1x16xf32>,
        %get3A_366 = arith.index_cast %add3A_211 : i32 to index
        %get3A_367 = arith.constant 208 : index
        %get3A_368 = tpu.vector_load %arg10[%get3A_366, %get3A_367] {strides = array<i32>} : memref<32x512xf32, #tpu.memory_space<vmem>>, vector<1x16xf32>,
        %get3A_369 = vector.shape_cast %get3A_368 : vector<1x16xf32> to vector<16xf32>
        %mul3A_370 = arith.constant 22.6274166 : f32
        %mul3A_371 = vector.broadcast %mul3A_370 : f32 to vector<16xf32>
        %mul3A_372 = arith.mulf %get3A_369, %mul3A_371 : vector<16xf32>
        %swap3A_373 = arith.index_cast %add3A_211 : i32 to index
        %swap3A_374 = arith.constant 208 : index
        %swap3A_375 = tpu.vector_load %arg10[%swap3A_373, %swap3A_374] {strides = array<i32>} : memref<32x512xf32, #tpu.memory_space<vmem>>, vector<1x16xf32>,
        %swap3A_376 = vector.shape_cast %swap3A_375 : vector<1x16xf32> to vector<16xf32>
        %swap3A_377 = vector.shape_cast %mul3A_372 : vector<16xf32> to vector<1x16xf32>
        tpu.vector_store %arg10[%swap3A_373, %swap3A_374], %swap3A_377 {strides = array<i32>} : memref<32x512xf32, #tpu.memory_space<vmem>>, vector<1x16xf32>,
        %get3A_378 = arith.index_cast %add3A_211 : i32 to index
        %get3A_379 = arith.constant 224 : index
        %get3A_380 = tpu.vector_load %arg10[%get3A_378, %get3A_379] {strides = array<i32>} : memref<32x512xf32, #tpu.memory_space<vmem>>, vector<1x16xf32>,
        %get3A_381 = vector.shape_cast %get3A_380 : vector<1x16xf32> to vector<16xf32>
        %mul3A_382 = arith.constant 22.6274166 : f32
        %mul3A_383 = vector.broadcast %mul3A_382 : f32 to vector<16xf32>
        %mul3A_384 = arith.mulf %get3A_381, %mul3A_383 : vector<16xf32>
        %swap3A_385 = arith.index_cast %add3A_211 : i32 to index
        %swap3A_386 = arith.constant 224 : index
        %swap3A_387 = tpu.vector_load %arg10[%swap3A_385, %swap3A_386] {strides = array<i32>} : memref<32x512xf32, #tpu.memory_space<vmem>>, vector<1x16xf32>,
        %swap3A_388 = vector.shape_cast %swap3A_387 : vector<1x16xf32> to vector<16xf32>
        %swap3A_389 = vector.shape_cast %mul3A_384 : vector<16xf32> to vector<1x16xf32>
        tpu.vector_store %arg10[%swap3A_385, %swap3A_386], %swap3A_389 {strides = array<i32>} : memref<32x512xf32, #tpu.memory_space<vmem>>, vector<1x16xf32>,
        %get3A_390 = arith.index_cast %add3A_211 : i32 to index
        %get3A_391 = arith.constant 240 : index
        %get3A_392 = tpu.vector_load %arg10[%get3A_390, %get3A_391] {strides = array<i32>} : memref<32x512xf32, #tpu.memory_space<vmem>>, vector<1x16xf32>,
        %get3A_393 = vector.shape_cast %get3A_392 : vector<1x16xf32> to vector<16xf32>
        %mul3A_394 = arith.constant 22.6274166 : f32
        %mul3A_395 = vector.broadcast %mul3A_394 : f32 to vector<16xf32>
        %mul3A_396 = arith.mulf %get3A_393, %mul3A_395 : vector<16xf32>
        %swap3A_397 = arith.index_cast %add3A_211 : i32 to index
        %swap3A_398 = arith.constant 240 : index
        %swap3A_399 = tpu.vector_load %arg10[%swap3A_397, %swap3A_398] {strides = array<i32>} : memref<32x512xf32, #tpu.memory_space<vmem>>, vector<1x16xf32>,
        %swap3A_400 = vector.shape_cast %swap3A_399 : vector<1x16xf32> to vector<16xf32>
        %swap3A_401 = vector.shape_cast %mul3A_396 : vector<16xf32> to vector<1x16xf32>
        tpu.vector_store %arg10[%swap3A_397, %swap3A_398], %swap3A_401 {strides = array<i32>} : memref<32x512xf32, #tpu.memory_space<vmem>>, vector<1x16xf32>,
        %get3A_402 = arith.index_cast %add3A_211 : i32 to index
        %get3A_403 = arith.constant 256 : index
        %get3A_404 = tpu.vector_load %arg10[%get3A_402, %get3A_403] {strides = array<i32>} : memref<32x512xf32, #tpu.memory_space<vmem>>, vector<1x16xf32>,
        %get3A_405 = vector.shape_cast %get3A_404 : vector<1x16xf32> to vector<16xf32>
        %mul3A_406 = arith.constant 22.6274166 : f32
        %mul3A_407 = vector.broadcast %mul3A_406 : f32 to vector<16xf32>
        %mul3A_408 = arith.mulf %get3A_405, %mul3A_407 : vector<16xf32>
        %swap3A_409 = arith.index_cast %add3A_211 : i32 to index
        %swap3A_410 = arith.constant 256 : index
        %swap3A_411 = tpu.vector_load %arg10[%swap3A_409, %swap3A_410] {strides = array<i32>} : memref<32x512xf32, #tpu.memory_space<vmem>>, vector<1x16xf32>,
        %swap3A_412 = vector.shape_cast %swap3A_411 : vector<1x16xf32> to vector<16xf32>
        %swap3A_413 = vector.shape_cast %mul3A_408 : vector<16xf32> to vector<1x16xf32>
        tpu.vector_store %arg10[%swap3A_409, %swap3A_410], %swap3A_413 {strides = array<i32>} : memref<32x512xf32, #tpu.memory_space<vmem>>, vector<1x16xf32>,
        %get3A_414 = arith.index_cast %add3A_211 : i32 to index
        %get3A_415 = arith.constant 272 : index
        %get3A_416 = tpu.vector_load %arg10[%get3A_414, %get3A_415] {strides = array<i32>} : memref<32x512xf32, #tpu.memory_space<vmem>>, vector<1x16xf32>,
        %get3A_417 = vector.shape_cast %get3A_416 : vector<1x16xf32> to vector<16xf32>
        %mul3A_418 = arith.constant 22.6274166 : f32
        %mul3A_419 = vector.broadcast %mul3A_418 : f32 to vector<16xf32>
        %mul3A_420 = arith.mulf %get3A_417, %mul3A_419 : vector<16xf32>
        %swap3A_421 = arith.index_cast %add3A_211 : i32 to index
        %swap3A_422 = arith.constant 272 : index
        %swap3A_423 = tpu.vector_load %arg10[%swap3A_421, %swap3A_422] {strides = array<i32>} : memref<32x512xf32, #tpu.memory_space<vmem>>, vector<1x16xf32>,
        %swap3A_424 = vector.shape_cast %swap3A_423 : vector<1x16xf32> to vector<16xf32>
        %swap3A_425 = vector.shape_cast %mul3A_420 : vector<16xf32> to vector<1x16xf32>
        tpu.vector_store %arg10[%swap3A_421, %swap3A_422], %swap3A_425 {strides = array<i32>} : memref<32x512xf32, #tpu.memory_space<vmem>>, vector<1x16xf32>,
        %get3A_426 = arith.index_cast %add3A_211 : i32 to index
        %get3A_427 = arith.constant 288 : index
        %get3A_428 = tpu.vector_load %arg10[%get3A_426, %get3A_427] {strides = array<i32>} : memref<32x512xf32, #tpu.memory_space<vmem>>, vector<1x16xf32>,
        %get3A_429 = vector.shape_cast %get3A_428 : vector<1x16xf32> to vector<16xf32>
        %mul3A_430 = arith.constant 22.6274166 : f32
        %mul3A_431 = vector.broadcast %mul3A_430 : f32 to vector<16xf32>
        %mul3A_432 = arith.mulf %get3A_429, %mul3A_431 : vector<16xf32>
        %swap3A_433 = arith.index_cast %add3A_211 : i32 to index
        %swap3A_434 = arith.constant 288 : index
        %swap3A_435 = tpu.vector_load %arg10[%swap3A_433, %swap3A_434] {strides = array<i32>} : memref<32x512xf32, #tpu.memory_space<vmem>>, vector<1x16xf32>,
        %swap3A_436 = vector.shape_cast %swap3A_435 : vector<1x16xf32> to vector<16xf32>
        %swap3A_437 = vector.shape_cast %mul3A_432 : vector<16xf32> to vector<1x16xf32>
        tpu.vector_store %arg10[%swap3A_433, %swap3A_434], %swap3A_437 {strides = array<i32>} : memref<32x512xf32, #tpu.memory_space<vmem>>, vector<1x16xf32>,
        %get3A_438 = arith.index_cast %add3A_211 : i32 to index
        %get3A_439 = arith.constant 304 : index
        %get3A_440 = tpu.vector_load %arg10[%get3A_438, %get3A_439] {strides = array<i32>} : memref<32x512xf32, #tpu.memory_space<vmem>>, vector<1x16xf32>,
        %get3A_441 = vector.shape_cast %get3A_440 : vector<1x16xf32> to vector<16xf32>
        %mul3A_442 = arith.constant 22.6274166 : f32
        %mul3A_443 = vector.broadcast %mul3A_442 : f32 to vector<16xf32>
        %mul3A_444 = arith.mulf %get3A_441, %mul3A_443 : vector<16xf32>
        %swap3A_445 = arith.index_cast %add3A_211 : i32 to index
        %swap3A_446 = arith.constant 304 : index
        %swap3A_447 = tpu.vector_load %arg10[%swap3A_445, %swap3A_446] {strides = array<i32>} : memref<32x512xf32, #tpu.memory_space<vmem>>, vector<1x16xf32>,
        %swap3A_448 = vector.shape_cast %swap3A_447 : vector<1x16xf32> to vector<16xf32>
        %swap3A_449 = vector.shape_cast %mul3A_444 : vector<16xf32> to vector<1x16xf32>
        tpu.vector_store %arg10[%swap3A_445, %swap3A_446], %swap3A_449 {strides = array<i32>} : memref<32x512xf32, #tpu.memory_space<vmem>>, vector<1x16xf32>,
        %get3A_450 = arith.index_cast %add3A_211 : i32 to index
        %get3A_451 = arith.constant 320 : index
        %get3A_452 = tpu.vector_load %arg10[%get3A_450, %get3A_451] {strides = array<i32>} : memref<32x512xf32, #tpu.memory_space<vmem>>, vector<1x16xf32>,
        %get3A_453 = vector.shape_cast %get3A_452 : vector<1x16xf32> to vector<16xf32>
        %mul3A_454 = arith.constant 22.6274166 : f32
        %mul3A_455 = vector.broadcast %mul3A_454 : f32 to vector<16xf32>
        %mul3A_456 = arith.mulf %get3A_453, %mul3A_455 : vector<16xf32>
        %swap3A_457 = arith.index_cast %add3A_211 : i32 to index
        %swap3A_458 = arith.constant 320 : index
        %swap3A_459 = tpu.vector_load %arg10[%swap3A_457, %swap3A_458] {strides = array<i32>} : memref<32x512xf32, #tpu.memory_space<vmem>>, vector<1x16xf32>,
        %swap3A_460 = vector.shape_cast %swap3A_459 : vector<1x16xf32> to vector<16xf32>
        %swap3A_461 = vector.shape_cast %mul3A_456 : vector<16xf32> to vector<1x16xf32>
        tpu.vector_store %arg10[%swap3A_457, %swap3A_458], %swap3A_461 {strides = array<i32>} : memref<32x512xf32, #tpu.memory_space<vmem>>, vector<1x16xf32>,
        %get3A_462 = arith.index_cast %add3A_211 : i32 to index
        %get3A_463 = arith.constant 336 : index
        %get3A_464 = tpu.vector_load %arg10[%get3A_462, %get3A_463] {strides = array<i32>} : memref<32x512xf32, #tpu.memory_space<vmem>>, vector<1x16xf32>,
        %get3A_465 = vector.shape_cast %get3A_464 : vector<1x16xf32> to vector<16xf32>
        %mul3A_466 = arith.constant 22.6274166 : f32
        %mul3A_467 = vector.broadcast %mul3A_466 : f32 to vector<16xf32>
        %mul3A_468 = arith.mulf %get3A_465, %mul3A_467 : vector<16xf32>
        %swap3A_469 = arith.index_cast %add3A_211 : i32 to index
        %swap3A_470 = arith.constant 336 : index
        %swap3A_471 = tpu.vector_load %arg10[%swap3A_469, %swap3A_470] {strides = array<i32>} : memref<32x512xf32, #tpu.memory_space<vmem>>, vector<1x16xf32>,
        %swap3A_472 = vector.shape_cast %swap3A_471 : vector<1x16xf32> to vector<16xf32>
        %swap3A_473 = vector.shape_cast %mul3A_468 : vector<16xf32> to vector<1x16xf32>
        tpu.vector_store %arg10[%swap3A_469, %swap3A_470], %swap3A_473 {strides = array<i32>} : memref<32x512xf32, #tpu.memory_space<vmem>>, vector<1x16xf32>,
        %get3A_474 = arith.index_cast %add3A_211 : i32 to index
        %get3A_475 = arith.constant 352 : index
        %get3A_476 = tpu.vector_load %arg10[%get3A_474, %get3A_475] {strides = array<i32>} : memref<32x512xf32, #tpu.memory_space<vmem>>, vector<1x16xf32>,
        %get3A_477 = vector.shape_cast %get3A_476 : vector<1x16xf32> to vector<16xf32>
        %mul3A_478 = arith.constant 22.6274166 : f32
        %mul3A_479 = vector.broadcast %mul3A_478 : f32 to vector<16xf32>
        %mul3A_480 = arith.mulf %get3A_477, %mul3A_479 : vector<16xf32>
        %swap3A_481 = arith.index_cast %add3A_211 : i32 to index
        %swap3A_482 = arith.constant 352 : index
        %swap3A_483 = tpu.vector_load %arg10[%swap3A_481, %swap3A_482] {strides = array<i32>} : memref<32x512xf32, #tpu.memory_space<vmem>>, vector<1x16xf32>,
        %swap3A_484 = vector.shape_cast %swap3A_483 : vector<1x16xf32> to vector<16xf32>
        %swap3A_485 = vector.shape_cast %mul3A_480 : vector<16xf32> to vector<1x16xf32>
        tpu.vector_store %arg10[%swap3A_481, %swap3A_482], %swap3A_485 {strides = array<i32>} : memref<32x512xf32, #tpu.memory_space<vmem>>, vector<1x16xf32>,
        %get3A_486 = arith.index_cast %add3A_211 : i32 to index
        %get3A_487 = arith.constant 368 : index
        %get3A_488 = tpu.vector_load %arg10[%get3A_486, %get3A_487] {strides = array<i32>} : memref<32x512xf32, #tpu.memory_space<vmem>>, vector<1x16xf32>,
        %get3A_489 = vector.shape_cast %get3A_488 : vector<1x16xf32> to vector<16xf32>
        %mul3A_490 = arith.constant 22.6274166 : f32
        %mul3A_491 = vector.broadcast %mul3A_490 : f32 to vector<16xf32>
        %mul3A_492 = arith.mulf %get3A_489, %mul3A_491 : vector<16xf32>
        %swap3A_493 = arith.index_cast %add3A_211 : i32 to index
        %swap3A_494 = arith.constant 368 : index
        %swap3A_495 = tpu.vector_load %arg10[%swap3A_493, %swap3A_494] {strides = array<i32>} : memref<32x512xf32, #tpu.memory_space<vmem>>, vector<1x16xf32>,
        %swap3A_496 = vector.shape_cast %swap3A_495 : vector<1x16xf32> to vector<16xf32>
        %swap3A_497 = vector.shape_cast %mul3A_492 : vector<16xf32> to vector<1x16xf32>
        tpu.vector_store %arg10[%swap3A_493, %swap3A_494], %swap3A_497 {strides = array<i32>} : memref<32x512xf32, #tpu.memory_space<vmem>>, vector<1x16xf32>,
        %get3A_498 = arith.index_cast %add3A_211 : i32 to index
        %get3A_499 = arith.constant 384 : index
        %get3A_500 = tpu.vector_load %arg10[%get3A_498, %get3A_499] {strides = array<i32>} : memref<32x512xf32, #tpu.memory_space<vmem>>, vector<1x16xf32>,
        %get3A_501 = vector.shape_cast %get3A_500 : vector<1x16xf32> to vector<16xf32>
        %mul3A_502 = arith.constant 22.6274166 : f32
        %mul3A_503 = vector.broadcast %mul3A_502 : f32 to vector<16xf32>
        %mul3A_504 = arith.mulf %get3A_501, %mul3A_503 : vector<16xf32>
        %swap3A_505 = arith.index_cast %add3A_211 : i32 to index
        %swap3A_506 = arith.constant 384 : index
        %swap3A_507 = tpu.vector_load %arg10[%swap3A_505, %swap3A_506] {strides = array<i32>} : memref<32x512xf32, #tpu.memory_space<vmem>>, vector<1x16xf32>,
        %swap3A_508 = vector.shape_cast %swap3A_507 : vector<1x16xf32> to vector<16xf32>
        %swap3A_509 = vector.shape_cast %mul3A_504 : vector<16xf32> to vector<1x16xf32>
        tpu.vector_store %arg10[%swap3A_505, %swap3A_506], %swap3A_509 {strides = array<i32>} : memref<32x512xf32, #tpu.memory_space<vmem>>, vector<1x16xf32>,
        %get3A_510 = arith.index_cast %add3A_211 : i32 to index
        %get3A_511 = arith.constant 400 : index
        %get3A_512 = tpu.vector_load %arg10[%get3A_510, %get3A_511] {strides = array<i32>} : memref<32x512xf32, #tpu.memory_space<vmem>>, vector<1x16xf32>,
        %get3A_513 = vector.shape_cast %get3A_512 : vector<1x16xf32> to vector<16xf32>
        %mul3A_514 = arith.constant 22.6274166 : f32
        %mul3A_515 = vector.broadcast %mul3A_514 : f32 to vector<16xf32>
        %mul3A_516 = arith.mulf %get3A_513, %mul3A_515 : vector<16xf32>
        %swap3A_517 = arith.index_cast %add3A_211 : i32 to index
        %swap3A_518 = arith.constant 400 : index
        %swap3A_519 = tpu.vector_load %arg10[%swap3A_517, %swap3A_518] {strides = array<i32>} : memref<32x512xf32, #tpu.memory_space<vmem>>, vector<1x16xf32>,
        %swap3A_520 = vector.shape_cast %swap3A_519 : vector<1x16xf32> to vector<16xf32>
        %swap3A_521 = vector.shape_cast %mul3A_516 : vector<16xf32> to vector<1x16xf32>
        tpu.vector_store %arg10[%swap3A_517, %swap3A_518], %swap3A_521 {strides = array<i32>} : memref<32x512xf32, #tpu.memory_space<vmem>>, vector<1x16xf32>,
        %get3A_522 = arith.index_cast %add3A_211 : i32 to index
        %get3A_523 = arith.constant 416 : index
        %get3A_524 = tpu.vector_load %arg10[%get3A_522, %get3A_523] {strides = array<i32>} : memref<32x512xf32, #tpu.memory_space<vmem>>, vector<1x16xf32>,
        %get3A_525 = vector.shape_cast %get3A_524 : vector<1x16xf32> to vector<16xf32>
        %mul3A_526 = arith.constant 22.6274166 : f32
        %mul3A_527 = vector.broadcast %mul3A_526 : f32 to vector<16xf32>
        %mul3A_528 = arith.mulf %get3A_525, %mul3A_527 : vector<16xf32>
        %swap3A_529 = arith.index_cast %add3A_211 : i32 to index
        %swap3A_530 = arith.constant 416 : index
        %swap3A_531 = tpu.vector_load %arg10[%swap3A_529, %swap3A_530] {strides = array<i32>} : memref<32x512xf32, #tpu.memory_space<vmem>>, vector<1x16xf32>,
        %swap3A_532 = vector.shape_cast %swap3A_531 : vector<1x16xf32> to vector<16xf32>
        %swap3A_533 = vector.shape_cast %mul3A_528 : vector<16xf32> to vector<1x16xf32>
        tpu.vector_store %arg10[%swap3A_529, %swap3A_530], %swap3A_533 {strides = array<i32>} : memref<32x512xf32, #tpu.memory_space<vmem>>, vector<1x16xf32>,
        %get3A_534 = arith.index_cast %add3A_211 : i32 to index
        %get3A_535 = arith.constant 432 : index
        %get3A_536 = tpu.vector_load %arg10[%get3A_534, %get3A_535] {strides = array<i32>} : memref<32x512xf32, #tpu.memory_space<vmem>>, vector<1x16xf32>,
        %get3A_537 = vector.shape_cast %get3A_536 : vector<1x16xf32> to vector<16xf32>
        %mul3A_538 = arith.constant 22.6274166 : f32
        %mul3A_539 = vector.broadcast %mul3A_538 : f32 to vector<16xf32>
        %mul3A_540 = arith.mulf %get3A_537, %mul3A_539 : vector<16xf32>
        %swap3A_541 = arith.index_cast %add3A_211 : i32 to index
        %swap3A_542 = arith.constant 432 : index
        %swap3A_543 = tpu.vector_load %arg10[%swap3A_541, %swap3A_542] {strides = array<i32>} : memref<32x512xf32, #tpu.memory_space<vmem>>, vector<1x16xf32>,
        %swap3A_544 = vector.shape_cast %swap3A_543 : vector<1x16xf32> to vector<16xf32>
        %swap3A_545 = vector.shape_cast %mul3A_540 : vector<16xf32> to vector<1x16xf32>
        tpu.vector_store %arg10[%swap3A_541, %swap3A_542], %swap3A_545 {strides = array<i32>} : memref<32x512xf32, #tpu.memory_space<vmem>>, vector<1x16xf32>,
        %get3A_546 = arith.index_cast %add3A_211 : i32 to index
        %get3A_547 = arith.constant 448 : index
        %get3A_548 = tpu.vector_load %arg10[%get3A_546, %get3A_547] {strides = array<i32>} : memref<32x512xf32, #tpu.memory_space<vmem>>, vector<1x16xf32>,
        %get3A_549 = vector.shape_cast %get3A_548 : vector<1x16xf32> to vector<16xf32>
        %mul3A_550 = arith.constant 22.6274166 : f32
        %mul3A_551 = vector.broadcast %mul3A_550 : f32 to vector<16xf32>
        %mul3A_552 = arith.mulf %get3A_549, %mul3A_551 : vector<16xf32>
        %swap3A_553 = arith.index_cast %add3A_211 : i32 to index
        %swap3A_554 = arith.constant 448 : index
        %swap3A_555 = tpu.vector_load %arg10[%swap3A_553, %swap3A_554] {strides = array<i32>} : memref<32x512xf32, #tpu.memory_space<vmem>>, vector<1x16xf32>,
        %swap3A_556 = vector.shape_cast %swap3A_555 : vector<1x16xf32> to vector<16xf32>
        %swap3A_557 = vector.shape_cast %mul3A_552 : vector<16xf32> to vector<1x16xf32>
        tpu.vector_store %arg10[%swap3A_553, %swap3A_554], %swap3A_557 {strides = array<i32>} : memref<32x512xf32, #tpu.memory_space<vmem>>, vector<1x16xf32>,
        %get3A_558 = arith.index_cast %add3A_211 : i32 to index
        %get3A_559 = arith.constant 464 : index
        %get3A_560 = tpu.vector_load %arg10[%get3A_558, %get3A_559] {strides = array<i32>} : memref<32x512xf32, #tpu.memory_space<vmem>>, vector<1x16xf32>,
        %get3A_561 = vector.shape_cast %get3A_560 : vector<1x16xf32> to vector<16xf32>
        %mul3A_562 = arith.constant 22.6274166 : f32
        %mul3A_563 = vector.broadcast %mul3A_562 : f32 to vector<16xf32>
        %mul3A_564 = arith.mulf %get3A_561, %mul3A_563 : vector<16xf32>
        %swap3A_565 = arith.index_cast %add3A_211 : i32 to index
        %swap3A_566 = arith.constant 464 : index
        %swap3A_567 = tpu.vector_load %arg10[%swap3A_565, %swap3A_566] {strides = array<i32>} : memref<32x512xf32, #tpu.memory_space<vmem>>, vector<1x16xf32>,
        %swap3A_568 = vector.shape_cast %swap3A_567 : vector<1x16xf32> to vector<16xf32>
        %swap3A_569 = vector.shape_cast %mul3A_564 : vector<16xf32> to vector<1x16xf32>
        tpu.vector_store %arg10[%swap3A_565, %swap3A_566], %swap3A_569 {strides = array<i32>} : memref<32x512xf32, #tpu.memory_space<vmem>>, vector<1x16xf32>,
        %get3A_570 = arith.index_cast %add3A_211 : i32 to index
        %get3A_571 = arith.constant 480 : index
        %get3A_572 = tpu.vector_load %arg10[%get3A_570, %get3A_571] {strides = array<i32>} : memref<32x512xf32, #tpu.memory_space<vmem>>, vector<1x16xf32>,
        %get3A_573 = vector.shape_cast %get3A_572 : vector<1x16xf32> to vector<16xf32>
        %mul3A_574 = arith.constant 22.6274166 : f32
        %mul3A_575 = vector.broadcast %mul3A_574 : f32 to vector<16xf32>
        %mul3A_576 = arith.mulf %get3A_573, %mul3A_575 : vector<16xf32>
        %swap3A_577 = arith.index_cast %add3A_211 : i32 to index
        %swap3A_578 = arith.constant 480 : index
        %swap3A_579 = tpu.vector_load %arg10[%swap3A_577, %swap3A_578] {strides = array<i32>} : memref<32x512xf32, #tpu.memory_space<vmem>>, vector<1x16xf32>,
        %swap3A_580 = vector.shape_cast %swap3A_579 : vector<1x16xf32> to vector<16xf32>
        %swap3A_581 = vector.shape_cast %mul3A_576 : vector<16xf32> to vector<1x16xf32>
        tpu.vector_store %arg10[%swap3A_577, %swap3A_578], %swap3A_581 {strides = array<i32>} : memref<32x512xf32, #tpu.memory_space<vmem>>, vector<1x16xf32>,
        %get3A_582 = arith.index_cast %add3A_211 : i32 to index
        %get3A_583 = arith.constant 496 : index
        %get3A_584 = tpu.vector_load %arg10[%get3A_582, %get3A_583] {strides = array<i32>} : memref<32x512xf32, #tpu.memory_space<vmem>>, vector<1x16xf32>,
        %get3A_585 = vector.shape_cast %get3A_584 : vector<1x16xf32> to vector<16xf32>
        %mul3A_586 = arith.constant 22.6274166 : f32
        %mul3A_587 = vector.broadcast %mul3A_586 : f32 to vector<16xf32>
        %mul3A_588 = arith.mulf %get3A_585, %mul3A_587 : vector<16xf32>
        %swap3A_589 = arith.index_cast %add3A_211 : i32 to index
        %swap3A_590 = arith.constant 496 : index
        %swap3A_591 = tpu.vector_load %arg10[%swap3A_589, %swap3A_590] {strides = array<i32>} : memref<32x512xf32, #tpu.memory_space<vmem>>, vector<1x16xf32>,
        %swap3A_592 = vector.shape_cast %swap3A_591 : vector<1x16xf32> to vector<16xf32>
        %swap3A_593 = vector.shape_cast %mul3A_588 : vector<16xf32> to vector<1x16xf32>
        tpu.vector_store %arg10[%swap3A_589, %swap3A_590], %swap3A_593 {strides = array<i32>} : memref<32x512xf32, #tpu.memory_space<vmem>>, vector<1x16xf32>,
      }
      %scan3A_157 = arith.constant 32 : i32
      %mul3A_158 = arith.constant 32 : i32
      %mul3A_159 = arith.muli %add3A_146, %mul3A_158 : i32
      %add3A_160 = arith.addi %mul3A_2, %mul3A_159 : i32
      %dma_start3A_161 = arith.constant 0 : i32
      %dma_start3A_162 = tpu.memref_slice %arg4[%add3A_160, %dma_start3A_161] : memref<819200x512xf32, #tpu.memory_space<hbm>> -> memref<32x512xf32, #tpu.memory_space<hbm>>
      %dma_start3A_163 = arith.constant 0 : i32
      %dma_start3A_164 = tpu.memref_slice %arg4[%add3A_160, %dma_start3A_163] : memref<819200x512xf32, #tpu.memory_space<hbm>> -> memref<32x512xf32, #tpu.memory_space<hbm>>
      tpu.enqueue_dma source(%arg10 : memref<32x512xf32, #tpu.memory_space<vmem>>) target(%dma_start3A_164 : memref<32x512xf32, #tpu.memory_space<hbm>>) target_semaphore(%arg20 : memref<!tpu.dma_semaphore, #tpu.memory_space<semaphore_mem>>)
      %add3A_165 = arith.constant 0 : i32
      %add3A_166 = arith.addi %add3A_64, %add3A_165 : i32
      %add3A_167 = arith.constant 5 : i32
      %add3A_168 = arith.addi %add3A_166, %add3A_167 : i32
      %lt3A = arith.constant 800 : i32
      %lt3A_169 = arith.cmpi slt, %add3A_168, %lt3A : i32
      %convert_element_type3A = arith.extui %lt3A_169 : i1 to i32
      %cond3A = arith.constant 0 : i32
      %cond3A_170 = arith.cmpi ne, %convert_element_type3A, %cond3A : i32
      scf.if %cond3A_170 {
        %sub3A = arith.constant 5 : i32
        %sub3A_207 = arith.subi %add3A_168, %sub3A : i32
        %mul3A_208 = arith.constant 32 : i32
        %mul3A_209 = arith.muli %sub3A_207, %mul3A_208 : i32
        %add3A_210 = arith.addi %mul3A_2, %mul3A_209 : i32
        %dma_wait3A_211 = arith.constant 0 : i32
        %dma_wait3A_212 = tpu.memref_slice %arg4[%add3A_210, %dma_wait3A_211] : memref<819200x512xf32, #tpu.memory_space<hbm>> -> memref<32x512xf32, #tpu.memory_space<hbm>>
        %dma_wait3A_213 = arith.constant 0 : i32
        %dma_wait3A_214 = tpu.memref_slice %arg4[%add3A_210, %dma_wait3A_213] : memref<819200x512xf32, #tpu.memory_space<hbm>> -> memref<32x512xf32, #tpu.memory_space<hbm>>
        tpu.wait_dma2 semaphore(%arg16 : memref<!tpu.dma_semaphore, #tpu.memory_space<semaphore_mem>>) src(%arg6 : memref<32x512xf32, #tpu.memory_space<vmem>>) dst(%dma_wait3A_214 : memref<32x512xf32, #tpu.memory_space<hbm>>)
        %mul3A_215 = arith.constant 32 : i32
        %mul3A_216 = arith.muli %add3A_168, %mul3A_215 : i32
        %dma_start3A_217 = tpu.memref_slice %arg5[%mul3A_216] : memref<25600xi32, #tpu.memory_space<vmem>> -> memref<32xi32, #tpu.memory_space<vmem>>
        %dma_start3A_218 = arith.constant 0 : i32
        %dma_start3A_219 = arith.constant 0 : i32
        %dma_start3A_220 = tpu.memref_slice %arg2[%dma_start3A_218, %dma_start3A_219] : memref<100000x512xf32, #tpu.memory_space<hbm>> -> memref<100000x512xf32, #tpu.memory_space<hbm>>
        tpu.enqueue_indirect_dma source(%dma_start3A_220 : memref<100000x512xf32, #tpu.memory_space<hbm>>) target(%arg6 : memref<32x512xf32, #tpu.memory_space<vmem>>) offsets(%dma_start3A_217 : memref<32xi32, #tpu.memory_space<vmem>>) semaphore(%arg11 : memref<!tpu.dma_semaphore, #tpu.memory_space<semaphore_mem>>)
      } else {
      }
      %add3A_171 = arith.constant 1 : i32
      %add3A_172 = arith.addi %add3A_64, %add3A_171 : i32
      %add3A_173 = arith.constant 5 : i32
      %add3A_174 = arith.addi %add3A_172, %add3A_173 : i32
      %lt3A_175 = arith.constant 800 : i32
      %lt3A_176 = arith.cmpi slt, %add3A_174, %lt3A_175 : i32
      %convert_element_type3A_177 = arith.extui %lt3A_176 : i1 to i32
      %cond3A_178 = arith.constant 0 : i32
      %cond3A_179 = arith.cmpi ne, %convert_element_type3A_177, %cond3A_178 : i32
      scf.if %cond3A_179 {
        %sub3A = arith.constant 5 : i32
        %sub3A_207 = arith.subi %add3A_174, %sub3A : i32
        %mul3A_208 = arith.constant 32 : i32
        %mul3A_209 = arith.muli %sub3A_207, %mul3A_208 : i32
        %add3A_210 = arith.addi %mul3A_2, %mul3A_209 : i32
        %dma_wait3A_211 = arith.constant 0 : i32
        %dma_wait3A_212 = tpu.memref_slice %arg4[%add3A_210, %dma_wait3A_211] : memref<819200x512xf32, #tpu.memory_space<hbm>> -> memref<32x512xf32, #tpu.memory_space<hbm>>
        %dma_wait3A_213 = arith.constant 0 : i32
        %dma_wait3A_214 = tpu.memref_slice %arg4[%add3A_210, %dma_wait3A_213] : memref<819200x512xf32, #tpu.memory_space<hbm>> -> memref<32x512xf32, #tpu.memory_space<hbm>>
        tpu.wait_dma2 semaphore(%arg17 : memref<!tpu.dma_semaphore, #tpu.memory_space<semaphore_mem>>) src(%arg7 : memref<32x512xf32, #tpu.memory_space<vmem>>) dst(%dma_wait3A_214 : memref<32x512xf32, #tpu.memory_space<hbm>>)
        %mul3A_215 = arith.constant 32 : i32
        %mul3A_216 = arith.muli %add3A_174, %mul3A_215 : i32
        %dma_start3A_217 = tpu.memref_slice %arg5[%mul3A_216] : memref<25600xi32, #tpu.memory_space<vmem>> -> memref<32xi32, #tpu.memory_space<vmem>>
        %dma_start3A_218 = arith.constant 0 : i32
        %dma_start3A_219 = arith.constant 0 : i32
        %dma_start3A_220 = tpu.memref_slice %arg2[%dma_start3A_218, %dma_start3A_219] : memref<100000x512xf32, #tpu.memory_space<hbm>> -> memref<100000x512xf32, #tpu.memory_space<hbm>>
        tpu.enqueue_indirect_dma source(%dma_start3A_220 : memref<100000x512xf32, #tpu.memory_space<hbm>>) target(%arg7 : memref<32x512xf32, #tpu.memory_space<vmem>>) offsets(%dma_start3A_217 : memref<32xi32, #tpu.memory_space<vmem>>) semaphore(%arg12 : memref<!tpu.dma_semaphore, #tpu.memory_space<semaphore_mem>>)
      } else {
      }
      %add3A_180 = arith.constant 2 : i32
      %add3A_181 = arith.addi %add3A_64, %add3A_180 : i32
      %add3A_182 = arith.constant 5 : i32
      %add3A_183 = arith.addi %add3A_181, %add3A_182 : i32
      %lt3A_184 = arith.constant 800 : i32
      %lt3A_185 = arith.cmpi slt, %add3A_183, %lt3A_184 : i32
      %convert_element_type3A_186 = arith.extui %lt3A_185 : i1 to i32
      %cond3A_187 = arith.constant 0 : i32
      %cond3A_188 = arith.cmpi ne, %convert_element_type3A_186, %cond3A_187 : i32
      scf.if %cond3A_188 {
        %sub3A = arith.constant 5 : i32
        %sub3A_207 = arith.subi %add3A_183, %sub3A : i32
        %mul3A_208 = arith.constant 32 : i32
        %mul3A_209 = arith.muli %sub3A_207, %mul3A_208 : i32
        %add3A_210 = arith.addi %mul3A_2, %mul3A_209 : i32
        %dma_wait3A_211 = arith.constant 0 : i32
        %dma_wait3A_212 = tpu.memref_slice %arg4[%add3A_210, %dma_wait3A_211] : memref<819200x512xf32, #tpu.memory_space<hbm>> -> memref<32x512xf32, #tpu.memory_space<hbm>>
        %dma_wait3A_213 = arith.constant 0 : i32
        %dma_wait3A_214 = tpu.memref_slice %arg4[%add3A_210, %dma_wait3A_213] : memref<819200x512xf32, #tpu.memory_space<hbm>> -> memref<32x512xf32, #tpu.memory_space<hbm>>
        tpu.wait_dma2 semaphore(%arg18 : memref<!tpu.dma_semaphore, #tpu.memory_space<semaphore_mem>>) src(%arg8 : memref<32x512xf32, #tpu.memory_space<vmem>>) dst(%dma_wait3A_214 : memref<32x512xf32, #tpu.memory_space<hbm>>)
        %mul3A_215 = arith.constant 32 : i32
        %mul3A_216 = arith.muli %add3A_183, %mul3A_215 : i32
        %dma_start3A_217 = tpu.memref_slice %arg5[%mul3A_216] : memref<25600xi32, #tpu.memory_space<vmem>> -> memref<32xi32, #tpu.memory_space<vmem>>
        %dma_start3A_218 = arith.constant 0 : i32
        %dma_start3A_219 = arith.constant 0 : i32
        %dma_start3A_220 = tpu.memref_slice %arg2[%dma_start3A_218, %dma_start3A_219] : memref<100000x512xf32, #tpu.memory_space<hbm>> -> memref<100000x512xf32, #tpu.memory_space<hbm>>
        tpu.enqueue_indirect_dma source(%dma_start3A_220 : memref<100000x512xf32, #tpu.memory_space<hbm>>) target(%arg8 : memref<32x512xf32, #tpu.memory_space<vmem>>) offsets(%dma_start3A_217 : memref<32xi32, #tpu.memory_space<vmem>>) semaphore(%arg13 : memref<!tpu.dma_semaphore, #tpu.memory_space<semaphore_mem>>)
      } else {
      }
      %add3A_189 = arith.constant 3 : i32
      %add3A_190 = arith.addi %add3A_64, %add3A_189 : i32
      %add3A_191 = arith.constant 5 : i32
      %add3A_192 = arith.addi %add3A_190, %add3A_191 : i32
      %lt3A_193 = arith.constant 800 : i32
      %lt3A_194 = arith.cmpi slt, %add3A_192, %lt3A_193 : i32
      %convert_element_type3A_195 = arith.extui %lt3A_194 : i1 to i32
      %cond3A_196 = arith.constant 0 : i32
      %cond3A_197 = arith.cmpi ne, %convert_element_type3A_195, %cond3A_196 : i32
      scf.if %cond3A_197 {
        %sub3A = arith.constant 5 : i32
        %sub3A_207 = arith.subi %add3A_192, %sub3A : i32
        %mul3A_208 = arith.constant 32 : i32
        %mul3A_209 = arith.muli %sub3A_207, %mul3A_208 : i32
        %add3A_210 = arith.addi %mul3A_2, %mul3A_209 : i32
        %dma_wait3A_211 = arith.constant 0 : i32
        %dma_wait3A_212 = tpu.memref_slice %arg4[%add3A_210, %dma_wait3A_211] : memref<819200x512xf32, #tpu.memory_space<hbm>> -> memref<32x512xf32, #tpu.memory_space<hbm>>
        %dma_wait3A_213 = arith.constant 0 : i32
        %dma_wait3A_214 = tpu.memref_slice %arg4[%add3A_210, %dma_wait3A_213] : memref<819200x512xf32, #tpu.memory_space<hbm>> -> memref<32x512xf32, #tpu.memory_space<hbm>>
        tpu.wait_dma2 semaphore(%arg19 : memref<!tpu.dma_semaphore, #tpu.memory_space<semaphore_mem>>) src(%arg9 : memref<32x512xf32, #tpu.memory_space<vmem>>) dst(%dma_wait3A_214 : memref<32x512xf32, #tpu.memory_space<hbm>>)
        %mul3A_215 = arith.constant 32 : i32
        %mul3A_216 = arith.muli %add3A_192, %mul3A_215 : i32
        %dma_start3A_217 = tpu.memref_slice %arg5[%mul3A_216] : memref<25600xi32, #tpu.memory_space<vmem>> -> memref<32xi32, #tpu.memory_space<vmem>>
        %dma_start3A_218 = arith.constant 0 : i32
        %dma_start3A_219 = arith.constant 0 : i32
        %dma_start3A_220 = tpu.memref_slice %arg2[%dma_start3A_218, %dma_start3A_219] : memref<100000x512xf32, #tpu.memory_space<hbm>> -> memref<100000x512xf32, #tpu.memory_space<hbm>>
        tpu.enqueue_indirect_dma source(%dma_start3A_220 : memref<100000x512xf32, #tpu.memory_space<hbm>>) target(%arg9 : memref<32x512xf32, #tpu.memory_space<vmem>>) offsets(%dma_start3A_217 : memref<32xi32, #tpu.memory_space<vmem>>) semaphore(%arg14 : memref<!tpu.dma_semaphore, #tpu.memory_space<semaphore_mem>>)
      } else {
      }
      %add3A_198 = arith.constant 4 : i32
      %add3A_199 = arith.addi %add3A_64, %add3A_198 : i32
      %add3A_200 = arith.constant 5 : i32
      %add3A_201 = arith.addi %add3A_199, %add3A_200 : i32
      %lt3A_202 = arith.constant 800 : i32
      %lt3A_203 = arith.cmpi slt, %add3A_201, %lt3A_202 : i32
      %convert_element_type3A_204 = arith.extui %lt3A_203 : i1 to i32
      %cond3A_205 = arith.constant 0 : i32
      %cond3A_206 = arith.cmpi ne, %convert_element_type3A_204, %cond3A_205 : i32
      scf.if %cond3A_206 {
        %sub3A = arith.constant 5 : i32
        %sub3A_207 = arith.subi %add3A_201, %sub3A : i32
        %mul3A_208 = arith.constant 32 : i32
        %mul3A_209 = arith.muli %sub3A_207, %mul3A_208 : i32
        %add3A_210 = arith.addi %mul3A_2, %mul3A_209 : i32
        %dma_wait3A_211 = arith.constant 0 : i32
        %dma_wait3A_212 = tpu.memref_slice %arg4[%add3A_210, %dma_wait3A_211] : memref<819200x512xf32, #tpu.memory_space<hbm>> -> memref<32x512xf32, #tpu.memory_space<hbm>>
        %dma_wait3A_213 = arith.constant 0 : i32
        %dma_wait3A_214 = tpu.memref_slice %arg4[%add3A_210, %dma_wait3A_213] : memref<819200x512xf32, #tpu.memory_space<hbm>> -> memref<32x512xf32, #tpu.memory_space<hbm>>
        tpu.wait_dma2 semaphore(%arg20 : memref<!tpu.dma_semaphore, #tpu.memory_space<semaphore_mem>>) src(%arg10 : memref<32x512xf32, #tpu.memory_space<vmem>>) dst(%dma_wait3A_214 : memref<32x512xf32, #tpu.memory_space<hbm>>)
        %mul3A_215 = arith.constant 32 : i32
        %mul3A_216 = arith.muli %add3A_201, %mul3A_215 : i32
        %dma_start3A_217 = tpu.memref_slice %arg5[%mul3A_216] : memref<25600xi32, #tpu.memory_space<vmem>> -> memref<32xi32, #tpu.memory_space<vmem>>
        %dma_start3A_218 = arith.constant 0 : i32
        %dma_start3A_219 = arith.constant 0 : i32
        %dma_start3A_220 = tpu.memref_slice %arg2[%dma_start3A_218, %dma_start3A_219] : memref<100000x512xf32, #tpu.memory_space<hbm>> -> memref<100000x512xf32, #tpu.memory_space<hbm>>
        tpu.enqueue_indirect_dma source(%dma_start3A_220 : memref<100000x512xf32, #tpu.memory_space<hbm>>) target(%arg10 : memref<32x512xf32, #tpu.memory_space<vmem>>) offsets(%dma_start3A_217 : memref<32xi32, #tpu.memory_space<vmem>>) semaphore(%arg15 : memref<!tpu.dma_semaphore, #tpu.memory_space<semaphore_mem>>)
      } else {
      }
    }
    %scan3A_30 = arith.constant 160 : i32
    %add3A_31 = arith.constant 25440 : i32
    %add3A_32 = arith.addi %mul3A_2, %add3A_31 : i32
    %dma_wait3A = arith.constant 0 : i32
    %dma_wait3A_33 = tpu.memref_slice %arg4[%add3A_32, %dma_wait3A] : memref<819200x512xf32, #tpu.memory_space<hbm>> -> memref<32x512xf32, #tpu.memory_space<hbm>>
    %dma_wait3A_34 = arith.constant 0 : i32
    %dma_wait3A_35 = tpu.memref_slice %arg4[%add3A_32, %dma_wait3A_34] : memref<819200x512xf32, #tpu.memory_space<hbm>> -> memref<32x512xf32, #tpu.memory_space<hbm>>
    tpu.wait_dma2 semaphore(%arg16 : memref<!tpu.dma_semaphore, #tpu.memory_space<semaphore_mem>>) src(%arg6 : memref<32x512xf32, #tpu.memory_space<vmem>>) dst(%dma_wait3A_35 : memref<32x512xf32, #tpu.memory_space<hbm>>)
    %add3A_36 = arith.constant 25472 : i32
    %add3A_37 = arith.addi %mul3A_2, %add3A_36 : i32
    %dma_wait3A_38 = arith.constant 0 : i32
    %dma_wait3A_39 = tpu.memref_slice %arg4[%add3A_37, %dma_wait3A_38] : memref<819200x512xf32, #tpu.memory_space<hbm>> -> memref<32x512xf32, #tpu.memory_space<hbm>>
    %dma_wait3A_40 = arith.constant 0 : i32
    %dma_wait3A_41 = tpu.memref_slice %arg4[%add3A_37, %dma_wait3A_40] : memref<819200x512xf32, #tpu.memory_space<hbm>> -> memref<32x512xf32, #tpu.memory_space<hbm>>
    tpu.wait_dma2 semaphore(%arg17 : memref<!tpu.dma_semaphore, #tpu.memory_space<semaphore_mem>>) src(%arg7 : memref<32x512xf32, #tpu.memory_space<vmem>>) dst(%dma_wait3A_41 : memref<32x512xf32, #tpu.memory_space<hbm>>)
    %add3A_42 = arith.constant 25504 : i32
    %add3A_43 = arith.addi %mul3A_2, %add3A_42 : i32
    %dma_wait3A_44 = arith.constant 0 : i32
    %dma_wait3A_45 = tpu.memref_slice %arg4[%add3A_43, %dma_wait3A_44] : memref<819200x512xf32, #tpu.memory_space<hbm>> -> memref<32x512xf32, #tpu.memory_space<hbm>>
    %dma_wait3A_46 = arith.constant 0 : i32
    %dma_wait3A_47 = tpu.memref_slice %arg4[%add3A_43, %dma_wait3A_46] : memref<819200x512xf32, #tpu.memory_space<hbm>> -> memref<32x512xf32, #tpu.memory_space<hbm>>
    tpu.wait_dma2 semaphore(%arg18 : memref<!tpu.dma_semaphore, #tpu.memory_space<semaphore_mem>>) src(%arg8 : memref<32x512xf32, #tpu.memory_space<vmem>>) dst(%dma_wait3A_47 : memref<32x512xf32, #tpu.memory_space<hbm>>)
    %add3A_48 = arith.constant 25536 : i32
    %add3A_49 = arith.addi %mul3A_2, %add3A_48 : i32
    %dma_wait3A_50 = arith.constant 0 : i32
    %dma_wait3A_51 = tpu.memref_slice %arg4[%add3A_49, %dma_wait3A_50] : memref<819200x512xf32, #tpu.memory_space<hbm>> -> memref<32x512xf32, #tpu.memory_space<hbm>>
    %dma_wait3A_52 = arith.constant 0 : i32
    %dma_wait3A_53 = tpu.memref_slice %arg4[%add3A_49, %dma_wait3A_52] : memref<819200x512xf32, #tpu.memory_space<hbm>> -> memref<32x512xf32, #tpu.memory_space<hbm>>
    tpu.wait_dma2 semaphore(%arg19 : memref<!tpu.dma_semaphore, #tpu.memory_space<semaphore_mem>>) src(%arg9 : memref<32x512xf32, #tpu.memory_space<vmem>>) dst(%dma_wait3A_53 : memref<32x512xf32, #tpu.memory_space<hbm>>)
    %add3A_54 = arith.constant 25568 : i32
    %add3A_55 = arith.addi %mul3A_2, %add3A_54 : i32
    %dma_wait3A_56 = arith.constant 0 : i32
    %dma_wait3A_57 = tpu.memref_slice %arg4[%add3A_55, %dma_wait3A_56] : memref<819200x512xf32, #tpu.memory_space<hbm>> -> memref<32x512xf32, #tpu.memory_space<hbm>>
    %dma_wait3A_58 = arith.constant 0 : i32
    %dma_wait3A_59 = tpu.memref_slice %arg4[%add3A_55, %dma_wait3A_58] : memref<819200x512xf32, #tpu.memory_space<hbm>> -> memref<32x512xf32, #tpu.memory_space<hbm>>
    tpu.wait_dma2 semaphore(%arg20 : memref<!tpu.dma_semaphore, #tpu.memory_space<semaphore_mem>>) src(%arg10 : memref<32x512xf32, #tpu.memory_space<vmem>>) dst(%dma_wait3A_59 : memref<32x512xf32, #tpu.memory_space<hbm>>)
    return
  }
}

</mosaic_0001>

<sc_bundles>
// kernel: kernel.3.cloned.1.call-start
scs
__scs_entry_jumppad:
0x0: {  	(pc) =	sbr.rel $0x88, $3  }
0x1: {  	(tag) =	ssettag $0x0;
	lr =	simm.s32 $0x1  }
0x2: {  	[smem:$0x3F9F] =	sst lr;
	_ =	strace $0xD0000000  }
0x3: {  	_ = 	snop  }
0x4: {  	_ = 	snop  }
0x5: {  	_ = 	snop  }
0x6: {  	_ = 	snop  }
0x7: {  	_ = 	snop  }
__scs_overlays_trampoline_lowered:
0x8: {  	[smem:$0x3FAE] =	sst s0  }
0x9: {  	[smem:$0x3FAF] =	sst s1  }
0xa: {  	[smem:$0x3FB0] =	sst s2  }
0xb: {  	[smem:$0x3FB1] =	sst s3  }
0xc: {  	[smem:$0x3FB2] =	sst s4  }
0xd: {  	[smem:$0x3FB3] =	sst s5  }
0xe: {  	[smem:$0x3FB4] =	sst s6  }
0xf: {  	[smem:$0x3FB5] =	sst s7  }
0x10: {  	[smem:$0x3FB6] =	sst s8  }
0x11: {  	[smem:$0x3FB7] =	sst s9;
	s0 =	simm.s32 @!p0 $0x0  }
0x12: {  	s1 =	sld [smem:$0x3F9D];
	s0 =	simm.s32 @p0 $0x1  }
0x13: {  	[smem:$0x3FB8] =	sst s0;
	s0 =	simm.s32 @!p1 $0x0  }
0x14: {  	s2 =	sld [smem:$0x3F9C];
	s0 =	simm.s32 @p1 $0x1  }
0x15: {  	[smem:$0x3FB9] =	sst s0;
	s0 =	simm.s32 @!p2 $0x0  }
0x16: {  	s3 =	sld [smem:$0x3FDB];
	s0 =	simm.s32 @p2 $0x1  }
0x17: {  	s4 =	simm.s32 $0x1BF5;
	[smem:$0x3FBB] =	sst s0  }
0x18: {  	s0 =	sld [smem:$0x3F9E];
	_ =	swait.ge [sflag:s4], $0x0  }
0x19: {  	s7 =	sld [smem:$0x3F9F]  }
0x1a: {  	s8 =	sadd.s32 $0xFFFFE003, lr  }
0x1b: {  	s9 =	sadd.s32 $0xFFFFFEF7, lr;
	s5 =	simm.s32 $0xFFFFFFFF;
	p2 =	slt.u32 s8, $0xFFFFF086  }
0x1c: {  	p1 =	slt.u32 s9, $0xF7A;
	s5 =	simm.s32 @!p2 $0x0  }
0x1d: {  	s5 =	simm.s32 @p1 $0x1;
	p0 =	seq.s32 s7, s2  }
0x1e: {  	s7 =	smul.u32 @!p0 $0xF7A, s2;
	p2 =	seq.s32 @!p0 s5, $0x0  }
0x1f: {  	s9 =	smul.u32 $0xF7A, s1;
	s8 =	simm.s32 @!p0 $0x1BF5;
	p2 =	por !p2, p0  }
0x20: {  	[sflag:s8] =	ssyncset.s32 @!p0 $0xFFFFF086;
	s6 =	sadd.s32 @!p0 s3, s7;
	s7 =	simm.s32 @!p0 $0x108  }
0x21: {  	s3 =	sadd.s32 s3, s9;
	s6 =	sadd.s32 @!p0 $0x88, s6;
	s7 =	simm.s32 @p2 $0x1082  }
0x22: {  	[simem:s7], [sflag:s8] =	dma.local @!p0 [hbm:s6], $0xF7A  }
0x23: {  	s9 =	sor.u32 $0xD0000000, s2;
	s6 =	simm.s32 $0x108;
	_ =	swait.ge @!p0 [sflag:s8], $0x0  }
0x24: {  	s3 =	sadd.s32 $0x88, s3;
	s6 =	simm.s32 @!p1 $0x1082;
	[sflag:s4] =	ssyncset.s32 $0xFFFFF086  }
0x25: {  	[simem:s6], [sflag:s4] =	dma.local [hbm:s3], $0xF7A  }
0x26: {  	[smem:$0x3F9F] =	sst s1;
	(tag) =	ssettag s2;
	_ =	strace s9  }
0x27: {  	s1 =	sld [smem:$0x3FAF]  }
0x28: {  	s2 =	sld [smem:$0x3FB0]  }
0x29: {  	s4 =	sld [smem:$0x3FB2]  }
0x2a: {  	p0 =	seq.s32 s5, $0x0;
	s5 =	sld [smem:$0x3FB3]  }
0x2b: {  	s6 =	sld [smem:$0x3FB4]  }
0x2c: {  	s7 =	sld [smem:$0x3FB5]  }
0x2d: {  	s3 =	simm.s32 $0x108;
	s8 =	sld [smem:$0x3FB6]  }
0x2e: {  	s3 =	simm.s32 @!p0 $0x1082;
	s9 =	sld [smem:$0x3FB7]  }
0x2f: {  	lr =	sadd.s32 s0, s3;
	s0 =	sld [smem:$0x3FAE]  }
0x30: {  	s3 =	sld [smem:$0x3FB1]  }
0x31: {  	[smem:$0x3FBA] =	sst s10  }
0x32: {  	s10 =	sld [smem:$0x3FB8];
	_ =	sdelay $0x3  }
0x33: {  	p0 =	seq.s32 s10, $0x1;
	s10 =	sld [smem:$0x3FBA];
	_ =	sdelay $0x3  }
0x34: {  	[smem:$0x3FBA] =	sst s10  }
0x35: {  	s10 =	sld [smem:$0x3FB9];
	_ =	sdelay $0x3  }
0x36: {  	p1 =	seq.s32 s10, $0x1;
	s10 =	sld [smem:$0x3FBA];
	_ =	sdelay $0x3  }
0x37: {  	[smem:$0x3FBA] =	sst s10  }
0x38: {  	s10 =	sld [smem:$0x3FBB]  }
0x39: {  	_ = 	snop;
	(pc) =	sbr.ind lr, $3  }
0x3a: {  	_ = 	snop  }
0x3b: {  	_ = 	snop  }
0x3c: {  	p2 =	seq.s32 s10, $0x1;
	s10 =	sld [smem:$0x3FBA]  }
0x3d: {  	_ =	shalt  }
0x3e: {  	_ =	shalt  }
0x3f: {  	_ =	shalt  }
0x40: {  	_ =	shalt  }
0x41: {  	_ =	shalt  }
0x42: {  	_ =	shalt  }
0x43: {  	_ =	shalt  }
0x44: {  	_ =	shalt  }
0x45: {  	_ =	shalt  }
0x46: {  	_ =	shalt  }
0x47: {  	_ =	shalt  }
0x48: {  	_ =	shalt  }
0x49: {  	_ =	shalt  }
0x4a: {  	_ =	shalt  }
0x4b: {  	_ =	shalt  }
0x4c: {  	_ =	shalt  }
0x4d: {  	_ =	shalt  }
0x4e: {  	_ =	shalt  }
0x4f: {  	_ =	shalt  }
0x50: {  	_ =	shalt  }
0x51: {  	_ =	shalt  }
0x52: {  	_ =	shalt  }
0x53: {  	_ =	shalt  }
0x54: {  	_ =	shalt  }
0x55: {  	_ =	shalt  }
0x56: {  	_ =	shalt  }
0x57: {  	_ =	shalt  }
0x58: {  	_ =	shalt  }
0x59: {  	_ =	shalt  }
0x5a: {  	_ =	shalt  }
0x5b: {  	_ =	shalt  }
0x5c: {  	_ =	shalt  }
0x5d: {  	_ =	shalt  }
0x5e: {  	_ =	shalt  }
0x5f: {  	_ =	shalt  }
0x60: {  	_ =	shalt  }
0x61: {  	_ =	shalt  }
0x62: {  	_ =	shalt  }
0x63: {  	_ =	shalt  }
0x64: {  	_ =	shalt  }
0x65: {  	_ =	shalt  }
0x66: {  	_ =	shalt  }
0x67: {  	_ =	shalt  }
0x68: {  	_ =	shalt  }
0x69: {  	_ =	shalt  }
0x6a: {  	_ =	shalt  }
0x6b: {  	_ =	shalt  }
0x6c: {  	_ =	shalt  }
0x6d: {  	_ =	shalt  }
0x6e: {  	_ =	shalt  }
0x6f: {  	_ =	shalt  }
0x70: {  	_ =	shalt  }
0x71: {  	_ =	shalt  }
0x72: {  	_ =	shalt  }
0x73: {  	_ =	shalt  }
0x74: {  	_ =	shalt  }
0x75: {  	_ =	shalt  }
0x76: {  	_ =	shalt  }
0x77: {  	_ =	shalt  }
0x78: {  	_ =	shalt  }
0x79: {  	_ =	shalt  }
0x7a: {  	_ =	shalt  }
0x7b: {  	_ =	shalt  }
0x7c: {  	_ =	shalt  }
0x7d: {  	_ =	shalt  }
0x7e: {  	_ =	shalt  }
0x7f: {  	_ =	shalt  }
0x80: {  	_ =	shalt  }
0x81: {  	_ =	shalt  }
0x82: {  	_ =	shalt  }
0x83: {  	_ =	shalt  }
0x84: {  	_ =	shalt  }
0x85: {  	_ =	shalt  }
0x86: {  	_ =	shalt  }
0x87: {  	_ =	shalt  }
.Lfunc_end0:
.L_simem_size_0:
called_computation_lowered:
.L_overlay_start_0:
0x88: {  	s2 =	sld [smem:$0x3FD9]  }
0x89: {  	s3 =	sld [smem:$0x3FFE];
	_ =	sdelay $0x1  }
0x8a: {  	s1 =	srdreg.scid  }
0x8b: {  	s0 =	sand.u32 $0x1, s1  }
0x8c: {  	s17 =	sshll.u32 s0, $0xA;
	s2 =	sadd.s32 s3, s2  }
0x8d: {  	s2 =	sadd.s32 s2, s17  }
0x8e: {  	[smem:$0x3FC6] =	sst s2  }
0x8f: {  	_ = 	snop  }
0x90: {  	s2 =	sld [smem:$0x3FC8]  }
0x91: {  	s18 =	sld [smem:$0x3FD0];
	(tm) =	ssettm $0x1  }
0x92: {  	s4 =	sld [smem:$0x3FFB];
	_ =	sdelay $0x3  }
0x93: {  	_ =	strace s4  }
0x94: {  	s4 =	sld [smem:$0x3FFC];
	_ =	sdelay $0x3  }
0x95: {  	_ =	strace s4  }
0x96: {  	s4 =	sld [smem:$0x3FFD];
	_ =	sdelay $0x3  }
0x97: {  	_ =	strace s4  }
0x98: {  	_ =	strace $0x8FFFFFFF  }
0x99: {  	s19 =	sld [smem:$0x3FDB];
	_ =	sdelay $0x1  }
0x9a: {  	s5 =	simm.s32 $_scs_section_size  }
0x9b: {  	s6 =	simm.s32 $_size__tile_overlayer_lowered;
	s7 =	simm.s32 $_tile_overlayer_lowered  }
0x9c: {  	s22 =	simm.s32 $0x1BFF;
	s21 =	sshll.u32 s7, $0x1;
	s4 =	sadd.s32 s5, s19  }
0x9d: {  	s8 =	simm.s32 $0x0;
	s20 =	sshll.u32 s6, $0x1;
	s6 =	sadd.s32 s21, s4  }
0x9e: {  	[timem:s8], [sflag:s22] =	dma.local [hbm:s6], s20  }
0x9f: {  	_ =	swait.ge [sflag:s22], s20  }
0xa0: {  	s5 =	ssub.s32 $0x0, s20;
	[sflag:s22] =	ssyncset.done $0x0  }
0xa1: {  	[sflag:s22] =	ssyncadd.s32 s5;
	_ =	sdelay $0x1  }
0xa2: {  	s23 =	simm.s32 $0x1B8B  }
0xa3: {  	_ =	swait.ge [sflag:s23], $0x1  }
0xa4: {  	[sflag:s23] =	ssyncset.done $0x0  }
0xa5: {  	s25 =	simm.s32 $0x1B8E;
	s24 =	sld [smem:$0x3FFE];
	[sflag:s23] =	ssyncadd.s32 $0xFFFFFFFF  }
0xa6: {  	s26 =	simm.s32 $execute0_lowered;
	[smem:$0x3FD2] =	sst s25  }
0xa7: {  	s6 =	sshll.u32 s26, $0x1;
	_ =	strace $0x80000046;
	[dreg:$0x1] =	wrdreg $0xFFFFFFFF  }
0xa8: {  	s28 =	simm.s32 $_size_execute0_lowered;
	s4 =	sadd.s32 s4, s6;
	[dreg:$0x0] =	wrdreg $0x0  }
0xa9: {  	s6 =	sshll.u32 s28, $0x1;
	[dreg:$0x2] =	wrdreg s4  }
0xaa: {  	[dreg:$0x3] =	wrdreg s6  }
0xab: {  	[dreg:$0x4] =	wrdreg $0xC0  }
0xac: {  	_ =	task [dreg:s8], $0x5FFFF  }
0xad: {  	[dreg:$0x1] =	wrdreg $0xFFFFFFFF  }
0xae: {  	[dreg:$0x0] =	wrdreg $0x60  }
0xaf: {  	[dreg:$0x2] =	wrdreg s2  }
0xb0: {  	[dreg:$0x3] =	wrdreg s24  }
0xb1: {  	[dreg:$0x4] =	wrdreg s18  }
0xb2: {  	[dreg:$0x5] =	wrdreg $0x9  }
0xb3: {  	_ =	task.clear_ibuf [dreg:s8], $0x6FFFF;
	_ =	strace $0x90000046  }
0xb4: {  	s29 =	simm.s32 $0x9;
	_ =	strace $0x80000048  }
0xb5: {  	_ =	swait.ge [sflag:s29], $0x1  }
0xb6: {  	[sflag:s29] =	ssyncadd.s32 $0xFFFFFFFF  }
0xb7: {  	_ =	strace $0x90000048  }
0xb8: {  	_ =	sfence  }
0xb9: {  	s30 =	sld [smem:$0x0];
	_ =	sdelay $0x2  }
0xba: {  	s31 =	sshll.u32 s1, $0xD;
	s1 =	sshrl.u32 s1, $0x2  }
0xbb: {  	s3 =	sand.u32 $0x4000, s31;
	s1 =	sadd.s32 s1, s30  }
0xbc: {  	s0 =	sor.u32 s3, s0;
	s1 =	sshll.u32 s1, $0x11  }
0xbd: {  	s0 =	sor.u32 s1, s0  }
0xbe: {  	s0 =	sadd.s32 $0x8F2B, s0  }
0xbf: {  	[sflag:s0] =	ssyncadd.remote.s32 $0x1  }
0xc0: {  	_ =	sfence.sel $0xFFFF  }
0xc1: {  	[dreg:$0x0] =	wrdreg $0xFFFFFFFF;
	(pc) =	sbr.abs _section_cstart, $3  }
0xc2: {  	[dreg:$0x1] =	wrdreg $0xFFFFFFFF  }
0xc3: {  	_ =	task.clear_ibuf [dreg:s8], $0x2FFFF;
	_ =	strace $0x9FFFFFFF  }
0xc4: {  	(tm) =	ssettm $0x7FFFFFFF  }
0xc5: {  	_ =	shalt  }
tec
execute0_lowered:
.L_overlay_start_1:
0x0: {  	(tag) =	ssettag $0x1  }
0x1: {  	s0 =	srdreg.scid;
	s1 =	rddreg [dreg:$0x0]  }
0x2: {  	s2 =	stileid.u32;
	s6 =	rddreg [dreg:$0x1]  }
0x3: {  	s3 =	rddreg [dreg:$0x2];
	s5 =	simm.s32 $0x0;
	s14 =	simm.s32 $0x6400  }
0x4: {  	s22 =	simm.s32 $0xA400;
	s31 =	simm.s32 $0xE400;
	s17 =	simm.s32 $0x12400  }
0x5: {  	s26 =	simm.s32 $0x16400;
	s13 =	simm.s32 $0x1;
	s15 =	simm.s32 $0x2  }
0x6: {  	s16 =	simm.s32 $0x3;
	s18 =	simm.s32 $0x4;
	s19 =	simm.s32 $0x5  }
0x7: {  	s20 =	simm.s32 $0x6;
	s21 =	simm.s32 $0x7;
	s23 =	simm.s32 $0x8  }
0x8: {  	s24 =	simm.s32 $0x9;
	s0 =	sand.u32 $0x1, s0;
	s2 =	sshll.u32 s2, $0x1  }
0x9: {  	s25 =	simm.s32 $0xA;
	[smem:$0x7FF] =	sst s5;
	s2 =	sor.u32 s0, s2  }
0xa: {  	s7 =	sadd.s32 $0x100, s1;
	s0 =	ssub.s32 $0x2, s0;
	s4 =	smul.u32 $0x6400, s2  }
.Ltmp0:
0xb: {  	_ =	strace $0x80000047;
	s30 =	sshrl.u32 s0, $0x1;
	(pc) =	sbr.rel .LBB2_1-.Ltmp0, $4  }
0xc: {  	s0 =	ssub.s32 s0, s30;
	s2 =	sshrl.u32 s4, $0x3;
	s8 =	sor.u32 $0x20, s4  }
0xd: {  	v2 =	vlaneseq.u32;
	s9 =	sor.u32 $0x40, s4;
	s0 =	smax.u32 s0, $0x1;
	s2 =	sadd.s32 s2, s6  }
0xe: {  	vm0 =	vmmov $0xffff;
	v1 =	vshrl.u32 v2, $0x3;
	s10 =	sor.u32 $0x60, s4;
	[dreg:$0x5] =	wrdreg s0;
	s2 =	sadd.s32 $0x400, s2  }
0xf: {  	v0 =	vand.u32 $0x7, v2;
	v2 =	vor.u32 $0x8, v2;
	v1 =	vmul.u32 $0x8, v1;
	s11 =	sor.u32 $0x80, s4;
	[dreg:$0x4] =	wrdreg s2;
	s2 =	simm.s32 $0x0  }
.LBB2_14:
0x10: {  	_ =	swait.ge [sflag:s21], $0x4000  }
0x11: {  	[sflag:s21] =	ssyncset.done $0x0  }
0x12: {  	[sflag:s21] =	ssyncadd.s32 $0xFFFFC000  }
0x13: {  	_ =	swait.ge [sflag:s23], $0x4000  }
0x14: {  	[sflag:s23] =	ssyncset.done $0x0  }
0x15: {  	[sflag:s23] =	ssyncadd.s32 $0xFFFFC000  }
0x16: {  	_ =	swait.ge [sflag:s24], $0x4000  }
0x17: {  	[sflag:s24] =	ssyncset.done $0x0  }
0x18: {  	[sflag:s24] =	ssyncadd.s32 $0xFFFFC000  }
0x19: {  	_ =	swait.ge [sflag:s25], $0x4000  }
0x1a: {  	s2 =	rddreg [dreg:$0x6]  }
0x1b: {  	s0 =	rddreg [dreg:$0x5];
	s2 =	sadd.s32 $0x1, s2  }
0x1c: {  	p0 =	sne.s32 s2, s0  }
.Ltmp1:
0x1d: {  	_ = 	snop;
	(pc) =	sbr.rel @!p0 .LBB2_15-.Ltmp1, $3  }
0x1e: {  	_ =	sdelay $0x1  }
0x1f: {  	[sflag:s25] =	ssyncset.done $0x0  }
0x20: {  	[sflag:s25] =	ssyncadd.s32 $0xFFFFC000  }
.LBB2_1:
0x21: {  	[dreg:$0x6] =	wrdreg s2  }
0x22: {  	s0 =	rddreg [dreg:$0x4];
	s30 =	simm.s32 $0xB  }
0x23: {  	[tilespmem:s5], [sflag:$0xB] =	stream.linear.gather [hbm4b:s0+s5], $0x6400, $0x38;
	[tilespmem:$0x1A400] =	vst v63  }
0x24: {  	_ =	swait.ge [sflag:s30], $0x6400  }
0x25: {  	[sflag:s30] =	ssyncset.done $0x0  }
0x26: {  	[sflag:s30] =	ssyncadd.s32 $0xFFFF9C00  }
0x27: {  	v3 =	vld [tilespmem:$0x0];
	_ =	sdelay $0x4  }
0x28: {  	v4 =	vshll.u32 v3, $0x2  }
0x29: {  	v3 =	vand.u32 $0x7, v3;
	v4 =	vand.u32 $0xFFFFFFE0, v4  }
0x2a: {  	v3 =	vor.u32 v3, v4  }
0x2b: {  	v4 =	vperm.xlane v3, v0;
	_ =	sdelay $0x1  }
0x2c: {  	v4 =	vadd.s32 v1, v4;
	_ =	sdelay $0x1  }
0x2d: {  	v3 =	vperm.xlane v3, v2;
	_ =	sdelay $0x1  }
0x2e: {  	v3 =	vadd.s32 v1, v3  }
0x2f: {  	[tilespmem:s14], [sflag:$0x1] =	stream.indirect_vreg.gather [hbm4b:s1+s5], $0x80, v4, vm0, $0xb8;
	[tilespmem:$0x1A400] =	vst v63  }
0x30: {  	s2 =	simm.s32 $0x6C00  }
0x31: {  	[tilespmem:s2], [sflag:$0x1] =	stream.indirect_vreg.gather [hbm4b:s7+s5], $0x80, v4, vm0, $0xb8;
	[tilespmem:$0x1A400] =	vst v63  }
0x32: {  	s6 =	simm.s32 $0x7400  }
0x33: {  	[tilespmem:s6], [sflag:$0x1] =	stream.indirect_vreg.gather [hbm4b:s1+s5], $0x80, v3, vm0, $0xb8;
	[tilespmem:$0x1A400] =	vst v63  }
0x34: {  	s12 =	simm.s32 $0x7C00  }
0x35: {  	[tilespmem:s12], [sflag:$0x1] =	stream.indirect_vreg.gather [hbm4b:s7+s5], $0x80, v3, vm0, $0xb8;
	[tilespmem:$0x1A400] =	vst v63  }
0x36: {  	v3 =	vld [tilespmem:$0x10];
	_ =	sdelay $0x4  }
0x37: {  	v55 =	vshll.u32 v3, $0x2  }
0x38: {  	v3 =	vand.u32 $0x7, v3;
	v4 =	vand.u32 $0xFFFFFFE0, v55  }
0x39: {  	v3 =	vor.u32 v3, v4  }
0x3a: {  	v4 =	vperm.xlane v3, v0;
	_ =	sdelay $0x1  }
0x3b: {  	v4 =	vadd.s32 v1, v4;
	_ =	sdelay $0x1  }
0x3c: {  	v3 =	vperm.xlane v3, v2;
	_ =	sdelay $0x1  }
0x3d: {  	s29 =	simm.s32 $0x8400;
	v3 =	vadd.s32 v1, v3  }
0x3e: {  	[tilespmem:s29], [sflag:$0x1] =	stream.indirect_vreg.gather [hbm4b:s1+s5], $0x80, v4, vm0, $0xb8;
	[tilespmem:$0x1A400] =	vst v63  }
0x3f: {  	s30 =	simm.s32 $0x8C00  }
0x40: {  	[tilespmem:s30], [sflag:$0x1] =	stream.indirect_vreg.gather [hbm4b:s7+s5], $0x80, v4, vm0, $0xb8;
	[tilespmem:$0x1A400] =	vst v63  }
0x41: {  	s2 =	simm.s32 $0x9400  }
0x42: {  	[tilespmem:s2], [sflag:$0x1] =	stream.indirect_vreg.gather [hbm4b:s1+s5], $0x80, v3, vm0, $0xb8;
	[tilespmem:$0x1A400] =	vst v63  }
0x43: {  	s6 =	simm.s32 $0x9C00  }
0x44: {  	[tilespmem:s6], [sflag:$0x1] =	stream.indirect_vreg.gather [hbm4b:s7+s5], $0x80, v3, vm0, $0xb8;
	[tilespmem:$0x1A400] =	vst v63  }
0x45: {  	v3 =	vld [tilespmem:$0x20];
	_ =	sdelay $0x4  }
0x46: {  	v56 =	vshll.u32 v3, $0x2  }
0x47: {  	v3 =	vand.u32 $0x7, v3;
	v4 =	vand.u32 $0xFFFFFFE0, v56  }
0x48: {  	v3 =	vor.u32 v3, v4  }
0x49: {  	v4 =	vperm.xlane v3, v0;
	_ =	sdelay $0x1  }
0x4a: {  	v4 =	vadd.s32 v1, v4;
	_ =	sdelay $0x1  }
0x4b: {  	v3 =	vperm.xlane v3, v2;
	_ =	sdelay $0x1  }
0x4c: {  	v3 =	vadd.s32 v1, v3  }
0x4d: {  	[tilespmem:s22], [sflag:$0x2] =	stream.indirect_vreg.gather [hbm4b:s1+s5], $0x80, v4, vm0, $0xb8;
	[tilespmem:$0x1A400] =	vst v63  }
0x4e: {  	s12 =	simm.s32 $0xAC00  }
0x4f: {  	[tilespmem:s12], [sflag:$0x2] =	stream.indirect_vreg.gather [hbm4b:s7+s5], $0x80, v4, vm0, $0xb8;
	[tilespmem:$0x1A400] =	vst v63  }
0x50: {  	s29 =	simm.s32 $0xB400  }
0x51: {  	[tilespmem:s29], [sflag:$0x2] =	stream.indirect_vreg.gather [hbm4b:s1+s5], $0x80, v3, vm0, $0xb8;
	[tilespmem:$0x1A400] =	vst v63  }
0x52: {  	s30 =	simm.s32 $0xBC00  }
0x53: {  	[tilespmem:s30], [sflag:$0x2] =	stream.indirect_vreg.gather [hbm4b:s7+s5], $0x80, v3, vm0, $0xb8;
	[tilespmem:$0x1A400] =	vst v63  }
0x54: {  	v3 =	vld [tilespmem:$0x30];
	_ =	sdelay $0x4  }
0x55: {  	v57 =	vshll.u32 v3, $0x2  }
0x56: {  	v3 =	vand.u32 $0x7, v3;
	v4 =	vand.u32 $0xFFFFFFE0, v57  }
0x57: {  	v3 =	vor.u32 v3, v4  }
0x58: {  	v4 =	vperm.xlane v3, v0;
	_ =	sdelay $0x1  }
0x59: {  	v4 =	vadd.s32 v1, v4;
	_ =	sdelay $0x1  }
0x5a: {  	v3 =	vperm.xlane v3, v2;
	_ =	sdelay $0x1  }
0x5b: {  	s2 =	simm.s32 $0xC400;
	v3 =	vadd.s32 v1, v3  }
0x5c: {  	[tilespmem:s2], [sflag:$0x2] =	stream.indirect_vreg.gather [hbm4b:s1+s5], $0x80, v4, vm0, $0xb8;
	[tilespmem:$0x1A400] =	vst v63  }
0x5d: {  	s6 =	simm.s32 $0xCC00  }
0x5e: {  	[tilespmem:s6], [sflag:$0x2] =	stream.indirect_vreg.gather [hbm4b:s7+s5], $0x80, v4, vm0, $0xb8;
	[tilespmem:$0x1A400] =	vst v63  }
0x5f: {  	s12 =	simm.s32 $0xD400  }
0x60: {  	[tilespmem:s12], [sflag:$0x2] =	stream.indirect_vreg.gather [hbm4b:s1+s5], $0x80, v3, vm0, $0xb8;
	[tilespmem:$0x1A400] =	vst v63  }
0x61: {  	s29 =	simm.s32 $0xDC00  }
0x62: {  	[tilespmem:s29], [sflag:$0x2] =	stream.indirect_vreg.gather [hbm4b:s7+s5], $0x80, v3, vm0, $0xb8;
	[tilespmem:$0x1A400] =	vst v63  }
0x63: {  	v3 =	vld [tilespmem:$0x40];
	_ =	sdelay $0x4  }
0x64: {  	v58 =	vshll.u32 v3, $0x2  }
0x65: {  	v3 =	vand.u32 $0x7, v3;
	v4 =	vand.u32 $0xFFFFFFE0, v58  }
0x66: {  	v3 =	vor.u32 v3, v4  }
0x67: {  	v4 =	vperm.xlane v3, v0;
	_ =	sdelay $0x1  }
0x68: {  	v4 =	vadd.s32 v1, v4;
	_ =	sdelay $0x1  }
0x69: {  	v3 =	vperm.xlane v3, v2;
	_ =	sdelay $0x1  }
0x6a: {  	v3 =	vadd.s32 v1, v3  }
0x6b: {  	[tilespmem:s31], [sflag:$0x3] =	stream.indirect_vreg.gather [hbm4b:s1+s5], $0x80, v4, vm0, $0xb8;
	[tilespmem:$0x1A400] =	vst v63  }
0x6c: {  	s30 =	simm.s32 $0xEC00  }
0x6d: {  	[tilespmem:s30], [sflag:$0x3] =	stream.indirect_vreg.gather [hbm4b:s7+s5], $0x80, v4, vm0, $0xb8;
	[tilespmem:$0x1A400] =	vst v63  }
0x6e: {  	s2 =	simm.s32 $0xF400  }
0x6f: {  	[tilespmem:s2], [sflag:$0x3] =	stream.indirect_vreg.gather [hbm4b:s1+s5], $0x80, v3, vm0, $0xb8;
	[tilespmem:$0x1A400] =	vst v63  }
0x70: {  	s6 =	simm.s32 $0xFC00  }
0x71: {  	[tilespmem:s6], [sflag:$0x3] =	stream.indirect_vreg.gather [hbm4b:s7+s5], $0x80, v3, vm0, $0xb8;
	[tilespmem:$0x1A400] =	vst v63  }
0x72: {  	v3 =	vld [tilespmem:$0x50];
	_ =	sdelay $0x4  }
0x73: {  	v59 =	vshll.u32 v3, $0x2  }
0x74: {  	v3 =	vand.u32 $0x7, v3;
	v4 =	vand.u32 $0xFFFFFFE0, v59  }
0x75: {  	v3 =	vor.u32 v3, v4  }
0x76: {  	v4 =	vperm.xlane v3, v0;
	_ =	sdelay $0x1  }
0x77: {  	v4 =	vadd.s32 v1, v4;
	_ =	sdelay $0x1  }
0x78: {  	v3 =	vperm.xlane v3, v2;
	_ =	sdelay $0x1  }
0x79: {  	s12 =	simm.s32 $0x10400;
	v3 =	vadd.s32 v1, v3  }
0x7a: {  	[tilespmem:s12], [sflag:$0x3] =	stream.indirect_vreg.gather [hbm4b:s1+s5], $0x80, v4, vm0, $0xb8;
	[tilespmem:$0x1A400] =	vst v63  }
0x7b: {  	s29 =	simm.s32 $0x10C00  }
0x7c: {  	[tilespmem:s29], [sflag:$0x3] =	stream.indirect_vreg.gather [hbm4b:s7+s5], $0x80, v4, vm0, $0xb8;
	[tilespmem:$0x1A400] =	vst v63  }
0x7d: {  	s30 =	simm.s32 $0x11400  }
0x7e: {  	[tilespmem:s30], [sflag:$0x3] =	stream.indirect_vreg.gather [hbm4b:s1+s5], $0x80, v3, vm0, $0xb8;
	[tilespmem:$0x1A400] =	vst v63  }
0x7f: {  	s2 =	simm.s32 $0x11C00  }
0x80: {  	[tilespmem:s2], [sflag:$0x3] =	stream.indirect_vreg.gather [hbm4b:s7+s5], $0x80, v3, vm0, $0xb8;
	[tilespmem:$0x1A400] =	vst v63  }
0x81: {  	v3 =	vld [tilespmem:$0x60];
	_ =	sdelay $0x4  }
0x82: {  	v60 =	vshll.u32 v3, $0x2  }
0x83: {  	v3 =	vand.u32 $0x7, v3;
	v4 =	vand.u32 $0xFFFFFFE0, v60  }
0x84: {  	v3 =	vor.u32 v3, v4  }
0x85: {  	v4 =	vperm.xlane v3, v0;
	_ =	sdelay $0x1  }
0x86: {  	v4 =	vadd.s32 v1, v4;
	_ =	sdelay $0x1  }
0x87: {  	v3 =	vperm.xlane v3, v2;
	_ =	sdelay $0x1  }
0x88: {  	v3 =	vadd.s32 v1, v3  }
0x89: {  	[tilespmem:s17], [sflag:$0x4] =	stream.indirect_vreg.gather [hbm4b:s1+s5], $0x80, v4, vm0, $0xb8;
	[tilespmem:$0x1A400] =	vst v63  }
0x8a: {  	s6 =	simm.s32 $0x12C00  }
0x8b: {  	[tilespmem:s6], [sflag:$0x4] =	stream.indirect_vreg.gather [hbm4b:s7+s5], $0x80, v4, vm0, $0xb8;
	[tilespmem:$0x1A400] =	vst v63  }
0x8c: {  	s12 =	simm.s32 $0x13400  }
0x8d: {  	[tilespmem:s12], [sflag:$0x4] =	stream.indirect_vreg.gather [hbm4b:s1+s5], $0x80, v3, vm0, $0xb8;
	[tilespmem:$0x1A400] =	vst v63  }
0x8e: {  	s29 =	simm.s32 $0x13C00  }
0x8f: {  	[tilespmem:s29], [sflag:$0x4] =	stream.indirect_vreg.gather [hbm4b:s7+s5], $0x80, v3, vm0, $0xb8;
	[tilespmem:$0x1A400] =	vst v63  }
0x90: {  	v3 =	vld [tilespmem:$0x70];
	_ =	sdelay $0x4  }
0x91: {  	v61 =	vshll.u32 v3, $0x2  }
0x92: {  	v3 =	vand.u32 $0x7, v3;
	v4 =	vand.u32 $0xFFFFFFE0, v61  }
0x93: {  	v3 =	vor.u32 v3, v4  }
0x94: {  	v4 =	vperm.xlane v3, v0;
	_ =	sdelay $0x1  }
0x95: {  	v4 =	vadd.s32 v1, v4;
	_ =	sdelay $0x1  }
0x96: {  	v3 =	vperm.xlane v3, v2;
	_ =	sdelay $0x1  }
0x97: {  	s30 =	simm.s32 $0x14400;
	v3 =	vadd.s32 v1, v3  }
0x98: {  	[tilespmem:s30], [sflag:$0x4] =	stream.indirect_vreg.gather [hbm4b:s1+s5], $0x80, v4, vm0, $0xb8;
	[tilespmem:$0x1A400] =	vst v63  }
0x99: {  	s2 =	simm.s32 $0x14C00  }
0x9a: {  	[tilespmem:s2], [sflag:$0x4] =	stream.indirect_vreg.gather [hbm4b:s7+s5], $0x80, v4, vm0, $0xb8;
	[tilespmem:$0x1A400] =	vst v63  }
0x9b: {  	s6 =	simm.s32 $0x15400  }
0x9c: {  	[tilespmem:s6], [sflag:$0x4] =	stream.indirect_vreg.gather [hbm4b:s1+s5], $0x80, v3, vm0, $0xb8;
	[tilespmem:$0x1A400] =	vst v63  }
0x9d: {  	s12 =	simm.s32 $0x15C00  }
0x9e: {  	[tilespmem:s12], [sflag:$0x4] =	stream.indirect_vreg.gather [hbm4b:s7+s5], $0x80, v3, vm0, $0xb8;
	[tilespmem:$0x1A400] =	vst v63  }
0x9f: {  	v3 =	vld [tilespmem:$0x80];
	_ =	sdelay $0x4  }
0xa0: {  	v62 =	vshll.u32 v3, $0x2  }
0xa1: {  	v3 =	vand.u32 $0x7, v3;
	v4 =	vand.u32 $0xFFFFFFE0, v62  }
0xa2: {  	v3 =	vor.u32 v3, v4  }
0xa3: {  	v4 =	vperm.xlane v3, v0;
	_ =	sdelay $0x1  }
0xa4: {  	v4 =	vadd.s32 v1, v4;
	_ =	sdelay $0x1  }
0xa5: {  	v3 =	vperm.xlane v3, v2;
	_ =	sdelay $0x1  }
0xa6: {  	v3 =	vadd.s32 v1, v3  }
0xa7: {  	[tilespmem:s26], [sflag:$0x5] =	stream.indirect_vreg.gather [hbm4b:s1+s5], $0x80, v4, vm0, $0xb8;
	[tilespmem:$0x1A400] =	vst v63  }
0xa8: {  	s29 =	simm.s32 $0x16C00  }
0xa9: {  	[tilespmem:s29], [sflag:$0x5] =	stream.indirect_vreg.gather [hbm4b:s7+s5], $0x80, v4, vm0, $0xb8;
	[tilespmem:$0x1A400] =	vst v63  }
0xaa: {  	s30 =	simm.s32 $0x17400  }
0xab: {  	[tilespmem:s30], [sflag:$0x5] =	stream.indirect_vreg.gather [hbm4b:s1+s5], $0x80, v3, vm0, $0xb8;
	[tilespmem:$0x1A400] =	vst v63  }
0xac: {  	s2 =	simm.s32 $0x17C00  }
0xad: {  	[tilespmem:s2], [sflag:$0x5] =	stream.indirect_vreg.gather [hbm4b:s7+s5], $0x80, v3, vm0, $0xb8;
	[tilespmem:$0x1A400] =	vst v63  }
0xae: {  	v3 =	vld [tilespmem:$0x90];
	_ =	sdelay $0x4  }
0xaf: {  	v63 =	vshll.u32 v3, $0x2  }
0xb0: {  	v3 =	vand.u32 $0x7, v3;
	v4 =	vand.u32 $0xFFFFFFE0, v63  }
0xb1: {  	v3 =	vor.u32 v3, v4  }
0xb2: {  	v4 =	vperm.xlane v3, v0;
	_ =	sdelay $0x1  }
0xb3: {  	v4 =	vadd.s32 v1, v4;
	_ =	sdelay $0x1  }
0xb4: {  	v3 =	vperm.xlane v3, v2;
	_ =	sdelay $0x1  }
0xb5: {  	s6 =	simm.s32 $0x18400;
	v3 =	vadd.s32 v1, v3  }
0xb6: {  	[tilespmem:s6], [sflag:$0x5] =	stream.indirect_vreg.gather [hbm4b:s1+s5], $0x80, v4, vm0, $0xb8;
	[tilespmem:$0x1A400] =	vst v63  }
0xb7: {  	s12 =	simm.s32 $0x18C00  }
0xb8: {  	[tilespmem:s12], [sflag:$0x5] =	stream.indirect_vreg.gather [hbm4b:s7+s5], $0x80, v4, vm0, $0xb8;
	[tilespmem:$0x1A400] =	vst v63  }
0xb9: {  	s29 =	simm.s32 $0x19400  }
0xba: {  	[tilespmem:s29], [sflag:$0x5] =	stream.indirect_vreg.gather [hbm4b:s1+s5], $0x80, v3, vm0, $0xb8;
	[tilespmem:$0x1A400] =	vst v63  }
0xbb: {  	s28 =	simm.s32 $0x0;
	s30 =	simm.s32 $0x19C00  }
0xbc: {  	[tilespmem:s30], [sflag:$0x5] =	stream.indirect_vreg.gather [hbm4b:s7+s5], $0x80, v3, vm0, $0xb8;
	[tilespmem:$0x1A400] =	vst v63  }
.LBB2_2:
0xbd: {  	_ =	swait.ge [sflag:s13], $0x4000;
	s0 =	simm.s32 $0x0  }
0xbe: {  	[sflag:s13] =	ssyncset.done $0x0;
	s2 =	sand.u32 $0x3000, s0;
	s0 =	sand.u32 $0x380, s0  }
0xbf: {  	[sflag:s13] =	ssyncadd.s32 $0xFFFFC000;
	s30 =	sor.u32 s0, s2  }
0xc0: {  	v3 =	vld [tilespmem:s30+$0x6870]  }
0xc1: {  	v4 =	vld [tilespmem:s30+$0x6C00]  }
0xc2: {  	v5 =	vld [tilespmem:s30+$0x6C10]  }
0xc3: {  	v6 =	vld [tilespmem:s30+$0x6860]  }
0xc4: {  	v7 =	vld [tilespmem:s30+$0x6850]  }
0xc5: {  	v8 =	vld [tilespmem:s30+$0x6C20]  }
0xc6: {  	v9 =	vld [tilespmem:s30+$0x6840]  }
0xc7: {  	v10 =	vld [tilespmem:s30+$0x7070]  }
0xc8: {  	v11 =	vld [tilespmem:s30+$0x7010]  }
0xc9: {  	v12 =	vld [tilespmem:s30+$0x7050]  }
0xca: {  	v16 =	vld [tilespmem:s30+$0x6C30]  }
0xcb: {  	v17 =	vld [tilespmem:s30+$0x6C40]  }
0xcc: {  	v14 =	vld [tilespmem:s30+$0x7000]  }
0xcd: {  	v13 =	vld [tilespmem:s30+$0x7040]  }
0xce: {  	v15 =	vld [tilespmem:s30+$0x6830];
	v11 =	vmul.f32 $2.262741660e+01, v11  }
0xcf: {  	v18 =	vld [tilespmem:s30+$0x6820];
	v10 =	vmul.f32 $2.262741660e+01, v10  }
0xd0: {  	v19 =	vld [tilespmem:s30+$0x6810];
	v12 =	vmul.f32 $2.262741660e+01, v12;
	[tilespmem:s30+$0x7010] =	vst v11  }
0xd1: {  	v20 =	vld [tilespmem:s30+$0x6460];
	v14 =	vmul.f32 $2.262741660e+01, v14;
	[tilespmem:s30+$0x7070] =	vst v10  }
0xd2: {  	v24 =	vld [tilespmem:s30+$0x6400];
	v11 =	vmul.f32 $2.262741660e+01, v13;
	[tilespmem:s30+$0x7050] =	vst v12  }
0xd3: {  	v15 =	vmul.f32 $2.262741660e+01, v15;
	v10 =	vld [tilespmem:s30+$0x7020];
	[tilespmem:s30+$0x7000] =	vst v14  }
0xd4: {  	v13 =	vld [tilespmem:s30+$0x6800];
	[tilespmem:s30+$0x7040] =	vst v11;
	v11 =	vmul.f32 $2.262741660e+01, v18  }
0xd5: {  	v12 =	vld [tilespmem:s30+$0x6470];
	[tilespmem:s30+$0x6830] =	vst v15;
	v18 =	vmul.f32 $2.262741660e+01, v9;
	v9 =	vmul.f32 $2.262741660e+01, v19  }
0xd6: {  	v22 =	vld [tilespmem:s30+$0x6C60];
	v21 =	vmul.f32 $2.262741660e+01, v7;
	v20 =	vmul.f32 $2.262741660e+01, v20;
	[tilespmem:s30+$0x6820] =	vst v11  }
0xd7: {  	v19 =	vld [tilespmem:s30+$0x6C50];
	v11 =	vmul.f32 $2.262741660e+01, v6;
	[tilespmem:s30+$0x6810] =	vst v9;
	v9 =	vmul.f32 $2.262741660e+01, v8  }
0xd8: {  	v23 =	vld [tilespmem:s30+$0x6C70];
	[tilespmem:s30+$0x6460] =	vst v20;
	v8 =	vmul.f32 $2.262741660e+01, v24;
	v7 =	vmul.f32 $2.262741660e+01, v10  }
0xd9: {  	v14 =	vld [tilespmem:s30+$0x6410];
	[tilespmem:s30+$0x6850] =	vst v21;
	v6 =	vmul.f32 $2.262741660e+01, v13;
	v10 =	vmul.f32 $2.262741660e+01, v3  }
0xda: {  	v15 =	vld [tilespmem:s30+$0x6440];
	[tilespmem:s30+$0x6840] =	vst v18;
	v3 =	vmul.f32 $2.262741660e+01, v12;
	v12 =	vmul.f32 $2.262741660e+01, v4  }
0xdb: {  	v13 =	vmul.f32 $2.262741660e+01, v5;
	v4 =	vmul.f32 $2.262741660e+01, v16;
	v16 =	vld [tilespmem:s30+$0x6420];
	[tilespmem:s30+$0x7020] =	vst v7  }
0xdc: {  	[tilespmem:s30+$0x6800] =	vst v6;
	v7 =	vmul.f32 $2.262741660e+01, v17;
	v5 =	vmul.f32 $2.262741660e+01, v19;
	v17 =	vld [tilespmem:s30+$0x6430]  }
0xdd: {  	s2 =	simm.s32 $0x200;
	s0 =	simm.s32 $0x80;
	v18 =	vld [tilespmem:s30+$0x7030];
	[tilespmem:s30+$0x6470] =	vst v3;
	v6 =	vmul.f32 $2.262741660e+01, v22;
	v3 =	vmul.f32 $2.262741660e+01, v23  }
.LBB2_3:
0xde: {  	s29 =	sand.u32 $0x3000, s2;
	s6 =	sand.u32 $0x380, s0;
	v14 =	vmul.f32 $2.262741660e+01, v14;
	[tilespmem:s30+$0x6860] =	vst v11;
	v11 =	vld [tilespmem:s30+$0x7060]  }
0xdf: {  	p0 =	sne.s32 s2, $0x3E00;
	s2 =	sadd.s32 $0x200, s2;
	s6 =	sor.u32 s6, s29;
	v15 =	vmul.f32 $2.262741660e+01, v15;
	v19 =	vld [tilespmem:s30+$0x6450];
	[tilespmem:s30+$0x6870] =	vst v10  }
0xe0: {  	v10 =	vld [tilespmem:s6+$0x6870];
	v16 =	vmul.f32 $2.262741660e+01, v16;
	[tilespmem:s30+$0x6C00] =	vst v12  }
0xe1: {  	v12 =	vld [tilespmem:s6+$0x6C00];
	v17 =	vmul.f32 $2.262741660e+01, v17;
	[tilespmem:s30+$0x6C10] =	vst v13  }
0xe2: {  	v13 =	vld [tilespmem:s6+$0x6C10];
	[tilespmem:s30+$0x6420] =	vst v16;
	v16 =	vmul.f32 $2.262741660e+01, v18  }
0xe3: {  	v18 =	vld [tilespmem:s6+$0x6860];
	[tilespmem:s30+$0x6430] =	vst v17;
	v11 =	vmul.f32 $2.262741660e+01, v11  }
0xe4: {  	v17 =	vld [tilespmem:s6+$0x6850];
	v19 =	vmul.f32 $2.262741660e+01, v19;
	[tilespmem:s30+$0x6C20] =	vst v9  }
0xe5: {  	v9 =	vld [tilespmem:s6+$0x6C20];
	[tilespmem:s30+$0x7030] =	vst v16  }
0xe6: {  	v16 =	vld [tilespmem:s6+$0x6840];
	[tilespmem:s30+$0x6450] =	vst v19  }
0xe7: {  	v19 =	vld [tilespmem:s6+$0x7070];
	[tilespmem:s30+$0x6440] =	vst v15  }
0xe8: {  	v15 =	vld [tilespmem:s6+$0x7010];
	[tilespmem:s30+$0x7060] =	vst v11  }
0xe9: {  	v11 =	vld [tilespmem:s6+$0x7050];
	[tilespmem:s30+$0x6C30] =	vst v4  }
0xea: {  	v4 =	vld [tilespmem:s6+$0x6C30];
	[tilespmem:s30+$0x6C40] =	vst v7  }
0xeb: {  	v7 =	vld [tilespmem:s6+$0x6C40];
	[tilespmem:s30+$0x6410] =	vst v14  }
0xec: {  	v14 =	vld [tilespmem:s6+$0x7040];
	[tilespmem:s30+$0x6C50] =	vst v5  }
0xed: {  	v19 =	vmul.f32 $2.262741660e+01, v19;
	v5 =	vld [tilespmem:s6+$0x7000];
	[tilespmem:s30+$0x6C60] =	vst v6  }
0xee: {  	v6 =	vld [tilespmem:s6+$0x6830];
	[tilespmem:s30+$0x6400] =	vst v8  }
0xef: {  	v15 =	vmul.f32 $2.262741660e+01, v15;
	v8 =	vld [tilespmem:s6+$0x6820];
	[tilespmem:s30+$0x6C70] =	vst v3;
	s30 =	smov.u32 s6  }
0xf0: {  	v11 =	vmul.f32 $2.262741660e+01, v11;
	v3 =	vld [tilespmem:s30+$0x6810];
	[tilespmem:s30+$0x7070] =	vst v19  }
0xf1: {  	v19 =	vmul.f32 $2.262741660e+01, v16;
	[tilespmem:s30+$0x7010] =	vst v15;
	v15 =	vld [tilespmem:s30+$0x7020];
	v14 =	vmul.f32 $2.262741660e+01, v14  }
0xf2: {  	v20 =	vmul.f32 $2.262741660e+01, v17;
	v16 =	vld [tilespmem:s30+$0x6800];
	v5 =	vmul.f32 $2.262741660e+01, v5;
	[tilespmem:s30+$0x7050] =	vst v11  }
0xf3: {  	v11 =	vmul.f32 $2.262741660e+01, v18;
	v17 =	vld [tilespmem:s30+$0x6470];
	v6 =	vmul.f32 $2.262741660e+01, v6;
	[tilespmem:s30+$0x7040] =	vst v14  }
0xf4: {  	v10 =	vmul.f32 $2.262741660e+01, v10;
	v18 =	vld [tilespmem:s30+$0x6460];
	v8 =	vmul.f32 $2.262741660e+01, v8;
	[tilespmem:s30+$0x7000] =	vst v5  }
0xf5: {  	v12 =	vmul.f32 $2.262741660e+01, v12;
	v3 =	vmul.f32 $2.262741660e+01, v3;
	[tilespmem:s30+$0x6830] =	vst v6;
	v5 =	vld [tilespmem:s30+$0x6C50]  }
0xf6: {  	v13 =	vmul.f32 $2.262741660e+01, v13;
	[tilespmem:s30+$0x6820] =	vst v8;
	v6 =	vld [tilespmem:s30+$0x6C60];
	v8 =	vmul.f32 $2.262741660e+01, v15  }
0xf7: {  	v9 =	vmul.f32 $2.262741660e+01, v9;
	v15 =	vmul.f32 $2.262741660e+01, v16;
	[tilespmem:s30+$0x6810] =	vst v3;
	v3 =	vld [tilespmem:s30+$0x6C70]  }
0xf8: {  	v4 =	vmul.f32 $2.262741660e+01, v4;
	v21 =	vld [tilespmem:s30+$0x6400];
	v16 =	vmul.f32 $2.262741660e+01, v17;
	[tilespmem:s30+$0x7020] =	vst v8  }
.Ltmp2:
0xf9: {  	v7 =	vmul.f32 $2.262741660e+01, v7;
	v14 =	vld [tilespmem:s30+$0x6410];
	v8 =	vmul.f32 $2.262741660e+01, v18;
	[tilespmem:s30+$0x6800] =	vst v15;
	(pc) =	sbr.rel @p0 .LBB2_3-.Ltmp2, $4  }
0xfa: {  	v15 =	vld [tilespmem:s30+$0x6440];
	[tilespmem:s30+$0x6470] =	vst v16;
	v5 =	vmul.f32 $2.262741660e+01, v5  }
0xfb: {  	v16 =	vld [tilespmem:s30+$0x6420];
	[tilespmem:s30+$0x6460] =	vst v8;
	v6 =	vmul.f32 $2.262741660e+01, v6  }
0xfc: {  	v17 =	vld [tilespmem:s30+$0x6430];
	[tilespmem:s30+$0x6840] =	vst v19;
	v3 =	vmul.f32 $2.262741660e+01, v3  }
0xfd: {  	s0 =	sadd.s32 $0x80, s0;
	v8 =	vmul.f32 $2.262741660e+01, v21;
	[tilespmem:s30+$0x6850] =	vst v20;
	v18 =	vld [tilespmem:s30+$0x7030]  }
0xfe: {  	[tilespmem:s30+$0x6860] =	vst v11  }
0xff: {  	[tilespmem:s30+$0x6870] =	vst v10  }
0x100: {  	[tilespmem:s30+$0x6C00] =	vst v12  }
0x101: {  	[tilespmem:s30+$0x6C10] =	vst v13  }
0x102: {  	[tilespmem:s30+$0x6C20] =	vst v9  }
0x103: {  	[tilespmem:s30+$0x6C30] =	vst v4  }
0x104: {  	[tilespmem:s30+$0x6C40] =	vst v7  }
0x105: {  	[tilespmem:s30+$0x6C50] =	vst v5  }
0x106: {  	[tilespmem:s30+$0x6C60] =	vst v6  }
0x107: {  	v11 =	vld [tilespmem:s30+$0x6450];
	[tilespmem:s30+$0x6C70] =	vst v3;
	v9 =	vmul.f32 $2.262741660e+01, v15  }
0x108: {  	v12 =	vld [tilespmem:s30+$0x7060];
	[tilespmem:s30+$0x6400] =	vst v8;
	v10 =	vmul.f32 $2.262741660e+01, v16  }
0x109: {  	v16 =	vmul.f32 $2.262741660e+01, v17;
	[tilespmem:s30+$0x6440] =	vst v9  }
0x10a: {  	v9 =	vmul.f32 $2.262741660e+01, v14;
	[tilespmem:s30+$0x6420] =	vst v10  }
0x10b: {  	s29 =	smul.u32 $0xA0, s28;
	v10 =	vmul.f32 $2.262741660e+01, v18;
	[tilespmem:s30+$0x6430] =	vst v16  }
0x10c: {  	v11 =	vmul.f32 $2.262741660e+01, v11;
	[tilespmem:s30+$0x6410] =	vst v9  }
0x10d: {  	s0 =	sadd.s32 s4, s29;
	[tilespmem:s30+$0x7030] =	vst v10;
	v10 =	vmul.f32 $2.262741660e+01, v12  }
0x10e: {  	s0 =	sshll.u32 s0, $0x6;
	[tilespmem:s30+$0x6450] =	vst v11  }
0x10f: {  	s2 =	simm.s32 $0x0;
	s0 =	sadd.s32 s3, s0;
	[tilespmem:s30+$0x7060] =	vst v10  }
0x110: {  	[hbm4b:s0+s2] =	stream.linear.scatter [tilespmem:s14], [sflag:$0x6], $0x4000, $0x38;
	[tilespmem:$0x1A400] =	vst v63  }
0x111: {  	_ =	swait.ge [sflag:s15], $0x4000  }
0x112: {  	s12 =	sand.u32 $0x3000, s2;
	s2 =	sand.u32 $0x380, s2;
	[sflag:s15] =	ssyncset.done $0x0  }
0x113: {  	s30 =	sor.u32 s2, s12;
	[sflag:s15] =	ssyncadd.s32 $0xFFFFC000  }
0x114: {  	v3 =	vld [tilespmem:s30+$0xA870]  }
0x115: {  	v4 =	vld [tilespmem:s30+$0xAC00]  }
0x116: {  	v5 =	vld [tilespmem:s30+$0xAC10]  }
0x117: {  	v6 =	vld [tilespmem:s30+$0xA860]  }
0x118: {  	v7 =	vld [tilespmem:s30+$0xA850]  }
0x119: {  	v8 =	vld [tilespmem:s30+$0xAC20]  }
0x11a: {  	v9 =	vld [tilespmem:s30+$0xA840]  }
0x11b: {  	v10 =	vld [tilespmem:s30+$0xB070]  }
0x11c: {  	v11 =	vld [tilespmem:s30+$0xB010]  }
0x11d: {  	v12 =	vld [tilespmem:s30+$0xB050]  }
0x11e: {  	v16 =	vld [tilespmem:s30+$0xAC30]  }
0x11f: {  	v17 =	vld [tilespmem:s30+$0xAC40]  }
0x120: {  	v14 =	vld [tilespmem:s30+$0xB000]  }
0x121: {  	v13 =	vld [tilespmem:s30+$0xB040]  }
0x122: {  	v15 =	vld [tilespmem:s30+$0xA830];
	v11 =	vmul.f32 $2.262741660e+01, v11  }
0x123: {  	v18 =	vld [tilespmem:s30+$0xA820];
	v10 =	vmul.f32 $2.262741660e+01, v10  }
0x124: {  	v19 =	vld [tilespmem:s30+$0xA810];
	v12 =	vmul.f32 $2.262741660e+01, v12;
	[tilespmem:s30+$0xB010] =	vst v11  }
0x125: {  	v20 =	vld [tilespmem:s30+$0xA460];
	v14 =	vmul.f32 $2.262741660e+01, v14;
	[tilespmem:s30+$0xB070] =	vst v10  }
0x126: {  	v24 =	vld [tilespmem:s30+$0xA400];
	v11 =	vmul.f32 $2.262741660e+01, v13;
	[tilespmem:s30+$0xB050] =	vst v12  }
0x127: {  	v15 =	vmul.f32 $2.262741660e+01, v15;
	v10 =	vld [tilespmem:s30+$0xB020];
	[tilespmem:s30+$0xB000] =	vst v14  }
0x128: {  	v13 =	vld [tilespmem:s30+$0xA800];
	[tilespmem:s30+$0xB040] =	vst v11;
	v11 =	vmul.f32 $2.262741660e+01, v18  }
0x129: {  	v12 =	vld [tilespmem:s30+$0xA470];
	[tilespmem:s30+$0xA830] =	vst v15;
	v18 =	vmul.f32 $2.262741660e+01, v9;
	v9 =	vmul.f32 $2.262741660e+01, v19  }
0x12a: {  	v22 =	vld [tilespmem:s30+$0xAC60];
	v21 =	vmul.f32 $2.262741660e+01, v7;
	v20 =	vmul.f32 $2.262741660e+01, v20;
	[tilespmem:s30+$0xA820] =	vst v11  }
0x12b: {  	v19 =	vld [tilespmem:s30+$0xAC50];
	v11 =	vmul.f32 $2.262741660e+01, v6;
	[tilespmem:s30+$0xA810] =	vst v9;
	v9 =	vmul.f32 $2.262741660e+01, v8  }
0x12c: {  	v23 =	vld [tilespmem:s30+$0xAC70];
	[tilespmem:s30+$0xA460] =	vst v20;
	v8 =	vmul.f32 $2.262741660e+01, v24;
	v7 =	vmul.f32 $2.262741660e+01, v10  }
0x12d: {  	v14 =	vld [tilespmem:s30+$0xA410];
	[tilespmem:s30+$0xA850] =	vst v21;
	v6 =	vmul.f32 $2.262741660e+01, v13;
	v10 =	vmul.f32 $2.262741660e+01, v3  }
0x12e: {  	v15 =	vld [tilespmem:s30+$0xA440];
	[tilespmem:s30+$0xA840] =	vst v18;
	v3 =	vmul.f32 $2.262741660e+01, v12;
	v12 =	vmul.f32 $2.262741660e+01, v4  }
0x12f: {  	v13 =	vmul.f32 $2.262741660e+01, v5;
	v4 =	vmul.f32 $2.262741660e+01, v16;
	v16 =	vld [tilespmem:s30+$0xA420];
	[tilespmem:s30+$0xB020] =	vst v7  }
0x130: {  	[tilespmem:s30+$0xA800] =	vst v6;
	v7 =	vmul.f32 $2.262741660e+01, v17;
	v5 =	vmul.f32 $2.262741660e+01, v19;
	v17 =	vld [tilespmem:s30+$0xA430]  }
0x131: {  	s0 =	simm.s32 $0x80;
	s2 =	simm.s32 $0x200;
	v18 =	vld [tilespmem:s30+$0xB030];
	[tilespmem:s30+$0xA470] =	vst v3;
	v6 =	vmul.f32 $2.262741660e+01, v22;
	v3 =	vmul.f32 $2.262741660e+01, v23  }
.LBB2_5:
0x132: {  	s6 =	sand.u32 $0x3000, s2;
	s12 =	sand.u32 $0x380, s0;
	v14 =	vmul.f32 $2.262741660e+01, v14;
	[tilespmem:s30+$0xA860] =	vst v11;
	v11 =	vld [tilespmem:s30+$0xB060]  }
0x133: {  	p0 =	sne.s32 s2, $0x3E00;
	s2 =	sadd.s32 $0x200, s2;
	s6 =	sor.u32 s12, s6;
	v15 =	vmul.f32 $2.262741660e+01, v15;
	v19 =	vld [tilespmem:s30+$0xA450];
	[tilespmem:s30+$0xA870] =	vst v10  }
0x134: {  	v10 =	vld [tilespmem:s6+$0xA870];
	v16 =	vmul.f32 $2.262741660e+01, v16;
	[tilespmem:s30+$0xAC00] =	vst v12  }
0x135: {  	v12 =	vld [tilespmem:s6+$0xAC00];
	v17 =	vmul.f32 $2.262741660e+01, v17;
	[tilespmem:s30+$0xAC10] =	vst v13  }
0x136: {  	v13 =	vld [tilespmem:s6+$0xAC10];
	[tilespmem:s30+$0xA420] =	vst v16;
	v16 =	vmul.f32 $2.262741660e+01, v18  }
0x137: {  	v18 =	vld [tilespmem:s6+$0xA860];
	[tilespmem:s30+$0xA430] =	vst v17;
	v11 =	vmul.f32 $2.262741660e+01, v11  }
0x138: {  	v17 =	vld [tilespmem:s6+$0xA850];
	v19 =	vmul.f32 $2.262741660e+01, v19;
	[tilespmem:s30+$0xAC20] =	vst v9  }
0x139: {  	v9 =	vld [tilespmem:s6+$0xAC20];
	[tilespmem:s30+$0xB030] =	vst v16  }
0x13a: {  	v16 =	vld [tilespmem:s6+$0xA840];
	[tilespmem:s30+$0xA450] =	vst v19  }
0x13b: {  	v19 =	vld [tilespmem:s6+$0xB070];
	[tilespmem:s30+$0xA440] =	vst v15  }
0x13c: {  	v15 =	vld [tilespmem:s6+$0xB010];
	[tilespmem:s30+$0xB060] =	vst v11  }
0x13d: {  	v11 =	vld [tilespmem:s6+$0xB050];
	[tilespmem:s30+$0xAC30] =	vst v4  }
0x13e: {  	v4 =	vld [tilespmem:s6+$0xAC30];
	[tilespmem:s30+$0xAC40] =	vst v7  }
0x13f: {  	v7 =	vld [tilespmem:s6+$0xAC40];
	[tilespmem:s30+$0xA410] =	vst v14  }
0x140: {  	v14 =	vld [tilespmem:s6+$0xB040];
	[tilespmem:s30+$0xAC50] =	vst v5  }
0x141: {  	v19 =	vmul.f32 $2.262741660e+01, v19;
	v5 =	vld [tilespmem:s6+$0xB000];
	[tilespmem:s30+$0xAC60] =	vst v6  }
0x142: {  	v6 =	vld [tilespmem:s6+$0xA830];
	[tilespmem:s30+$0xA400] =	vst v8  }
0x143: {  	v15 =	vmul.f32 $2.262741660e+01, v15;
	v8 =	vld [tilespmem:s6+$0xA820];
	[tilespmem:s30+$0xAC70] =	vst v3;
	s30 =	smov.u32 s6  }
0x144: {  	v11 =	vmul.f32 $2.262741660e+01, v11;
	v3 =	vld [tilespmem:s30+$0xA810];
	[tilespmem:s30+$0xB070] =	vst v19  }
0x145: {  	v19 =	vmul.f32 $2.262741660e+01, v16;
	[tilespmem:s30+$0xB010] =	vst v15;
	v15 =	vld [tilespmem:s30+$0xB020];
	v14 =	vmul.f32 $2.262741660e+01, v14  }
0x146: {  	v20 =	vmul.f32 $2.262741660e+01, v17;
	v16 =	vld [tilespmem:s30+$0xA800];
	v5 =	vmul.f32 $2.262741660e+01, v5;
	[tilespmem:s30+$0xB050] =	vst v11  }
0x147: {  	v11 =	vmul.f32 $2.262741660e+01, v18;
	v17 =	vld [tilespmem:s30+$0xA470];
	v6 =	vmul.f32 $2.262741660e+01, v6;
	[tilespmem:s30+$0xB040] =	vst v14  }
0x148: {  	v10 =	vmul.f32 $2.262741660e+01, v10;
	v18 =	vld [tilespmem:s30+$0xA460];
	v8 =	vmul.f32 $2.262741660e+01, v8;
	[tilespmem:s30+$0xB000] =	vst v5  }
0x149: {  	v12 =	vmul.f32 $2.262741660e+01, v12;
	v3 =	vmul.f32 $2.262741660e+01, v3;
	[tilespmem:s30+$0xA830] =	vst v6;
	v5 =	vld [tilespmem:s30+$0xAC50]  }
0x14a: {  	v13 =	vmul.f32 $2.262741660e+01, v13;
	[tilespmem:s30+$0xA820] =	vst v8;
	v6 =	vld [tilespmem:s30+$0xAC60];
	v8 =	vmul.f32 $2.262741660e+01, v15  }
0x14b: {  	v9 =	vmul.f32 $2.262741660e+01, v9;
	v15 =	vmul.f32 $2.262741660e+01, v16;
	[tilespmem:s30+$0xA810] =	vst v3;
	v3 =	vld [tilespmem:s30+$0xAC70]  }
0x14c: {  	v4 =	vmul.f32 $2.262741660e+01, v4;
	v21 =	vld [tilespmem:s30+$0xA400];
	v16 =	vmul.f32 $2.262741660e+01, v17;
	[tilespmem:s30+$0xB020] =	vst v8  }
.Ltmp3:
0x14d: {  	v7 =	vmul.f32 $2.262741660e+01, v7;
	v14 =	vld [tilespmem:s30+$0xA410];
	v8 =	vmul.f32 $2.262741660e+01, v18;
	[tilespmem:s30+$0xA800] =	vst v15;
	(pc) =	sbr.rel @p0 .LBB2_5-.Ltmp3, $4  }
0x14e: {  	v15 =	vld [tilespmem:s30+$0xA440];
	[tilespmem:s30+$0xA470] =	vst v16;
	v5 =	vmul.f32 $2.262741660e+01, v5  }
0x14f: {  	v16 =	vld [tilespmem:s30+$0xA420];
	[tilespmem:s30+$0xA460] =	vst v8;
	v6 =	vmul.f32 $2.262741660e+01, v6  }
0x150: {  	v17 =	vld [tilespmem:s30+$0xA430];
	[tilespmem:s30+$0xA840] =	vst v19;
	v3 =	vmul.f32 $2.262741660e+01, v3  }
0x151: {  	s0 =	sadd.s32 $0x80, s0;
	v8 =	vmul.f32 $2.262741660e+01, v21;
	[tilespmem:s30+$0xA850] =	vst v20;
	v18 =	vld [tilespmem:s30+$0xB030]  }
0x152: {  	[tilespmem:s30+$0xA860] =	vst v11  }
0x153: {  	[tilespmem:s30+$0xA870] =	vst v10  }
0x154: {  	[tilespmem:s30+$0xAC00] =	vst v12  }
0x155: {  	[tilespmem:s30+$0xAC10] =	vst v13  }
0x156: {  	[tilespmem:s30+$0xAC20] =	vst v9  }
0x157: {  	[tilespmem:s30+$0xAC30] =	vst v4  }
0x158: {  	[tilespmem:s30+$0xAC40] =	vst v7  }
0x159: {  	[tilespmem:s30+$0xAC50] =	vst v5  }
0x15a: {  	[tilespmem:s30+$0xAC60] =	vst v6  }
0x15b: {  	v11 =	vld [tilespmem:s30+$0xA450];
	[tilespmem:s30+$0xAC70] =	vst v3;
	v9 =	vmul.f32 $2.262741660e+01, v15  }
0x15c: {  	v12 =	vld [tilespmem:s30+$0xB060];
	[tilespmem:s30+$0xA400] =	vst v8;
	v10 =	vmul.f32 $2.262741660e+01, v16  }
0x15d: {  	v16 =	vmul.f32 $2.262741660e+01, v17;
	[tilespmem:s30+$0xA440] =	vst v9  }
0x15e: {  	v9 =	vmul.f32 $2.262741660e+01, v14;
	[tilespmem:s30+$0xA420] =	vst v10  }
0x15f: {  	v10 =	vmul.f32 $2.262741660e+01, v18;
	[tilespmem:s30+$0xA430] =	vst v16  }
0x160: {  	v11 =	vmul.f32 $2.262741660e+01, v11;
	[tilespmem:s30+$0xA410] =	vst v9  }
0x161: {  	s0 =	sadd.s32 s29, s8;
	[tilespmem:s30+$0xB030] =	vst v10;
	v10 =	vmul.f32 $2.262741660e+01, v12  }
0x162: {  	s0 =	sshll.u32 s0, $0x6;
	[tilespmem:s30+$0xA450] =	vst v11  }
0x163: {  	s2 =	simm.s32 $0x0;
	s0 =	sadd.s32 s3, s0;
	[tilespmem:s30+$0xB060] =	vst v10  }
0x164: {  	[hbm4b:s0+s2] =	stream.linear.scatter [tilespmem:s22], [sflag:$0x7], $0x4000, $0x38;
	[tilespmem:$0x1A400] =	vst v63  }
0x165: {  	_ =	swait.ge [sflag:s16], $0x4000  }
0x166: {  	s12 =	sand.u32 $0x3000, s2;
	s2 =	sand.u32 $0x380, s2;
	[sflag:s16] =	ssyncset.done $0x0  }
0x167: {  	s30 =	sor.u32 s2, s12;
	[sflag:s16] =	ssyncadd.s32 $0xFFFFC000  }
0x168: {  	v3 =	vld [tilespmem:s30+$0xE870]  }
0x169: {  	v4 =	vld [tilespmem:s30+$0xEC00]  }
0x16a: {  	v5 =	vld [tilespmem:s30+$0xEC10]  }
0x16b: {  	v6 =	vld [tilespmem:s30+$0xE860]  }
0x16c: {  	v7 =	vld [tilespmem:s30+$0xE850]  }
0x16d: {  	v8 =	vld [tilespmem:s30+$0xEC20]  }
0x16e: {  	v9 =	vld [tilespmem:s30+$0xE840]  }
0x16f: {  	v10 =	vld [tilespmem:s30+$0xF070]  }
0x170: {  	v11 =	vld [tilespmem:s30+$0xF010]  }
0x171: {  	v12 =	vld [tilespmem:s30+$0xF050]  }
0x172: {  	v16 =	vld [tilespmem:s30+$0xEC30]  }
0x173: {  	v17 =	vld [tilespmem:s30+$0xEC40]  }
0x174: {  	v14 =	vld [tilespmem:s30+$0xF000]  }
0x175: {  	v13 =	vld [tilespmem:s30+$0xF040]  }
0x176: {  	v15 =	vld [tilespmem:s30+$0xE830];
	v11 =	vmul.f32 $2.262741660e+01, v11  }
0x177: {  	v18 =	vld [tilespmem:s30+$0xE820];
	v10 =	vmul.f32 $2.262741660e+01, v10  }
0x178: {  	v19 =	vld [tilespmem:s30+$0xE810];
	v12 =	vmul.f32 $2.262741660e+01, v12;
	[tilespmem:s30+$0xF010] =	vst v11  }
0x179: {  	v20 =	vld [tilespmem:s30+$0xE460];
	v14 =	vmul.f32 $2.262741660e+01, v14;
	[tilespmem:s30+$0xF070] =	vst v10  }
0x17a: {  	v24 =	vld [tilespmem:s30+$0xE400];
	v11 =	vmul.f32 $2.262741660e+01, v13;
	[tilespmem:s30+$0xF050] =	vst v12  }
0x17b: {  	v15 =	vmul.f32 $2.262741660e+01, v15;
	v10 =	vld [tilespmem:s30+$0xF020];
	[tilespmem:s30+$0xF000] =	vst v14  }
0x17c: {  	v13 =	vld [tilespmem:s30+$0xE800];
	[tilespmem:s30+$0xF040] =	vst v11;
	v11 =	vmul.f32 $2.262741660e+01, v18  }
0x17d: {  	v12 =	vld [tilespmem:s30+$0xE470];
	[tilespmem:s30+$0xE830] =	vst v15;
	v18 =	vmul.f32 $2.262741660e+01, v9;
	v9 =	vmul.f32 $2.262741660e+01, v19  }
0x17e: {  	v22 =	vld [tilespmem:s30+$0xEC60];
	v21 =	vmul.f32 $2.262741660e+01, v7;
	v20 =	vmul.f32 $2.262741660e+01, v20;
	[tilespmem:s30+$0xE820] =	vst v11  }
0x17f: {  	v19 =	vld [tilespmem:s30+$0xEC50];
	v11 =	vmul.f32 $2.262741660e+01, v6;
	[tilespmem:s30+$0xE810] =	vst v9;
	v9 =	vmul.f32 $2.262741660e+01, v8  }
0x180: {  	v23 =	vld [tilespmem:s30+$0xEC70];
	[tilespmem:s30+$0xE460] =	vst v20;
	v8 =	vmul.f32 $2.262741660e+01, v24;
	v7 =	vmul.f32 $2.262741660e+01, v10  }
0x181: {  	v14 =	vld [tilespmem:s30+$0xE410];
	[tilespmem:s30+$0xE850] =	vst v21;
	v6 =	vmul.f32 $2.262741660e+01, v13;
	v10 =	vmul.f32 $2.262741660e+01, v3  }
0x182: {  	v15 =	vld [tilespmem:s30+$0xE440];
	[tilespmem:s30+$0xE840] =	vst v18;
	v3 =	vmul.f32 $2.262741660e+01, v12;
	v12 =	vmul.f32 $2.262741660e+01, v4  }
0x183: {  	v13 =	vmul.f32 $2.262741660e+01, v5;
	v4 =	vmul.f32 $2.262741660e+01, v16;
	v16 =	vld [tilespmem:s30+$0xE420];
	[tilespmem:s30+$0xF020] =	vst v7  }
0x184: {  	[tilespmem:s30+$0xE800] =	vst v6;
	v7 =	vmul.f32 $2.262741660e+01, v17;
	v5 =	vmul.f32 $2.262741660e+01, v19;
	v17 =	vld [tilespmem:s30+$0xE430]  }
0x185: {  	s0 =	simm.s32 $0x80;
	s2 =	simm.s32 $0x200;
	v18 =	vld [tilespmem:s30+$0xF030];
	[tilespmem:s30+$0xE470] =	vst v3;
	v6 =	vmul.f32 $2.262741660e+01, v22;
	v3 =	vmul.f32 $2.262741660e+01, v23  }
.LBB2_7:
0x186: {  	s6 =	sand.u32 $0x3000, s2;
	s12 =	sand.u32 $0x380, s0;
	v14 =	vmul.f32 $2.262741660e+01, v14;
	[tilespmem:s30+$0xE860] =	vst v11;
	v11 =	vld [tilespmem:s30+$0xF060]  }
0x187: {  	p0 =	sne.s32 s2, $0x3E00;
	s2 =	sadd.s32 $0x200, s2;
	s6 =	sor.u32 s12, s6;
	v15 =	vmul.f32 $2.262741660e+01, v15;
	v19 =	vld [tilespmem:s30+$0xE450];
	[tilespmem:s30+$0xE870] =	vst v10  }
0x188: {  	v10 =	vld [tilespmem:s6+$0xE870];
	v16 =	vmul.f32 $2.262741660e+01, v16;
	[tilespmem:s30+$0xEC00] =	vst v12  }
0x189: {  	v12 =	vld [tilespmem:s6+$0xEC00];
	v17 =	vmul.f32 $2.262741660e+01, v17;
	[tilespmem:s30+$0xEC10] =	vst v13  }
0x18a: {  	v13 =	vld [tilespmem:s6+$0xEC10];
	[tilespmem:s30+$0xE420] =	vst v16;
	v16 =	vmul.f32 $2.262741660e+01, v18  }
0x18b: {  	v18 =	vld [tilespmem:s6+$0xE860];
	[tilespmem:s30+$0xE430] =	vst v17;
	v11 =	vmul.f32 $2.262741660e+01, v11  }
0x18c: {  	v17 =	vld [tilespmem:s6+$0xE850];
	v19 =	vmul.f32 $2.262741660e+01, v19;
	[tilespmem:s30+$0xEC20] =	vst v9  }
0x18d: {  	v9 =	vld [tilespmem:s6+$0xEC20];
	[tilespmem:s30+$0xF030] =	vst v16  }
0x18e: {  	v16 =	vld [tilespmem:s6+$0xE840];
	[tilespmem:s30+$0xE450] =	vst v19  }
0x18f: {  	v19 =	vld [tilespmem:s6+$0xF070];
	[tilespmem:s30+$0xE440] =	vst v15  }
0x190: {  	v15 =	vld [tilespmem:s6+$0xF010];
	[tilespmem:s30+$0xF060] =	vst v11  }
0x191: {  	v11 =	vld [tilespmem:s6+$0xF050];
	[tilespmem:s30+$0xEC30] =	vst v4  }
0x192: {  	v4 =	vld [tilespmem:s6+$0xEC30];
	[tilespmem:s30+$0xEC40] =	vst v7  }
0x193: {  	v7 =	vld [tilespmem:s6+$0xEC40];
	[tilespmem:s30+$0xE410] =	vst v14  }
0x194: {  	v14 =	vld [tilespmem:s6+$0xF040];
	[tilespmem:s30+$0xEC50] =	vst v5  }
0x195: {  	v19 =	vmul.f32 $2.262741660e+01, v19;
	v5 =	vld [tilespmem:s6+$0xF000];
	[tilespmem:s30+$0xEC60] =	vst v6  }
0x196: {  	v6 =	vld [tilespmem:s6+$0xE830];
	[tilespmem:s30+$0xE400] =	vst v8  }
0x197: {  	v15 =	vmul.f32 $2.262741660e+01, v15;
	v8 =	vld [tilespmem:s6+$0xE820];
	[tilespmem:s30+$0xEC70] =	vst v3;
	s30 =	smov.u32 s6  }
0x198: {  	v11 =	vmul.f32 $2.262741660e+01, v11;
	v3 =	vld [tilespmem:s30+$0xE810];
	[tilespmem:s30+$0xF070] =	vst v19  }
0x199: {  	v19 =	vmul.f32 $2.262741660e+01, v16;
	[tilespmem:s30+$0xF010] =	vst v15;
	v15 =	vld [tilespmem:s30+$0xF020];
	v14 =	vmul.f32 $2.262741660e+01, v14  }
0x19a: {  	v20 =	vmul.f32 $2.262741660e+01, v17;
	v16 =	vld [tilespmem:s30+$0xE800];
	v5 =	vmul.f32 $2.262741660e+01, v5;
	[tilespmem:s30+$0xF050] =	vst v11  }
0x19b: {  	v11 =	vmul.f32 $2.262741660e+01, v18;
	v17 =	vld [tilespmem:s30+$0xE470];
	v6 =	vmul.f32 $2.262741660e+01, v6;
	[tilespmem:s30+$0xF040] =	vst v14  }
0x19c: {  	v10 =	vmul.f32 $2.262741660e+01, v10;
	v18 =	vld [tilespmem:s30+$0xE460];
	v8 =	vmul.f32 $2.262741660e+01, v8;
	[tilespmem:s30+$0xF000] =	vst v5  }
0x19d: {  	v12 =	vmul.f32 $2.262741660e+01, v12;
	v3 =	vmul.f32 $2.262741660e+01, v3;
	[tilespmem:s30+$0xE830] =	vst v6;
	v5 =	vld [tilespmem:s30+$0xEC50]  }
0x19e: {  	v13 =	vmul.f32 $2.262741660e+01, v13;
	[tilespmem:s30+$0xE820] =	vst v8;
	v6 =	vld [tilespmem:s30+$0xEC60];
	v8 =	vmul.f32 $2.262741660e+01, v15  }
0x19f: {  	v9 =	vmul.f32 $2.262741660e+01, v9;
	v15 =	vmul.f32 $2.262741660e+01, v16;
	[tilespmem:s30+$0xE810] =	vst v3;
	v3 =	vld [tilespmem:s30+$0xEC70]  }
0x1a0: {  	v4 =	vmul.f32 $2.262741660e+01, v4;
	v21 =	vld [tilespmem:s30+$0xE400];
	v16 =	vmul.f32 $2.262741660e+01, v17;
	[tilespmem:s30+$0xF020] =	vst v8  }
.Ltmp4:
0x1a1: {  	v7 =	vmul.f32 $2.262741660e+01, v7;
	v14 =	vld [tilespmem:s30+$0xE410];
	v8 =	vmul.f32 $2.262741660e+01, v18;
	[tilespmem:s30+$0xE800] =	vst v15;
	(pc) =	sbr.rel @p0 .LBB2_7-.Ltmp4, $4  }
0x1a2: {  	v15 =	vld [tilespmem:s30+$0xE440];
	[tilespmem:s30+$0xE470] =	vst v16;
	v5 =	vmul.f32 $2.262741660e+01, v5  }
0x1a3: {  	v16 =	vld [tilespmem:s30+$0xE420];
	[tilespmem:s30+$0xE460] =	vst v8;
	v6 =	vmul.f32 $2.262741660e+01, v6  }
0x1a4: {  	v17 =	vld [tilespmem:s30+$0xE430];
	[tilespmem:s30+$0xE840] =	vst v19;
	v3 =	vmul.f32 $2.262741660e+01, v3  }
0x1a5: {  	s0 =	sadd.s32 $0x80, s0;
	v8 =	vmul.f32 $2.262741660e+01, v21;
	[tilespmem:s30+$0xE850] =	vst v20;
	v18 =	vld [tilespmem:s30+$0xF030]  }
0x1a6: {  	[tilespmem:s30+$0xE860] =	vst v11  }
0x1a7: {  	[tilespmem:s30+$0xE870] =	vst v10  }
0x1a8: {  	[tilespmem:s30+$0xEC00] =	vst v12  }
0x1a9: {  	[tilespmem:s30+$0xEC10] =	vst v13  }
0x1aa: {  	[tilespmem:s30+$0xEC20] =	vst v9  }
0x1ab: {  	[tilespmem:s30+$0xEC30] =	vst v4  }
0x1ac: {  	[tilespmem:s30+$0xEC40] =	vst v7  }
0x1ad: {  	[tilespmem:s30+$0xEC50] =	vst v5  }
0x1ae: {  	[tilespmem:s30+$0xEC60] =	vst v6  }
0x1af: {  	v11 =	vld [tilespmem:s30+$0xE450];
	[tilespmem:s30+$0xEC70] =	vst v3;
	v9 =	vmul.f32 $2.262741660e+01, v15  }
0x1b0: {  	v12 =	vld [tilespmem:s30+$0xF060];
	[tilespmem:s30+$0xE400] =	vst v8;
	v10 =	vmul.f32 $2.262741660e+01, v16  }
0x1b1: {  	v16 =	vmul.f32 $2.262741660e+01, v17;
	[tilespmem:s30+$0xE440] =	vst v9  }
0x1b2: {  	v9 =	vmul.f32 $2.262741660e+01, v14;
	[tilespmem:s30+$0xE420] =	vst v10  }
0x1b3: {  	v10 =	vmul.f32 $2.262741660e+01, v18;
	[tilespmem:s30+$0xE430] =	vst v16  }
0x1b4: {  	v11 =	vmul.f32 $2.262741660e+01, v11;
	[tilespmem:s30+$0xE410] =	vst v9  }
0x1b5: {  	s0 =	sadd.s32 s29, s9;
	[tilespmem:s30+$0xF030] =	vst v10;
	v10 =	vmul.f32 $2.262741660e+01, v12  }
0x1b6: {  	s0 =	sshll.u32 s0, $0x6;
	[tilespmem:s30+$0xE450] =	vst v11  }
0x1b7: {  	s2 =	simm.s32 $0x0;
	s0 =	sadd.s32 s3, s0;
	[tilespmem:s30+$0xF060] =	vst v10  }
0x1b8: {  	[hbm4b:s0+s2] =	stream.linear.scatter [tilespmem:s31], [sflag:$0x8], $0x4000, $0x38;
	[tilespmem:$0x1A400] =	vst v63  }
0x1b9: {  	_ =	swait.ge [sflag:s18], $0x4000  }
0x1ba: {  	s12 =	sand.u32 $0x3000, s2;
	s2 =	sand.u32 $0x380, s2;
	[sflag:s18] =	ssyncset.done $0x0  }
0x1bb: {  	s0 =	sor.u32 s2, s12;
	[sflag:s18] =	ssyncadd.s32 $0xFFFFC000  }
0x1bc: {  	s30 =	sadd.s32 $0x12400, s0;
	v3 =	vld [tilespmem:s0+$0x12400]  }
0x1bd: {  	v4 =	vld [tilespmem:s30+$0x810]  }
0x1be: {  	v5 =	vld [tilespmem:s30+$0x800]  }
0x1bf: {  	v6 =	vld [tilespmem:s30+$0x470]  }
0x1c0: {  	v7 =	vld [tilespmem:s30+$0x450]  }
0x1c1: {  	v8 =	vld [tilespmem:s30+$0x440]  }
0x1c2: {  	v9 =	vld [tilespmem:s30+$0x430]  }
0x1c3: {  	v10 =	vld [tilespmem:s30+$0x420]  }
0x1c4: {  	v11 =	vld [tilespmem:s30+$0x410]  }
0x1c5: {  	v12 =	vld [tilespmem:s30+$0xC70]  }
0x1c6: {  	v13 =	vld [tilespmem:s30+$0x400]  }
0x1c7: {  	v14 =	vld [tilespmem:s30+$0xC20]  }
0x1c8: {  	v15 =	vld [tilespmem:s30+$0xC40];
	v3 =	vmul.f32 $2.262741660e+01, v3  }
0x1c9: {  	v17 =	vld [tilespmem:s30+$0x460];
	v10 =	vmul.f32 $2.262741660e+01, v10  }
0x1ca: {  	v18 =	vld [tilespmem:s30+$0x830];
	v11 =	vmul.f32 $2.262741660e+01, v11;
	[tilespmem:s0+$0x12400] =	vst v3  }
0x1cb: {  	v13 =	vmul.f32 $2.262741660e+01, v13;
	v3 =	vld [tilespmem:s30+$0x70];
	[tilespmem:s30+$0x420] =	vst v10  }
0x1cc: {  	v14 =	vmul.f32 $2.262741660e+01, v14;
	[tilespmem:s30+$0x410] =	vst v11;
	v16 =	vld [tilespmem:s30+$0x30]  }
0x1cd: {  	v9 =	vmul.f32 $2.262741660e+01, v9;
	v10 =	vmul.f32 $2.262741660e+01, v12;
	[tilespmem:s30+$0x400] =	vst v13;
	v12 =	vld [tilespmem:s30+$0x20]  }
0x1ce: {  	v8 =	vmul.f32 $2.262741660e+01, v8;
	[tilespmem:s30+$0xC20] =	vst v14;
	v11 =	vld [tilespmem:s30+$0x10]  }
0x1cf: {  	v20 =	vld [tilespmem:s30+$0x40];
	[tilespmem:s30+$0x430] =	vst v9  }
0x1d0: {  	v14 =	vld [tilespmem:s30+$0x840];
	[tilespmem:s30+$0x440] =	vst v8;
	v3 =	vmul.f32 $2.262741660e+01, v3  }
0x1d1: {  	[tilespmem:s30+$0xC70] =	vst v10;
	v10 =	vld [tilespmem:s30+$0x820];
	v13 =	vmul.f32 $2.262741660e+01, v16  }
0x1d2: {  	v12 =	vmul.f32 $2.262741660e+01, v12;
	v16 =	vld [tilespmem:s30+$0x860];
	[tilespmem:s30+$0x70] =	vst v3  }
0x1d3: {  	v19 =	vmul.f32 $2.262741660e+01, v7;
	v11 =	vmul.f32 $2.262741660e+01, v11;
	v3 =	vld [tilespmem:s30+$0x850];
	[tilespmem:s30+$0x30] =	vst v13  }
0x1d4: {  	v17 =	vmul.f32 $2.262741660e+01, v17;
	v13 =	vmul.f32 $2.262741660e+01, v15;
	[tilespmem:s30+$0x20] =	vst v12;
	v12 =	vld [tilespmem:s30+$0x870]  }
0x1d5: {  	v21 =	vmul.f32 $2.262741660e+01, v6;
	v7 =	vmul.f32 $2.262741660e+01, v5;
	[tilespmem:s30+$0x10] =	vst v11;
	v11 =	vld [tilespmem:s30+$0xC00]  }
0x1d6: {  	v6 =	vmul.f32 $2.262741660e+01, v4;
	v8 =	vmul.f32 $2.262741660e+01, v18;
	[tilespmem:s30+$0xC40] =	vst v13;
	v13 =	vld [tilespmem:s30+$0x50]  }
0x1d7: {  	[tilespmem:s30+$0x450] =	vst v19;
	v5 =	vmul.f32 $2.262741660e+01, v14;
	v4 =	vmul.f32 $2.262741660e+01, v10;
	v15 =	vld [tilespmem:s30+$0x60]  }
0x1d8: {  	[tilespmem:s30+$0x460] =	vst v17;
	v14 =	vld [tilespmem:s30+$0xC10];
	v10 =	vmul.f32 $2.262741660e+01, v16;
	v9 =	vmul.f32 $2.262741660e+01, v3  }
0x1d9: {  	s2 =	simm.s32 $0x200;
	[tilespmem:s30+$0x470] =	vst v21;
	s0 =	simm.s32 $0x80;
	v16 =	vld [tilespmem:s30+$0xC30];
	v3 =	vmul.f32 $2.262741660e+01, v12;
	v12 =	vmul.f32 $2.262741660e+01, v20  }
.LBB2_9:
0x1da: {  	s6 =	sand.u32 $0x3000, s2;
	s12 =	sand.u32 $0x380, s0;
	[tilespmem:s30+$0x800] =	vst v7;
	v7 =	vmul.f32 $2.262741660e+01, v11;
	v11 =	vld [tilespmem:s30+$0xC50]  }
0x1db: {  	p0 =	sne.s32 s2, $0x3E00;
	s2 =	sadd.s32 $0x200, s2;
	s6 =	sor.u32 s12, s6;
	v13 =	vmul.f32 $2.262741660e+01, v13;
	[tilespmem:s30+$0x810] =	vst v6;
	v6 =	vld [tilespmem:s30+$0xC60]  }
0x1dc: {  	s12 =	sadd.s32 $0x12400, s6;
	v17 =	vld [tilespmem:s6+$0x12400];
	v15 =	vmul.f32 $2.262741660e+01, v15;
	[tilespmem:s30+$0x820] =	vst v4  }
0x1dd: {  	v4 =	vld [tilespmem:s12+$0x810];
	[tilespmem:s30+$0x830] =	vst v8;
	v8 =	vmul.f32 $2.262741660e+01, v14  }
0x1de: {  	v14 =	vld [tilespmem:s12+$0x800];
	[tilespmem:s30+$0x840] =	vst v5;
	v5 =	vmul.f32 $2.262741660e+01, v16  }
0x1df: {  	v16 =	vld [tilespmem:s12+$0x470];
	[tilespmem:s30+$0x850] =	vst v9;
	v9 =	vmul.f32 $2.262741660e+01, v11  }
0x1e0: {  	v11 =	vld [tilespmem:s12+$0x460];
	[tilespmem:s30+$0x860] =	vst v10;
	v6 =	vmul.f32 $2.262741660e+01, v6  }
0x1e1: {  	v10 =	vmul.f32 $2.262741660e+01, v17;
	v17 =	vld [tilespmem:s12+$0x450];
	[tilespmem:s30+$0x40] =	vst v12  }
0x1e2: {  	v12 =	vld [tilespmem:s12+$0x440];
	[tilespmem:s30+$0xC60] =	vst v6  }
0x1e3: {  	v6 =	vld [tilespmem:s12+$0x430];
	[tilespmem:s30+$0x60] =	vst v15  }
0x1e4: {  	v15 =	vld [tilespmem:s12+$0x420];
	[tilespmem:s30+$0x50] =	vst v13  }
0x1e5: {  	v13 =	vld [tilespmem:s12+$0x410];
	[tilespmem:s30+$0xC50] =	vst v9  }
0x1e6: {  	v9 =	vld [tilespmem:s12+$0xC70];
	[tilespmem:s30+$0xC00] =	vst v7  }
0x1e7: {  	v7 =	vld [tilespmem:s12+$0x400];
	[tilespmem:s30+$0x870] =	vst v3  }
0x1e8: {  	v3 =	vld [tilespmem:s12+$0xC20];
	[tilespmem:s30+$0xC10] =	vst v8  }
0x1e9: {  	v8 =	vmul.f32 $2.262741660e+01, v15;
	v15 =	vld [tilespmem:s12+$0xC40];
	[tilespmem:s30+$0xC30] =	vst v5;
	s30 =	smov.u32 s12  }
0x1ea: {  	[tilespmem:s6+$0x12400] =	vst v10;
	v5 =	vld [tilespmem:s30+$0x70];
	v10 =	vmul.f32 $2.262741660e+01, v13  }
0x1eb: {  	v13 =	vld [tilespmem:s30+$0x30];
	[tilespmem:s30+$0x420] =	vst v8;
	v8 =	vmul.f32 $2.262741660e+01, v9  }
0x1ec: {  	v9 =	vld [tilespmem:s30+$0x20];
	v7 =	vmul.f32 $2.262741660e+01, v7;
	[tilespmem:s30+$0x410] =	vst v10;
	v10 =	vmul.f32 $2.262741660e+01, v6  }
0x1ed: {  	v12 =	vmul.f32 $2.262741660e+01, v12;
	v6 =	vld [tilespmem:s30+$0x10];
	v3 =	vmul.f32 $2.262741660e+01, v3;
	[tilespmem:s30+$0xC70] =	vst v8  }
0x1ee: {  	v17 =	vmul.f32 $2.262741660e+01, v17;
	[tilespmem:s30+$0x400] =	vst v7;
	v8 =	vld [tilespmem:s30+$0x820];
	v7 =	vmul.f32 $2.262741660e+01, v15  }
0x1ef: {  	v18 =	vmul.f32 $2.262741660e+01, v11;
	v5 =	vmul.f32 $2.262741660e+01, v5;
	v11 =	vld [tilespmem:s30+$0x830];
	[tilespmem:s30+$0xC20] =	vst v3  }
0x1f0: {  	v16 =	vmul.f32 $2.262741660e+01, v16;
	v3 =	vmul.f32 $2.262741660e+01, v13;
	v13 =	vld [tilespmem:s30+$0x840];
	[tilespmem:s30+$0xC40] =	vst v7  }
0x1f1: {  	v7 =	vmul.f32 $2.262741660e+01, v14;
	v9 =	vmul.f32 $2.262741660e+01, v9;
	[tilespmem:s30+$0x70] =	vst v5;
	v14 =	vld [tilespmem:s30+$0x850]  }
0x1f2: {  	v5 =	vmul.f32 $2.262741660e+01, v6;
	[tilespmem:s30+$0x30] =	vst v3;
	v6 =	vmul.f32 $2.262741660e+01, v4;
	v3 =	vld [tilespmem:s30+$0x860]  }
0x1f3: {  	[tilespmem:s30+$0x20] =	vst v9;
	v4 =	vmul.f32 $2.262741660e+01, v8;
	v19 =	vld [tilespmem:s30+$0x870]  }
0x1f4: {  	[tilespmem:s30+$0x10] =	vst v5;
	v20 =	vld [tilespmem:s30+$0x40];
	v8 =	vmul.f32 $2.262741660e+01, v11  }
.Ltmp5:
0x1f5: {  	[tilespmem:s30+$0x430] =	vst v10;
	v5 =	vmul.f32 $2.262741660e+01, v13;
	v11 =	vld [tilespmem:s30+$0xC00];
	(pc) =	sbr.rel @p0 .LBB2_9-.Ltmp5, $4  }
0x1f6: {  	v13 =	vld [tilespmem:s30+$0x50];
	[tilespmem:s30+$0x440] =	vst v12;
	v9 =	vmul.f32 $2.262741660e+01, v14  }
0x1f7: {  	v15 =	vld [tilespmem:s30+$0x60];
	[tilespmem:s30+$0x450] =	vst v17;
	v10 =	vmul.f32 $2.262741660e+01, v3  }
0x1f8: {  	[tilespmem:s30+$0x460] =	vst v18;
	v3 =	vmul.f32 $2.262741660e+01, v19;
	v14 =	vld [tilespmem:s30+$0xC10]  }
0x1f9: {  	s0 =	sadd.s32 $0x80, s0;
	v12 =	vmul.f32 $2.262741660e+01, v20;
	[tilespmem:s30+$0x470] =	vst v16;
	v16 =	vld [tilespmem:s30+$0xC30]  }
0x1fa: {  	[tilespmem:s30+$0x800] =	vst v7  }
0x1fb: {  	[tilespmem:s30+$0x810] =	vst v6  }
0x1fc: {  	[tilespmem:s30+$0x820] =	vst v4  }
0x1fd: {  	v6 =	vld [tilespmem:s30+$0xC60];
	[tilespmem:s30+$0x830] =	vst v8  }
0x1fe: {  	[tilespmem:s30+$0x840] =	vst v5  }
0x1ff: {  	v4 =	vld [tilespmem:s30+$0xC50];
	[tilespmem:s30+$0x850] =	vst v9  }
0x200: {  	[tilespmem:s30+$0x860] =	vst v10  }
0x201: {  	[tilespmem:s30+$0x870] =	vst v3;
	v7 =	vmul.f32 $2.262741660e+01, v13  }
0x202: {  	[tilespmem:s30+$0x40] =	vst v12;
	v5 =	vmul.f32 $2.262741660e+01, v6  }
0x203: {  	[tilespmem:s30+$0x50] =	vst v7;
	v6 =	vmul.f32 $2.262741660e+01, v15  }
0x204: {  	v4 =	vmul.f32 $2.262741660e+01, v4;
	[tilespmem:s30+$0xC60] =	vst v5  }
0x205: {  	[tilespmem:s30+$0x60] =	vst v6;
	v5 =	vmul.f32 $2.262741660e+01, v11  }
0x206: {  	[tilespmem:s30+$0xC50] =	vst v4;
	v4 =	vmul.f32 $2.262741660e+01, v14  }
0x207: {  	s0 =	sadd.s32 s29, s10;
	[tilespmem:s30+$0xC00] =	vst v5;
	v5 =	vmul.f32 $2.262741660e+01, v16  }
0x208: {  	s0 =	sshll.u32 s0, $0x6;
	[tilespmem:s30+$0xC10] =	vst v4  }
0x209: {  	s2 =	simm.s32 $0x0;
	s0 =	sadd.s32 s3, s0;
	[tilespmem:s30+$0xC30] =	vst v5  }
0x20a: {  	[hbm4b:s0+s2] =	stream.linear.scatter [tilespmem:s17], [sflag:$0x9], $0x4000, $0x38;
	[tilespmem:$0x1A400] =	vst v63  }
0x20b: {  	_ =	swait.ge [sflag:s19], $0x4000  }
0x20c: {  	s12 =	sand.u32 $0x3000, s2;
	s2 =	sand.u32 $0x380, s2;
	[sflag:s19] =	ssyncset.done $0x0  }
0x20d: {  	s0 =	sor.u32 s2, s12;
	[sflag:s19] =	ssyncadd.s32 $0xFFFFC000  }
0x20e: {  	s30 =	sadd.s32 $0x16400, s0;
	v3 =	vld [tilespmem:s0+$0x16400]  }
0x20f: {  	v4 =	vld [tilespmem:s30+$0x810]  }
0x210: {  	v5 =	vld [tilespmem:s30+$0x800]  }
0x211: {  	v6 =	vld [tilespmem:s30+$0x470]  }
0x212: {  	v7 =	vld [tilespmem:s30+$0x450]  }
0x213: {  	v8 =	vld [tilespmem:s30+$0x440]  }
0x214: {  	v9 =	vld [tilespmem:s30+$0x430]  }
0x215: {  	v10 =	vld [tilespmem:s30+$0x420]  }
0x216: {  	v11 =	vld [tilespmem:s30+$0x410]  }
0x217: {  	v12 =	vld [tilespmem:s30+$0xC70]  }
0x218: {  	v13 =	vld [tilespmem:s30+$0x400]  }
0x219: {  	v14 =	vld [tilespmem:s30+$0xC20]  }
0x21a: {  	v15 =	vld [tilespmem:s30+$0xC40];
	v3 =	vmul.f32 $2.262741660e+01, v3  }
0x21b: {  	v17 =	vld [tilespmem:s30+$0x460];
	v10 =	vmul.f32 $2.262741660e+01, v10  }
0x21c: {  	v18 =	vld [tilespmem:s30+$0x830];
	v11 =	vmul.f32 $2.262741660e+01, v11;
	[tilespmem:s0+$0x16400] =	vst v3  }
0x21d: {  	v13 =	vmul.f32 $2.262741660e+01, v13;
	v3 =	vld [tilespmem:s30+$0x70];
	[tilespmem:s30+$0x420] =	vst v10  }
0x21e: {  	v14 =	vmul.f32 $2.262741660e+01, v14;
	[tilespmem:s30+$0x410] =	vst v11;
	v16 =	vld [tilespmem:s30+$0x30]  }
0x21f: {  	v9 =	vmul.f32 $2.262741660e+01, v9;
	v10 =	vmul.f32 $2.262741660e+01, v12;
	[tilespmem:s30+$0x400] =	vst v13;
	v12 =	vld [tilespmem:s30+$0x20]  }
0x220: {  	v8 =	vmul.f32 $2.262741660e+01, v8;
	[tilespmem:s30+$0xC20] =	vst v14;
	v11 =	vld [tilespmem:s30+$0x10]  }
0x221: {  	v20 =	vld [tilespmem:s30+$0x40];
	[tilespmem:s30+$0x430] =	vst v9  }
0x222: {  	v14 =	vld [tilespmem:s30+$0x840];
	[tilespmem:s30+$0x440] =	vst v8;
	v3 =	vmul.f32 $2.262741660e+01, v3  }
0x223: {  	[tilespmem:s30+$0xC70] =	vst v10;
	v10 =	vld [tilespmem:s30+$0x820];
	v13 =	vmul.f32 $2.262741660e+01, v16  }
0x224: {  	v12 =	vmul.f32 $2.262741660e+01, v12;
	v16 =	vld [tilespmem:s30+$0x860];
	[tilespmem:s30+$0x70] =	vst v3  }
0x225: {  	v19 =	vmul.f32 $2.262741660e+01, v7;
	v11 =	vmul.f32 $2.262741660e+01, v11;
	v3 =	vld [tilespmem:s30+$0x850];
	[tilespmem:s30+$0x30] =	vst v13  }
0x226: {  	v17 =	vmul.f32 $2.262741660e+01, v17;
	v13 =	vmul.f32 $2.262741660e+01, v15;
	[tilespmem:s30+$0x20] =	vst v12;
	v12 =	vld [tilespmem:s30+$0x870]  }
0x227: {  	v21 =	vmul.f32 $2.262741660e+01, v6;
	v7 =	vmul.f32 $2.262741660e+01, v5;
	[tilespmem:s30+$0x10] =	vst v11;
	v11 =	vld [tilespmem:s30+$0xC00]  }
0x228: {  	v6 =	vmul.f32 $2.262741660e+01, v4;
	v8 =	vmul.f32 $2.262741660e+01, v18;
	[tilespmem:s30+$0xC40] =	vst v13;
	v13 =	vld [tilespmem:s30+$0x50]  }
0x229: {  	[tilespmem:s30+$0x450] =	vst v19;
	v5 =	vmul.f32 $2.262741660e+01, v14;
	v4 =	vmul.f32 $2.262741660e+01, v10;
	v15 =	vld [tilespmem:s30+$0x60]  }
0x22a: {  	[tilespmem:s30+$0x460] =	vst v17;
	v14 =	vld [tilespmem:s30+$0xC10];
	v10 =	vmul.f32 $2.262741660e+01, v16;
	v9 =	vmul.f32 $2.262741660e+01, v3  }
0x22b: {  	s2 =	simm.s32 $0x200;
	[tilespmem:s30+$0x470] =	vst v21;
	s0 =	simm.s32 $0x80;
	v16 =	vld [tilespmem:s30+$0xC30];
	v3 =	vmul.f32 $2.262741660e+01, v12;
	v12 =	vmul.f32 $2.262741660e+01, v20  }
.LBB2_11:
0x22c: {  	s6 =	sand.u32 $0x3000, s2;
	s12 =	sand.u32 $0x380, s0;
	[tilespmem:s30+$0x800] =	vst v7;
	v7 =	vmul.f32 $2.262741660e+01, v11;
	v11 =	vld [tilespmem:s30+$0xC50]  }
0x22d: {  	p0 =	sne.s32 s2, $0x3E00;
	s2 =	sadd.s32 $0x200, s2;
	s6 =	sor.u32 s12, s6;
	v13 =	vmul.f32 $2.262741660e+01, v13;
	[tilespmem:s30+$0x810] =	vst v6;
	v6 =	vld [tilespmem:s30+$0xC60]  }
0x22e: {  	s12 =	sadd.s32 $0x16400, s6;
	v17 =	vld [tilespmem:s6+$0x16400];
	v15 =	vmul.f32 $2.262741660e+01, v15;
	[tilespmem:s30+$0x820] =	vst v4  }
0x22f: {  	v4 =	vld [tilespmem:s12+$0x810];
	[tilespmem:s30+$0x830] =	vst v8;
	v8 =	vmul.f32 $2.262741660e+01, v14  }
0x230: {  	v14 =	vld [tilespmem:s12+$0x800];
	[tilespmem:s30+$0x840] =	vst v5;
	v5 =	vmul.f32 $2.262741660e+01, v16  }
0x231: {  	v16 =	vld [tilespmem:s12+$0x470];
	[tilespmem:s30+$0x850] =	vst v9;
	v9 =	vmul.f32 $2.262741660e+01, v11  }
0x232: {  	v11 =	vld [tilespmem:s12+$0x460];
	[tilespmem:s30+$0x860] =	vst v10;
	v6 =	vmul.f32 $2.262741660e+01, v6  }
0x233: {  	v10 =	vmul.f32 $2.262741660e+01, v17;
	v17 =	vld [tilespmem:s12+$0x450];
	[tilespmem:s30+$0x40] =	vst v12  }
0x234: {  	v12 =	vld [tilespmem:s12+$0x440];
	[tilespmem:s30+$0xC60] =	vst v6  }
0x235: {  	v6 =	vld [tilespmem:s12+$0x430];
	[tilespmem:s30+$0x60] =	vst v15  }
0x236: {  	v15 =	vld [tilespmem:s12+$0x420];
	[tilespmem:s30+$0x50] =	vst v13  }
0x237: {  	v13 =	vld [tilespmem:s12+$0x410];
	[tilespmem:s30+$0xC50] =	vst v9  }
0x238: {  	v9 =	vld [tilespmem:s12+$0xC70];
	[tilespmem:s30+$0xC00] =	vst v7  }
0x239: {  	v7 =	vld [tilespmem:s12+$0x400];
	[tilespmem:s30+$0x870] =	vst v3  }
0x23a: {  	v3 =	vld [tilespmem:s12+$0xC20];
	[tilespmem:s30+$0xC10] =	vst v8  }
0x23b: {  	v8 =	vmul.f32 $2.262741660e+01, v15;
	v15 =	vld [tilespmem:s12+$0xC40];
	[tilespmem:s30+$0xC30] =	vst v5;
	s30 =	smov.u32 s12  }
0x23c: {  	[tilespmem:s6+$0x16400] =	vst v10;
	v5 =	vld [tilespmem:s30+$0x70];
	v10 =	vmul.f32 $2.262741660e+01, v13  }
0x23d: {  	v13 =	vld [tilespmem:s30+$0x30];
	[tilespmem:s30+$0x420] =	vst v8;
	v8 =	vmul.f32 $2.262741660e+01, v9  }
0x23e: {  	v9 =	vld [tilespmem:s30+$0x20];
	v7 =	vmul.f32 $2.262741660e+01, v7;
	[tilespmem:s30+$0x410] =	vst v10;
	v10 =	vmul.f32 $2.262741660e+01, v6  }
0x23f: {  	v12 =	vmul.f32 $2.262741660e+01, v12;
	v6 =	vld [tilespmem:s30+$0x10];
	v3 =	vmul.f32 $2.262741660e+01, v3;
	[tilespmem:s30+$0xC70] =	vst v8  }
0x240: {  	v17 =	vmul.f32 $2.262741660e+01, v17;
	[tilespmem:s30+$0x400] =	vst v7;
	v8 =	vld [tilespmem:s30+$0x820];
	v7 =	vmul.f32 $2.262741660e+01, v15  }
0x241: {  	v18 =	vmul.f32 $2.262741660e+01, v11;
	v5 =	vmul.f32 $2.262741660e+01, v5;
	v11 =	vld [tilespmem:s30+$0x830];
	[tilespmem:s30+$0xC20] =	vst v3  }
0x242: {  	v16 =	vmul.f32 $2.262741660e+01, v16;
	v3 =	vmul.f32 $2.262741660e+01, v13;
	v13 =	vld [tilespmem:s30+$0x840];
	[tilespmem:s30+$0xC40] =	vst v7  }
0x243: {  	v7 =	vmul.f32 $2.262741660e+01, v14;
	v9 =	vmul.f32 $2.262741660e+01, v9;
	[tilespmem:s30+$0x70] =	vst v5;
	v14 =	vld [tilespmem:s30+$0x850]  }
0x244: {  	v5 =	vmul.f32 $2.262741660e+01, v6;
	[tilespmem:s30+$0x30] =	vst v3;
	v6 =	vmul.f32 $2.262741660e+01, v4;
	v3 =	vld [tilespmem:s30+$0x860]  }
0x245: {  	[tilespmem:s30+$0x20] =	vst v9;
	v4 =	vmul.f32 $2.262741660e+01, v8;
	v19 =	vld [tilespmem:s30+$0x870]  }
0x246: {  	[tilespmem:s30+$0x10] =	vst v5;
	v20 =	vld [tilespmem:s30+$0x40];
	v8 =	vmul.f32 $2.262741660e+01, v11  }
.Ltmp6:
0x247: {  	[tilespmem:s30+$0x430] =	vst v10;
	v5 =	vmul.f32 $2.262741660e+01, v13;
	v11 =	vld [tilespmem:s30+$0xC00];
	(pc) =	sbr.rel @p0 .LBB2_11-.Ltmp6, $4  }
0x248: {  	v13 =	vld [tilespmem:s30+$0x50];
	[tilespmem:s30+$0x440] =	vst v12;
	v9 =	vmul.f32 $2.262741660e+01, v14  }
0x249: {  	v15 =	vld [tilespmem:s30+$0x60];
	[tilespmem:s30+$0x450] =	vst v17;
	v10 =	vmul.f32 $2.262741660e+01, v3  }
0x24a: {  	[tilespmem:s30+$0x460] =	vst v18;
	v3 =	vmul.f32 $2.262741660e+01, v19;
	v14 =	vld [tilespmem:s30+$0xC10]  }
0x24b: {  	s0 =	sadd.s32 $0x80, s0;
	v12 =	vmul.f32 $2.262741660e+01, v20;
	[tilespmem:s30+$0x470] =	vst v16;
	v16 =	vld [tilespmem:s30+$0xC30]  }
0x24c: {  	[tilespmem:s30+$0x800] =	vst v7  }
0x24d: {  	[tilespmem:s30+$0x810] =	vst v6  }
0x24e: {  	[tilespmem:s30+$0x820] =	vst v4  }
0x24f: {  	[tilespmem:s30+$0x830] =	vst v8  }
0x250: {  	[tilespmem:s30+$0x840] =	vst v5  }
0x251: {  	[tilespmem:s30+$0x850] =	vst v9  }
0x252: {  	[tilespmem:s30+$0x860] =	vst v10  }
0x253: {  	v56 =	vld [tilespmem:s30+$0xC60];
	v61 =	vmul.f32 $2.262741660e+01, v11;
	[tilespmem:s30+$0x870] =	vst v3  }
0x254: {  	v57 =	vld [tilespmem:s30+$0xC50];
	[tilespmem:s30+$0x40] =	vst v12;
	v60 =	vmul.f32 $2.262741660e+01, v13  }
0x255: {  	v59 =	vmul.f32 $2.262741660e+01, v15;
	[tilespmem:s30+$0xC00] =	vst v61  }
0x256: {  	[tilespmem:s30+$0x50] =	vst v60;
	v62 =	vmul.f32 $2.262741660e+01, v14  }
0x257: {  	[tilespmem:s30+$0x60] =	vst v59;
	v63 =	vmul.f32 $2.262741660e+01, v16  }
0x258: {  	v58 =	vmul.f32 $2.262741660e+01, v56;
	[tilespmem:s30+$0xC10] =	vst v62  }
0x259: {  	s0 =	sadd.s32 s29, s11;
	v4 =	vmul.f32 $2.262741660e+01, v57;
	[tilespmem:s30+$0xC30] =	vst v63  }
0x25a: {  	p0 =	seq.s32 s28, $0x9F;
	s0 =	sshll.u32 s0, $0x6;
	[tilespmem:s30+$0xC60] =	vst v58  }
.Ltmp7:
0x25b: {  	s0 =	sadd.s32 s3, s0;
	[tilespmem:s30+$0xC50] =	vst v4;
	(pc) =	sbr.rel @p0 .LBB2_14-.Ltmp7, $4  }
0x25c: {  	[hbm4b:s0+s5] =	stream.linear.scatter [tilespmem:s26], [sflag:$0xA], $0x4000, $0x38;
	[tilespmem:$0x1A400] =	vst v63  }
0x25d: {  	_ =	swait.ge [sflag:s20], $0x4000  }
0x25e: {  	[sflag:s20] =	ssyncset.done $0x0  }
0x25f: {  	[sflag:s20] =	ssyncadd.s32 $0xFFFFC000  }
0x260: {  	s0 =	smul.u32 $0x280, s28;
	_ =	sdelay $0x1  }
0x261: {  	s0 =	sshra.s32 s0, $0x2  }
0x262: {  	v3 =	vld [tilespmem:s0+$0xA0];
	_ =	sdelay $0x4  }
0x263: {  	v4 =	vshll.u32 v3, $0x2  }
0x264: {  	v3 =	vand.u32 $0x7, v3;
	v4 =	vand.u32 $0xFFFFFFE0, v4  }
0x265: {  	v3 =	vor.u32 v3, v4  }
0x266: {  	v4 =	vperm.xlane v3, v0;
	_ =	sdelay $0x1  }
0x267: {  	v4 =	vadd.s32 v1, v4;
	_ =	sdelay $0x1  }
0x268: {  	v3 =	vperm.xlane v3, v2;
	_ =	sdelay $0x1  }
0x269: {  	v3 =	vadd.s32 v1, v3  }
0x26a: {  	[tilespmem:s14], [sflag:$0x1] =	stream.indirect_vreg.gather [hbm4b:s1+s5], $0x80, v4, vm0, $0xb8;
	[tilespmem:$0x1A400] =	vst v63  }
0x26b: {  	s2 =	simm.s32 $0x6C00  }
0x26c: {  	[tilespmem:s2], [sflag:$0x1] =	stream.indirect_vreg.gather [hbm4b:s7+s5], $0x80, v4, vm0, $0xb8;
	[tilespmem:$0x1A400] =	vst v63  }
0x26d: {  	s29 =	simm.s32 $0x7400  }
0x26e: {  	[tilespmem:s29], [sflag:$0x1] =	stream.indirect_vreg.gather [hbm4b:s1+s5], $0x80, v3, vm0, $0xb8;
	[tilespmem:$0x1A400] =	vst v63  }
0x26f: {  	s30 =	simm.s32 $0x7C00  }
0x270: {  	[tilespmem:s30], [sflag:$0x1] =	stream.indirect_vreg.gather [hbm4b:s7+s5], $0x80, v3, vm0, $0xb8;
	[tilespmem:$0x1A400] =	vst v63  }
0x271: {  	v3 =	vld [tilespmem:s0+$0xB0];
	_ =	sdelay $0x4  }
0x272: {  	v55 =	vshll.u32 v3, $0x2  }
0x273: {  	v3 =	vand.u32 $0x7, v3;
	v4 =	vand.u32 $0xFFFFFFE0, v55  }
0x274: {  	v3 =	vor.u32 v3, v4  }
0x275: {  	v4 =	vperm.xlane v3, v0;
	_ =	sdelay $0x1  }
0x276: {  	v4 =	vadd.s32 v1, v4;
	_ =	sdelay $0x1  }
0x277: {  	v3 =	vperm.xlane v3, v2;
	_ =	sdelay $0x1  }
0x278: {  	s6 =	simm.s32 $0x8400;
	v3 =	vadd.s32 v1, v3  }
0x279: {  	[tilespmem:s6], [sflag:$0x1] =	stream.indirect_vreg.gather [hbm4b:s1+s5], $0x80, v4, vm0, $0xb8;
	[tilespmem:$0x1A400] =	vst v63  }
0x27a: {  	s12 =	simm.s32 $0x8C00  }
0x27b: {  	[tilespmem:s12], [sflag:$0x1] =	stream.indirect_vreg.gather [hbm4b:s7+s5], $0x80, v4, vm0, $0xb8;
	[tilespmem:$0x1A400] =	vst v63  }
0x27c: {  	s29 =	simm.s32 $0x9400  }
0x27d: {  	[tilespmem:s29], [sflag:$0x1] =	stream.indirect_vreg.gather [hbm4b:s1+s5], $0x80, v3, vm0, $0xb8;
	[tilespmem:$0x1A400] =	vst v63  }
0x27e: {  	s30 =	simm.s32 $0x9C00  }
0x27f: {  	[tilespmem:s30], [sflag:$0x1] =	stream.indirect_vreg.gather [hbm4b:s7+s5], $0x80, v3, vm0, $0xb8;
	[tilespmem:$0x1A400] =	vst v63  }
0x280: {  	_ =	swait.ge [sflag:s21], $0x4000  }
0x281: {  	[sflag:s21] =	ssyncset.done $0x0  }
0x282: {  	[sflag:s21] =	ssyncadd.s32 $0xFFFFC000  }
0x283: {  	v3 =	vld [tilespmem:s0+$0xC0];
	_ =	sdelay $0x4  }
0x284: {  	v56 =	vshll.u32 v3, $0x2  }
0x285: {  	v3 =	vand.u32 $0x7, v3;
	v4 =	vand.u32 $0xFFFFFFE0, v56  }
0x286: {  	v3 =	vor.u32 v3, v4  }
0x287: {  	v4 =	vperm.xlane v3, v0;
	_ =	sdelay $0x1  }
0x288: {  	v4 =	vadd.s32 v1, v4;
	_ =	sdelay $0x1  }
0x289: {  	v3 =	vperm.xlane v3, v2;
	_ =	sdelay $0x1  }
0x28a: {  	v3 =	vadd.s32 v1, v3  }
0x28b: {  	[tilespmem:s22], [sflag:$0x2] =	stream.indirect_vreg.gather [hbm4b:s1+s5], $0x80, v4, vm0, $0xb8;
	[tilespmem:$0x1A400] =	vst v63  }
0x28c: {  	s6 =	simm.s32 $0xAC00  }
0x28d: {  	[tilespmem:s6], [sflag:$0x2] =	stream.indirect_vreg.gather [hbm4b:s7+s5], $0x80, v4, vm0, $0xb8;
	[tilespmem:$0x1A400] =	vst v63  }
0x28e: {  	s12 =	simm.s32 $0xB400  }
0x28f: {  	[tilespmem:s12], [sflag:$0x2] =	stream.indirect_vreg.gather [hbm4b:s1+s5], $0x80, v3, vm0, $0xb8;
	[tilespmem:$0x1A400] =	vst v63  }
0x290: {  	s29 =	simm.s32 $0xBC00  }
0x291: {  	[tilespmem:s29], [sflag:$0x2] =	stream.indirect_vreg.gather [hbm4b:s7+s5], $0x80, v3, vm0, $0xb8;
	[tilespmem:$0x1A400] =	vst v63  }
0x292: {  	v3 =	vld [tilespmem:s0+$0xD0];
	_ =	sdelay $0x4  }
0x293: {  	v57 =	vshll.u32 v3, $0x2  }
0x294: {  	v3 =	vand.u32 $0x7, v3;
	v4 =	vand.u32 $0xFFFFFFE0, v57  }
0x295: {  	v3 =	vor.u32 v3, v4  }
0x296: {  	v4 =	vperm.xlane v3, v0;
	_ =	sdelay $0x1  }
0x297: {  	v4 =	vadd.s32 v1, v4;
	_ =	sdelay $0x1  }
0x298: {  	v3 =	vperm.xlane v3, v2;
	_ =	sdelay $0x1  }
0x299: {  	s30 =	simm.s32 $0xC400;
	v3 =	vadd.s32 v1, v3  }
0x29a: {  	[tilespmem:s30], [sflag:$0x2] =	stream.indirect_vreg.gather [hbm4b:s1+s5], $0x80, v4, vm0, $0xb8;
	[tilespmem:$0x1A400] =	vst v63  }
0x29b: {  	s6 =	simm.s32 $0xCC00  }
0x29c: {  	[tilespmem:s6], [sflag:$0x2] =	stream.indirect_vreg.gather [hbm4b:s7+s5], $0x80, v4, vm0, $0xb8;
	[tilespmem:$0x1A400] =	vst v63  }
0x29d: {  	s12 =	simm.s32 $0xD400  }
0x29e: {  	[tilespmem:s12], [sflag:$0x2] =	stream.indirect_vreg.gather [hbm4b:s1+s5], $0x80, v3, vm0, $0xb8;
	[tilespmem:$0x1A400] =	vst v63  }
0x29f: {  	s29 =	simm.s32 $0xDC00  }
0x2a0: {  	[tilespmem:s29], [sflag:$0x2] =	stream.indirect_vreg.gather [hbm4b:s7+s5], $0x80, v3, vm0, $0xb8;
	[tilespmem:$0x1A400] =	vst v63  }
0x2a1: {  	_ =	swait.ge [sflag:s23], $0x4000  }
0x2a2: {  	[sflag:s23] =	ssyncset.done $0x0  }
0x2a3: {  	[sflag:s23] =	ssyncadd.s32 $0xFFFFC000  }
0x2a4: {  	v3 =	vld [tilespmem:s0+$0xE0];
	_ =	sdelay $0x4  }
0x2a5: {  	v58 =	vshll.u32 v3, $0x2  }
0x2a6: {  	v3 =	vand.u32 $0x7, v3;
	v4 =	vand.u32 $0xFFFFFFE0, v58  }
0x2a7: {  	v3 =	vor.u32 v3, v4  }
0x2a8: {  	v4 =	vperm.xlane v3, v0;
	_ =	sdelay $0x1  }
0x2a9: {  	v4 =	vadd.s32 v1, v4;
	_ =	sdelay $0x1  }
0x2aa: {  	v3 =	vperm.xlane v3, v2;
	_ =	sdelay $0x1  }
0x2ab: {  	v3 =	vadd.s32 v1, v3  }
0x2ac: {  	[tilespmem:s31], [sflag:$0x3] =	stream.indirect_vreg.gather [hbm4b:s1+s5], $0x80, v4, vm0, $0xb8;
	[tilespmem:$0x1A400] =	vst v63  }
0x2ad: {  	s30 =	simm.s32 $0xEC00  }
0x2ae: {  	[tilespmem:s30], [sflag:$0x3] =	stream.indirect_vreg.gather [hbm4b:s7+s5], $0x80, v4, vm0, $0xb8;
	[tilespmem:$0x1A400] =	vst v63  }
0x2af: {  	s6 =	simm.s32 $0xF400  }
0x2b0: {  	[tilespmem:s6], [sflag:$0x3] =	stream.indirect_vreg.gather [hbm4b:s1+s5], $0x80, v3, vm0, $0xb8;
	[tilespmem:$0x1A400] =	vst v63  }
0x2b1: {  	s12 =	simm.s32 $0xFC00  }
0x2b2: {  	[tilespmem:s12], [sflag:$0x3] =	stream.indirect_vreg.gather [hbm4b:s7+s5], $0x80, v3, vm0, $0xb8;
	[tilespmem:$0x1A400] =	vst v63  }
0x2b3: {  	v3 =	vld [tilespmem:s0+$0xF0];
	_ =	sdelay $0x4  }
0x2b4: {  	v59 =	vshll.u32 v3, $0x2  }
0x2b5: {  	v3 =	vand.u32 $0x7, v3;
	v4 =	vand.u32 $0xFFFFFFE0, v59  }
0x2b6: {  	v3 =	vor.u32 v3, v4  }
0x2b7: {  	v4 =	vperm.xlane v3, v0;
	_ =	sdelay $0x1  }
0x2b8: {  	v4 =	vadd.s32 v1, v4;
	_ =	sdelay $0x1  }
0x2b9: {  	v3 =	vperm.xlane v3, v2;
	_ =	sdelay $0x1  }
0x2ba: {  	s29 =	simm.s32 $0x10400;
	v3 =	vadd.s32 v1, v3  }
0x2bb: {  	[tilespmem:s29], [sflag:$0x3] =	stream.indirect_vreg.gather [hbm4b:s1+s5], $0x80, v4, vm0, $0xb8;
	[tilespmem:$0x1A400] =	vst v63  }
0x2bc: {  	s30 =	simm.s32 $0x10C00  }
0x2bd: {  	[tilespmem:s30], [sflag:$0x3] =	stream.indirect_vreg.gather [hbm4b:s7+s5], $0x80, v4, vm0, $0xb8;
	[tilespmem:$0x1A400] =	vst v63  }
0x2be: {  	s6 =	simm.s32 $0x11400  }
0x2bf: {  	[tilespmem:s6], [sflag:$0x3] =	stream.indirect_vreg.gather [hbm4b:s1+s5], $0x80, v3, vm0, $0xb8;
	[tilespmem:$0x1A400] =	vst v63  }
0x2c0: {  	s12 =	simm.s32 $0x11C00  }
0x2c1: {  	[tilespmem:s12], [sflag:$0x3] =	stream.indirect_vreg.gather [hbm4b:s7+s5], $0x80, v3, vm0, $0xb8;
	[tilespmem:$0x1A400] =	vst v63  }
0x2c2: {  	_ =	swait.ge [sflag:s24], $0x4000  }
0x2c3: {  	[sflag:s24] =	ssyncset.done $0x0  }
0x2c4: {  	[sflag:s24] =	ssyncadd.s32 $0xFFFFC000  }
0x2c5: {  	v3 =	vld [tilespmem:s0+$0x100];
	_ =	sdelay $0x4  }
0x2c6: {  	v60 =	vshll.u32 v3, $0x2  }
0x2c7: {  	v3 =	vand.u32 $0x7, v3;
	v4 =	vand.u32 $0xFFFFFFE0, v60  }
0x2c8: {  	v3 =	vor.u32 v3, v4  }
0x2c9: {  	v4 =	vperm.xlane v3, v0;
	_ =	sdelay $0x1  }
0x2ca: {  	v4 =	vadd.s32 v1, v4;
	_ =	sdelay $0x1  }
0x2cb: {  	v3 =	vperm.xlane v3, v2;
	_ =	sdelay $0x1  }
0x2cc: {  	v3 =	vadd.s32 v1, v3  }
0x2cd: {  	[tilespmem:s17], [sflag:$0x4] =	stream.indirect_vreg.gather [hbm4b:s1+s5], $0x80, v4, vm0, $0xb8;
	[tilespmem:$0x1A400] =	vst v63  }
0x2ce: {  	s29 =	simm.s32 $0x12C00  }
0x2cf: {  	[tilespmem:s29], [sflag:$0x4] =	stream.indirect_vreg.gather [hbm4b:s7+s5], $0x80, v4, vm0, $0xb8;
	[tilespmem:$0x1A400] =	vst v63  }
0x2d0: {  	s30 =	simm.s32 $0x13400  }
0x2d1: {  	[tilespmem:s30], [sflag:$0x4] =	stream.indirect_vreg.gather [hbm4b:s1+s5], $0x80, v3, vm0, $0xb8;
	[tilespmem:$0x1A400] =	vst v63  }
0x2d2: {  	s6 =	simm.s32 $0x13C00  }
0x2d3: {  	[tilespmem:s6], [sflag:$0x4] =	stream.indirect_vreg.gather [hbm4b:s7+s5], $0x80, v3, vm0, $0xb8;
	[tilespmem:$0x1A400] =	vst v63  }
0x2d4: {  	v3 =	vld [tilespmem:s0+$0x110];
	_ =	sdelay $0x4  }
0x2d5: {  	v61 =	vshll.u32 v3, $0x2  }
0x2d6: {  	v3 =	vand.u32 $0x7, v3;
	v4 =	vand.u32 $0xFFFFFFE0, v61  }
0x2d7: {  	v3 =	vor.u32 v3, v4  }
0x2d8: {  	v4 =	vperm.xlane v3, v0;
	_ =	sdelay $0x1  }
0x2d9: {  	v4 =	vadd.s32 v1, v4;
	_ =	sdelay $0x1  }
0x2da: {  	v3 =	vperm.xlane v3, v2;
	_ =	sdelay $0x1  }
0x2db: {  	s12 =	simm.s32 $0x14400;
	v3 =	vadd.s32 v1, v3  }
0x2dc: {  	[tilespmem:s12], [sflag:$0x4] =	stream.indirect_vreg.gather [hbm4b:s1+s5], $0x80, v4, vm0, $0xb8;
	[tilespmem:$0x1A400] =	vst v63  }
0x2dd: {  	s29 =	simm.s32 $0x14C00  }
0x2de: {  	[tilespmem:s29], [sflag:$0x4] =	stream.indirect_vreg.gather [hbm4b:s7+s5], $0x80, v4, vm0, $0xb8;
	[tilespmem:$0x1A400] =	vst v63  }
0x2df: {  	s30 =	simm.s32 $0x15400  }
0x2e0: {  	[tilespmem:s30], [sflag:$0x4] =	stream.indirect_vreg.gather [hbm4b:s1+s5], $0x80, v3, vm0, $0xb8;
	[tilespmem:$0x1A400] =	vst v63  }
0x2e1: {  	s6 =	simm.s32 $0x15C00  }
0x2e2: {  	[tilespmem:s6], [sflag:$0x4] =	stream.indirect_vreg.gather [hbm4b:s7+s5], $0x80, v3, vm0, $0xb8;
	[tilespmem:$0x1A400] =	vst v63  }
0x2e3: {  	_ =	swait.ge [sflag:s25], $0x4000  }
0x2e4: {  	[sflag:s25] =	ssyncset.done $0x0  }
0x2e5: {  	[sflag:s25] =	ssyncadd.s32 $0xFFFFC000  }
0x2e6: {  	v3 =	vld [tilespmem:s0+$0x120];
	_ =	sdelay $0x4  }
0x2e7: {  	v62 =	vshll.u32 v3, $0x2  }
0x2e8: {  	v3 =	vand.u32 $0x7, v3;
	v4 =	vand.u32 $0xFFFFFFE0, v62  }
0x2e9: {  	v3 =	vor.u32 v3, v4  }
0x2ea: {  	v4 =	vperm.xlane v3, v0;
	_ =	sdelay $0x1  }
0x2eb: {  	v4 =	vadd.s32 v1, v4;
	_ =	sdelay $0x1  }
0x2ec: {  	v3 =	vperm.xlane v3, v2;
	_ =	sdelay $0x1  }
0x2ed: {  	v3 =	vadd.s32 v1, v3  }
0x2ee: {  	[tilespmem:s26], [sflag:$0x5] =	stream.indirect_vreg.gather [hbm4b:s1+s5], $0x80, v4, vm0, $0xb8;
	[tilespmem:$0x1A400] =	vst v63  }
0x2ef: {  	s12 =	simm.s32 $0x16C00  }
0x2f0: {  	[tilespmem:s12], [sflag:$0x5] =	stream.indirect_vreg.gather [hbm4b:s7+s5], $0x80, v4, vm0, $0xb8;
	[tilespmem:$0x1A400] =	vst v63  }
0x2f1: {  	s29 =	simm.s32 $0x17400  }
0x2f2: {  	[tilespmem:s29], [sflag:$0x5] =	stream.indirect_vreg.gather [hbm4b:s1+s5], $0x80, v3, vm0, $0xb8;
	[tilespmem:$0x1A400] =	vst v63  }
0x2f3: {  	s30 =	simm.s32 $0x17C00  }
0x2f4: {  	[tilespmem:s30], [sflag:$0x5] =	stream.indirect_vreg.gather [hbm4b:s7+s5], $0x80, v3, vm0, $0xb8;
	[tilespmem:$0x1A400] =	vst v63  }
0x2f5: {  	v3 =	vld [tilespmem:s0+$0x130];
	_ =	sdelay $0x4  }
0x2f6: {  	v63 =	vshll.u32 v3, $0x2  }
0x2f7: {  	v3 =	vand.u32 $0x7, v3;
	v4 =	vand.u32 $0xFFFFFFE0, v63  }
0x2f8: {  	v3 =	vor.u32 v3, v4  }
0x2f9: {  	v4 =	vperm.xlane v3, v0;
	_ =	sdelay $0x1  }
0x2fa: {  	v4 =	vadd.s32 v1, v4;
	_ =	sdelay $0x2  }
0x2fb: {  	v3 =	vperm.xlane v3, v2  }
0x2fc: {  	s6 =	simm.s32 $0x18400  }
0x2fd: {  	v3 =	vadd.s32 v1, v3;
	[tilespmem:s6], [sflag:$0x5] =	stream.indirect_vreg.gather [hbm4b:s1+s5], $0x80, v4, vm0, $0xb8;
	[tilespmem:$0x1A400] =	vst v63  }
0x2fe: {  	s12 =	simm.s32 $0x18C00  }
0x2ff: {  	[tilespmem:s12], [sflag:$0x5] =	stream.indirect_vreg.gather [hbm4b:s7+s5], $0x80, v4, vm0, $0xb8;
	[tilespmem:$0x1A400] =	vst v63  }
.Ltmp8:
0x300: {  	_ = 	snop;
	(pc) =	sbr.rel .LBB2_2-.Ltmp8, $4  }
0x301: {  	s29 =	simm.s32 $0x19400  }
0x302: {  	[tilespmem:s29], [sflag:$0x5] =	stream.indirect_vreg.gather [hbm4b:s1+s5], $0x80, v3, vm0, $0xb8;
	[tilespmem:$0x1A400] =	vst v63  }
0x303: {  	s28 =	sadd.s32 $0x1, s28;
	s30 =	simm.s32 $0x19C00  }
0x304: {  	[tilespmem:s30], [sflag:$0x5] =	stream.indirect_vreg.gather [hbm4b:s7+s5], $0x80, v3, vm0, $0xb8;
	[tilespmem:$0x1A400] =	vst v63  }
.LBB2_15:
0x305: {  	_ =	sfence.sel $0x180000  }
0x306: {  	[bflag:$0x0] =	sbarrier.arrive $0xFFFF  }
0x307: {  	_ =	strace $0x90000047  }
0x308: {  	s0 =	stileid.u32;
	[bflag:$0x2] =	sbarrier.arrive $0xFFFF  }
0x309: {  	p0 =	sne.s32 s0, $0x0;
	s0 =	rddreg [dreg:$0x3]  }
0x30a: {  	s0 =	sadd.s32 @!p0 $0x100000, s0  }
0x30b: {  	[sflag:s0] =	ssyncadd.tile.s32 @!p0 $0x1;
	_ =	shalt  }
.Lfunc_end2:
_tile_overlayer_lowered:
.L_overlay_start_2:
0x30c: {  	(tag) =	ssettag $0x2  }
0x30d: {  	s0 =	rddreg [dreg:$0x0];
	s2 =	stileid.u32  }
0x30e: {  	s1 =	rddreg [dreg:$0x1];
	p0 =	sne.s32 s2, $0x0  }
0x30f: {  	s3 =	rddreg [dreg:$0x2];
	[bflag:$0x3] =	sbarrier.arrive $0xFFFF;
	s2 =	simm.s32 @!p0 $0x1C0B  }
0x310: {  	[timem:s3], [sflag:s2] =	dma.local @!p0 [hbm:s0], s1  }
0x311: {  	s0 =	simm.s32 @!p0 $0xB  }
0x312: {  	_ =	swait.ge @!p0 [sflag:s0], s1  }
0x313: {  	s1 =	ssub.s32 @!p0 $0x0, s1;
	[sflag:s0] =	ssyncset.done @!p0 $0x0  }
0x314: {  	[sflag:s0] =	ssyncadd.s32 @!p0 s1  }
0x315: {  	[bflag:$0x3] =	sbarrier.arrive $0xFFFF  }
0x316: {  	_ =	shalt  }

</sc_bundles>
